<compile_context>
chip_gen: v7x
topology: tpu7x:2x2x1
jax: 0.10.2.dev20260603
libtpu: 0.0.44.dev20260713+nightly
codegen_flags: <defaults>
</compile_context>

<pallas_src>
import functools

import jax
import jax.numpy as jnp
from jax import lax
from jax.experimental import pallas as pl
from jax.experimental.pallas import tpu as pltpu
from jax.experimental.pallas import tpu_sc as plsc

_THRESH = 0.055
_N = 500
_E = 128
_S = 16


def _one_sample(f, ft, w0t, w0b, w2t, w2b):
    xc = f[:, 0:1]
    yc = f[:, 1:2]
    xr = ft[0:1, :]
    yr = ft[1:2, :]
    dx = xc - xr
    dy = yc - yr
    dist2 = dx * dx + dy * dy
    A = (dist2 <= _THRESH * _THRESH).astype(jnp.float32)
    Ab = A.astype(jnp.bfloat16)

    fv0 = jnp.maximum(
        jnp.dot(f, w0t, preferred_element_type=jnp.float32) + w0b, 0.0)
    fh = fv0.astype(jnp.bfloat16)
    fl = (fv0 - fh.astype(jnp.float32)).astype(jnp.bfloat16)
    zcols = jnp.zeros((_N, 12), jnp.bfloat16)
    AF = jnp.concatenate([Ab, zcols, fh, fl], axis=1)
    R = jnp.dot(Ab, AF, preferred_element_type=jnp.float32)
    C = R[:, :_N]
    fv1 = R[:, 512:512 + _E] + R[:, 512 + _E:512 + 2 * _E]
    B2 = (C > 0).astype(jnp.float32)
    D = jnp.dot(B2.astype(jnp.bfloat16), Ab, preferred_element_type=jnp.float32)
    M = B2 * D

    g = jnp.dot(fv1, w2t, preferred_element_type=jnp.float32)
    Fv2 = jnp.maximum(
        jnp.dot(M, g, preferred_element_type=jnp.float32) + w2b, 0.0)
    return Fv2


def _ccn2_body(feat_ref, featT_ref, w0t_ref, w0b_ref, w2t_ref, w2b_ref,
               out_ref, mean_ref):
    for s in range(_S):
        Fv2 = _one_sample(feat_ref[s], featT_ref[s], w0t_ref[...],
                          w0b_ref[...], w2t_ref[...], w2b_ref[...])
        out_ref[s] = Fv2
        mean_ref[s, 0] = jnp.mean(Fv2, axis=0)


def _sc_mean(Fv2):
    B = Fv2.shape[0]
    per_w = B // 32

    mesh = plsc.VectorSubcoreMesh(core_axis_name="c", subcore_axis_name="s")

    @functools.partial(
        pl.kernel, mesh=mesh,
        out_type=jax.ShapeDtypeStruct((B, _E), jnp.float32),
        scratch_types=[
            pltpu.VMEM((_N, _E), jnp.float32),
            pltpu.VMEM((_E,), jnp.float32),
        ],
    )
    def sc_mean_kernel(fv2_hbm, out_hbm, buf, acc):
        wid = lax.axis_index("s") * 2 + lax.axis_index("c")
        for k in range(per_w):
            sample = wid * per_w + k
            pltpu.sync_copy(fv2_hbm.at[sample], buf)
            for j in range(_E // 16):
                acc[pl.ds(j * 16, 16)] = jnp.zeros((16,), jnp.float32)

            def body(i, carry):
                for j in range(_E // 16):
                    sl = pl.ds(j * 16, 16)
                    acc[sl] = acc[sl] + buf[i, sl]
                return carry

            lax.fori_loop(0, _N, body, 0)
            inv = jnp.float32(1.0 / _N)
            for j in range(_E // 16):
                sl = pl.ds(j * 16, 16)
                acc[sl] = acc[sl] * inv
            pltpu.sync_copy(acc, out_hbm.at[sample])

    return sc_mean_kernel(Fv2)


@functools.partial(jax.jit, static_argnames=())
def kernel(loc, deadline, depot, W0_w, W0_b, W2_w, W2_b):
    B = loc.shape[0]
    locations = jnp.concatenate([depot[:, None, :], loc], axis=1)
    td = jnp.concatenate(
        [jnp.zeros((B, 1), deadline.dtype), deadline], axis=1)
    feat = jnp.concatenate([locations, td[..., None]], axis=-1)
    featT = jnp.swapaxes(feat, 1, 2)
    w0t = W0_w.T
    w2t = W2_w.T
    w0b = W0_b[None, :]
    w2b = W2_b[None, :]

    grid = (B // _S,)
    out_shape = (
        jax.ShapeDtypeStruct((B, _N, _E), jnp.float32),
        jax.ShapeDtypeStruct((B, 1, _E), jnp.float32),
    )
    Fv2, mean = pl.pallas_call(
        _ccn2_body,
        grid=grid,
        in_specs=[
            pl.BlockSpec((_S, _N, 3), lambda b: (b, 0, 0)),
            pl.BlockSpec((_S, 3, _N), lambda b: (b, 0, 0)),
            pl.BlockSpec((3, _E), lambda b: (0, 0)),
            pl.BlockSpec((1, _E), lambda b: (0, 0)),
            pl.BlockSpec((_E, _E), lambda b: (0, 0)),
            pl.BlockSpec((1, _E), lambda b: (0, 0)),
        ],
        out_specs=(
            pl.BlockSpec((_S, _N, _E), lambda b: (b, 0, 0)),
            pl.BlockSpec((_S, 1, _E), lambda b: (b, 0, 0)),
        ),
        out_shape=out_shape,
        compiler_params=pltpu.CompilerParams(
            dimension_semantics=("arbitrary",),
        ),
    )(feat, featT, w0t, w0b, w2t, w2b)
    del mean
    return Fv2, _sc_mean(Fv2)

# --- scband reference (transcript-rebuilt; emitter-appended) ---
"""Pipeline reference for scband-ccn2-63299228009053 (READ-ONLY COPY).

The authoritative reference and input builder live on the scoring server;
editing this copy changes nothing except your own understanding.
"""

import jax, jax.numpy as jnp
import numpy as np

BATCH = 64
N_NODES = 499
EMBED = 128
NODE_DIM = 3
THRESH = 0.055


def setup_inputs(seed: int = 0) -> dict:
    key = jax.random.key(seed)
    ks = jax.random.split(key, 7)
    loc = jax.random.uniform(ks[0], (BATCH, N_NODES, 2), dtype=jnp.float32)
    deadline = jax.random.uniform(ks[1], (BATCH, N_NODES), dtype=jnp.float32)
    depot = jax.random.uniform(ks[2], (BATCH, 2), dtype=jnp.float32)
    b0 = 1.0 / np.sqrt(NODE_DIM)
    W0_w = jax.random.uniform(ks[3], (EMBED, NODE_DIM), minval=-b0, maxval=b0, dtype=jnp.float32)
    W0_b = jax.random.uniform(ks[4], (EMBED,), minval=-b0, maxval=b0, dtype=jnp.float32)
    b2 = 1.0 / np.sqrt(EMBED)
    W2_w = jax.random.uniform(ks[5], (EMBED, EMBED), minval=-b2, maxval=b2, dtype=jnp.float32)
    W2_b = jax.random.uniform(ks[6], (EMBED,), minval=-b2, maxval=b2, dtype=jnp.float32)
    return {"loc": loc, "deadline": deadline, "depot": depot,
            "W0_w": W0_w, "W0_b": W0_b, "W2_w": W2_w, "W2_b": W2_b}


def reference(loc, deadline, depot, W0_w, W0_b, W2_w, W2_b):
    # locations: [B, N+1, 2]
    locations = jnp.concatenate([depot[:, None, :], loc], axis=1)
    td = jnp.concatenate([jnp.zeros((deadline.shape[0], 1), dtype=deadline.dtype), deadline], axis=1)
    diff = locations[:, :, None, :] - locations[:, None, :, :]
    dist2 = jnp.sum(diff * diff, axis=-1)
    # compare squared distance to squared threshold (identical to norm <= thresh)
    A = (dist2 <= THRESH * THRESH).astype(jnp.float32)  # neighbour_matrix, symmetric, self-loops
    feat = jnp.concatenate([locations, td[..., None]], axis=-1)  # [B, N+1, 3]
    fv0 = jax.nn.relu(feat @ W0_w.T + W0_b)  # [B, N+1, E]
    # fv1[v] = sum_{w in omega_1(v)} fv0[w]  ==  A @ fv0
    fv1 = jnp.matmul(A, fv0)
    # omega_2(v) = union of 1-hop neighbourhoods of neighbours -> support of A@A
    B2 = (jnp.matmul(A, A) > 0).astype(jnp.float32)
    # fv2[v] = sum_u B2[v,u] * (sum_w B2[v,w] * A[w,u]) * fv1[u]
    M = B2 * jnp.matmul(B2, A)
    fv2 = jnp.matmul(M, fv1)
    Fv2 = jax.nn.relu(fv2 @ W2_w.T + W2_b)
    return Fv2, Fv2.mean(axis=1)

if __name__ == "__main__":
    import jax
    _d = setup_inputs()
    print(jax.jit(kernel)(*tuple(_d.values())))

</pallas_src>

<mosaic_0001>
#map = affine_map<(d0, d1) -> (0, 0, 0)>
#map1 = affine_map<(d0, d1) -> (0, 0)>
module attributes {stable_mosaic.version = 14 : i64} {
  func.func @sc_mean_kernel(%arg0: i32, %arg1: i32, %arg2: memref<64x500x128xf32, #tpu.memory_space<hbm>>, %arg3: memref<64x128xf32, #tpu.memory_space<hbm>>, %arg4: memref<500x128xf32, #tpu.memory_space<vmem>>, %arg5: memref<128xf32, #tpu.memory_space<vmem>>) attributes {dimension_semantics = [#tpu.dimension_semantics<core_parallel>, #tpu.dimension_semantics<subcore_parallel>], iteration_bounds = array<i64: 2, 16>, scalar_prefetch = 0 : i64, scratch_operands = 2 : i64, tpu.core_type = #tpu.core_type<sc_vector_subcore>, window_params = [{transform_indices = #map}, {transform_indices = #map1}]} {
    %mul3A = arith.constant 2 : i32
    %mul3A_0 = arith.muli %arg1, %mul3A : i32
    %add3A = arith.addi %mul3A_0, %arg0 : i32
    %mul3A_1 = arith.constant 2 : i32
    %mul3A_2 = arith.muli %add3A, %mul3A_1 : i32
    %add3A_3 = arith.constant 0 : i32
    %add3A_4 = arith.addi %mul3A_2, %add3A_3 : i32
    "tpu.region"() ({
      %run_scoped3A = tpu.sem_alloc : memref<!tpu.dma_semaphore, #tpu.memory_space<semaphore_mem>>
      %dma_start3A = arith.constant 0 : i32
      %dma_start3A_273 = arith.constant 0 : i32
      %dma_start3A_274 = tpu.memref_slice %arg2[%add3A_4, %dma_start3A, %dma_start3A_273] : memref<64x500x128xf32, #tpu.memory_space<hbm>> -> memref<1x500x128xf32, #tpu.memory_space<hbm>>
      %dma_start3A_275 = tpu.memref_squeeze %dma_start3A_274 : memref<1x500x128xf32, #tpu.memory_space<hbm>> -> memref<500x128xf32, #tpu.memory_space<hbm>>
      %dma_start3A_276 = arith.constant 0 : i32
      %dma_start3A_277 = arith.constant 0 : i32
      %dma_start3A_278 = tpu.memref_slice %arg2[%add3A_4, %dma_start3A_276, %dma_start3A_277] : memref<64x500x128xf32, #tpu.memory_space<hbm>> -> memref<1x500x128xf32, #tpu.memory_space<hbm>>
      %dma_start3A_279 = tpu.memref_squeeze %dma_start3A_278 : memref<1x500x128xf32, #tpu.memory_space<hbm>> -> memref<500x128xf32, #tpu.memory_space<hbm>>
      tpu.enqueue_dma source(%dma_start3A_279 : memref<500x128xf32, #tpu.memory_space<hbm>>) target(%arg4 : memref<500x128xf32, #tpu.memory_space<vmem>>) target_semaphore(%run_scoped3A : memref<!tpu.dma_semaphore, #tpu.memory_space<semaphore_mem>>)
      %dma_wait3A = arith.constant 0 : i32
      %dma_wait3A_280 = arith.constant 0 : i32
      %dma_wait3A_281 = tpu.memref_slice %arg2[%add3A_4, %dma_wait3A, %dma_wait3A_280] : memref<64x500x128xf32, #tpu.memory_space<hbm>> -> memref<1x500x128xf32, #tpu.memory_space<hbm>>
      %dma_wait3A_282 = tpu.memref_squeeze %dma_wait3A_281 : memref<1x500x128xf32, #tpu.memory_space<hbm>> -> memref<500x128xf32, #tpu.memory_space<hbm>>
      %dma_wait3A_283 = arith.constant 0 : i32
      %dma_wait3A_284 = arith.constant 0 : i32
      %dma_wait3A_285 = tpu.memref_slice %arg2[%add3A_4, %dma_wait3A_283, %dma_wait3A_284] : memref<64x500x128xf32, #tpu.memory_space<hbm>> -> memref<1x500x128xf32, #tpu.memory_space<hbm>>
      %dma_wait3A_286 = tpu.memref_squeeze %dma_wait3A_285 : memref<1x500x128xf32, #tpu.memory_space<hbm>> -> memref<500x128xf32, #tpu.memory_space<hbm>>
      tpu.wait_dma2 semaphore(%run_scoped3A : memref<!tpu.dma_semaphore, #tpu.memory_space<semaphore_mem>>) src(%dma_wait3A_286 : memref<500x128xf32, #tpu.memory_space<hbm>>) dst(%arg4 : memref<500x128xf32, #tpu.memory_space<vmem>>)
      tpu.yield
    }) : () -> ()
    %broadcast_in_dim3A = arith.constant 0.000000e+00 : f32
    %broadcast_in_dim3A_5 = vector.broadcast %broadcast_in_dim3A : f32 to vector<16xf32>
    %swap3A = arith.constant 0 : index
    %swap3A_6 = tpu.vector_load %arg5[%swap3A] {strides = array<i32>} : memref<128xf32, #tpu.memory_space<vmem>>, vector<16xf32>,
    %swap3A_7 = vector.shape_cast %swap3A_6 : vector<16xf32> to vector<16xf32>
    %swap3A_8 = vector.shape_cast %broadcast_in_dim3A_5 : vector<16xf32> to vector<16xf32>
    tpu.vector_store %arg5[%swap3A], %swap3A_8 {strides = array<i32>} : memref<128xf32, #tpu.memory_space<vmem>>, vector<16xf32>,
    %broadcast_in_dim3A_9 = arith.constant 0.000000e+00 : f32
    %broadcast_in_dim3A_10 = vector.broadcast %broadcast_in_dim3A_9 : f32 to vector<16xf32>
    %swap3A_11 = arith.constant 16 : index
    %swap3A_12 = tpu.vector_load %arg5[%swap3A_11] {strides = array<i32>} : memref<128xf32, #tpu.memory_space<vmem>>, vector<16xf32>,
    %swap3A_13 = vector.shape_cast %swap3A_12 : vector<16xf32> to vector<16xf32>
    %swap3A_14 = vector.shape_cast %broadcast_in_dim3A_10 : vector<16xf32> to vector<16xf32>
    tpu.vector_store %arg5[%swap3A_11], %swap3A_14 {strides = array<i32>} : memref<128xf32, #tpu.memory_space<vmem>>, vector<16xf32>,
    %broadcast_in_dim3A_15 = arith.constant 0.000000e+00 : f32
    %broadcast_in_dim3A_16 = vector.broadcast %broadcast_in_dim3A_15 : f32 to vector<16xf32>
    %swap3A_17 = arith.constant 32 : index
    %swap3A_18 = tpu.vector_load %arg5[%swap3A_17] {strides = array<i32>} : memref<128xf32, #tpu.memory_space<vmem>>, vector<16xf32>,
    %swap3A_19 = vector.shape_cast %swap3A_18 : vector<16xf32> to vector<16xf32>
    %swap3A_20 = vector.shape_cast %broadcast_in_dim3A_16 : vector<16xf32> to vector<16xf32>
    tpu.vector_store %arg5[%swap3A_17], %swap3A_20 {strides = array<i32>} : memref<128xf32, #tpu.memory_space<vmem>>, vector<16xf32>,
    %broadcast_in_dim3A_21 = arith.constant 0.000000e+00 : f32
    %broadcast_in_dim3A_22 = vector.broadcast %broadcast_in_dim3A_21 : f32 to vector<16xf32>
    %swap3A_23 = arith.constant 48 : index
    %swap3A_24 = tpu.vector_load %arg5[%swap3A_23] {strides = array<i32>} : memref<128xf32, #tpu.memory_space<vmem>>, vector<16xf32>,
    %swap3A_25 = vector.shape_cast %swap3A_24 : vector<16xf32> to vector<16xf32>
    %swap3A_26 = vector.shape_cast %broadcast_in_dim3A_22 : vector<16xf32> to vector<16xf32>
    tpu.vector_store %arg5[%swap3A_23], %swap3A_26 {strides = array<i32>} : memref<128xf32, #tpu.memory_space<vmem>>, vector<16xf32>,
    %broadcast_in_dim3A_27 = arith.constant 0.000000e+00 : f32
    %broadcast_in_dim3A_28 = vector.broadcast %broadcast_in_dim3A_27 : f32 to vector<16xf32>
    %swap3A_29 = arith.constant 64 : index
    %swap3A_30 = tpu.vector_load %arg5[%swap3A_29] {strides = array<i32>} : memref<128xf32, #tpu.memory_space<vmem>>, vector<16xf32>,
    %swap3A_31 = vector.shape_cast %swap3A_30 : vector<16xf32> to vector<16xf32>
    %swap3A_32 = vector.shape_cast %broadcast_in_dim3A_28 : vector<16xf32> to vector<16xf32>
    tpu.vector_store %arg5[%swap3A_29], %swap3A_32 {strides = array<i32>} : memref<128xf32, #tpu.memory_space<vmem>>, vector<16xf32>,
    %broadcast_in_dim3A_33 = arith.constant 0.000000e+00 : f32
    %broadcast_in_dim3A_34 = vector.broadcast %broadcast_in_dim3A_33 : f32 to vector<16xf32>
    %swap3A_35 = arith.constant 80 : index
    %swap3A_36 = tpu.vector_load %arg5[%swap3A_35] {strides = array<i32>} : memref<128xf32, #tpu.memory_space<vmem>>, vector<16xf32>,
    %swap3A_37 = vector.shape_cast %swap3A_36 : vector<16xf32> to vector<16xf32>
    %swap3A_38 = vector.shape_cast %broadcast_in_dim3A_34 : vector<16xf32> to vector<16xf32>
    tpu.vector_store %arg5[%swap3A_35], %swap3A_38 {strides = array<i32>} : memref<128xf32, #tpu.memory_space<vmem>>, vector<16xf32>,
    %broadcast_in_dim3A_39 = arith.constant 0.000000e+00 : f32
    %broadcast_in_dim3A_40 = vector.broadcast %broadcast_in_dim3A_39 : f32 to vector<16xf32>
    %swap3A_41 = arith.constant 96 : index
    %swap3A_42 = tpu.vector_load %arg5[%swap3A_41] {strides = array<i32>} : memref<128xf32, #tpu.memory_space<vmem>>, vector<16xf32>,
    %swap3A_43 = vector.shape_cast %swap3A_42 : vector<16xf32> to vector<16xf32>
    %swap3A_44 = vector.shape_cast %broadcast_in_dim3A_40 : vector<16xf32> to vector<16xf32>
    tpu.vector_store %arg5[%swap3A_41], %swap3A_44 {strides = array<i32>} : memref<128xf32, #tpu.memory_space<vmem>>, vector<16xf32>,
    %broadcast_in_dim3A_45 = arith.constant 0.000000e+00 : f32
    %broadcast_in_dim3A_46 = vector.broadcast %broadcast_in_dim3A_45 : f32 to vector<16xf32>
    %swap3A_47 = arith.constant 112 : index
    %swap3A_48 = tpu.vector_load %arg5[%swap3A_47] {strides = array<i32>} : memref<128xf32, #tpu.memory_space<vmem>>, vector<16xf32>,
    %swap3A_49 = vector.shape_cast %swap3A_48 : vector<16xf32> to vector<16xf32>
    %swap3A_50 = vector.shape_cast %broadcast_in_dim3A_46 : vector<16xf32> to vector<16xf32>
    tpu.vector_store %arg5[%swap3A_47], %swap3A_50 {strides = array<i32>} : memref<128xf32, #tpu.memory_space<vmem>>, vector<16xf32>,
    %scan3A = arith.constant 0 : i32
    %scan3A_51 = arith.constant 0 : i32
    %scan3A_52 = arith.constant 500 : i32
    %scan3A_53 = arith.addi %scan3A_51, %scan3A_52 : i32
    %scan3A_54 = arith.constant 1 : i32
    scf.for %scan3A_273 = %scan3A_51 to %scan3A_53 step %scan3A_54  : i32 {
      %get3A_274 = arith.constant 0 : index
      %get3A_275 = tpu.vector_load %arg5[%get3A_274] {strides = array<i32>} : memref<128xf32, #tpu.memory_space<vmem>>, vector<16xf32>,
      %get3A_276 = vector.shape_cast %get3A_275 : vector<16xf32> to vector<16xf32>
      %get3A_277 = arith.index_cast %scan3A_273 : i32 to index
      %get3A_278 = arith.constant 0 : index
      %get3A_279 = tpu.vector_load %arg4[%get3A_277, %get3A_278] {strides = array<i32>} : memref<500x128xf32, #tpu.memory_space<vmem>>, vector<1x16xf32>,
      %get3A_280 = vector.shape_cast %get3A_279 : vector<1x16xf32> to vector<16xf32>
      %add3A_281 = arith.addf %get3A_276, %get3A_280 : vector<16xf32>
      %swap3A_282 = arith.constant 0 : index
      %swap3A_283 = tpu.vector_load %arg5[%swap3A_282] {strides = array<i32>} : memref<128xf32, #tpu.memory_space<vmem>>, vector<16xf32>,
      %swap3A_284 = vector.shape_cast %swap3A_283 : vector<16xf32> to vector<16xf32>
      %swap3A_285 = vector.shape_cast %add3A_281 : vector<16xf32> to vector<16xf32>
      tpu.vector_store %arg5[%swap3A_282], %swap3A_285 {strides = array<i32>} : memref<128xf32, #tpu.memory_space<vmem>>, vector<16xf32>,
      %get3A_286 = arith.constant 16 : index
      %get3A_287 = tpu.vector_load %arg5[%get3A_286] {strides = array<i32>} : memref<128xf32, #tpu.memory_space<vmem>>, vector<16xf32>,
      %get3A_288 = vector.shape_cast %get3A_287 : vector<16xf32> to vector<16xf32>
      %get3A_289 = arith.index_cast %scan3A_273 : i32 to index
      %get3A_290 = arith.constant 16 : index
      %get3A_291 = tpu.vector_load %arg4[%get3A_289, %get3A_290] {strides = array<i32>} : memref<500x128xf32, #tpu.memory_space<vmem>>, vector<1x16xf32>,
      %get3A_292 = vector.shape_cast %get3A_291 : vector<1x16xf32> to vector<16xf32>
      %add3A_293 = arith.addf %get3A_288, %get3A_292 : vector<16xf32>
      %swap3A_294 = arith.constant 16 : index
      %swap3A_295 = tpu.vector_load %arg5[%swap3A_294] {strides = array<i32>} : memref<128xf32, #tpu.memory_space<vmem>>, vector<16xf32>,
      %swap3A_296 = vector.shape_cast %swap3A_295 : vector<16xf32> to vector<16xf32>
      %swap3A_297 = vector.shape_cast %add3A_293 : vector<16xf32> to vector<16xf32>
      tpu.vector_store %arg5[%swap3A_294], %swap3A_297 {strides = array<i32>} : memref<128xf32, #tpu.memory_space<vmem>>, vector<16xf32>,
      %get3A_298 = arith.constant 32 : index
      %get3A_299 = tpu.vector_load %arg5[%get3A_298] {strides = array<i32>} : memref<128xf32, #tpu.memory_space<vmem>>, vector<16xf32>,
      %get3A_300 = vector.shape_cast %get3A_299 : vector<16xf32> to vector<16xf32>
      %get3A_301 = arith.index_cast %scan3A_273 : i32 to index
      %get3A_302 = arith.constant 32 : index
      %get3A_303 = tpu.vector_load %arg4[%get3A_301, %get3A_302] {strides = array<i32>} : memref<500x128xf32, #tpu.memory_space<vmem>>, vector<1x16xf32>,
      %get3A_304 = vector.shape_cast %get3A_303 : vector<1x16xf32> to vector<16xf32>
      %add3A_305 = arith.addf %get3A_300, %get3A_304 : vector<16xf32>
      %swap3A_306 = arith.constant 32 : index
      %swap3A_307 = tpu.vector_load %arg5[%swap3A_306] {strides = array<i32>} : memref<128xf32, #tpu.memory_space<vmem>>, vector<16xf32>,
      %swap3A_308 = vector.shape_cast %swap3A_307 : vector<16xf32> to vector<16xf32>
      %swap3A_309 = vector.shape_cast %add3A_305 : vector<16xf32> to vector<16xf32>
      tpu.vector_store %arg5[%swap3A_306], %swap3A_309 {strides = array<i32>} : memref<128xf32, #tpu.memory_space<vmem>>, vector<16xf32>,
      %get3A_310 = arith.constant 48 : index
      %get3A_311 = tpu.vector_load %arg5[%get3A_310] {strides = array<i32>} : memref<128xf32, #tpu.memory_space<vmem>>, vector<16xf32>,
      %get3A_312 = vector.shape_cast %get3A_311 : vector<16xf32> to vector<16xf32>
      %get3A_313 = arith.index_cast %scan3A_273 : i32 to index
      %get3A_314 = arith.constant 48 : index
      %get3A_315 = tpu.vector_load %arg4[%get3A_313, %get3A_314] {strides = array<i32>} : memref<500x128xf32, #tpu.memory_space<vmem>>, vector<1x16xf32>,
      %get3A_316 = vector.shape_cast %get3A_315 : vector<1x16xf32> to vector<16xf32>
      %add3A_317 = arith.addf %get3A_312, %get3A_316 : vector<16xf32>
      %swap3A_318 = arith.constant 48 : index
      %swap3A_319 = tpu.vector_load %arg5[%swap3A_318] {strides = array<i32>} : memref<128xf32, #tpu.memory_space<vmem>>, vector<16xf32>,
      %swap3A_320 = vector.shape_cast %swap3A_319 : vector<16xf32> to vector<16xf32>
      %swap3A_321 = vector.shape_cast %add3A_317 : vector<16xf32> to vector<16xf32>
      tpu.vector_store %arg5[%swap3A_318], %swap3A_321 {strides = array<i32>} : memref<128xf32, #tpu.memory_space<vmem>>, vector<16xf32>,
      %get3A_322 = arith.constant 64 : index
      %get3A_323 = tpu.vector_load %arg5[%get3A_322] {strides = array<i32>} : memref<128xf32, #tpu.memory_space<vmem>>, vector<16xf32>,
      %get3A_324 = vector.shape_cast %get3A_323 : vector<16xf32> to vector<16xf32>
      %get3A_325 = arith.index_cast %scan3A_273 : i32 to index
      %get3A_326 = arith.constant 64 : index
      %get3A_327 = tpu.vector_load %arg4[%get3A_325, %get3A_326] {strides = array<i32>} : memref<500x128xf32, #tpu.memory_space<vmem>>, vector<1x16xf32>,
      %get3A_328 = vector.shape_cast %get3A_327 : vector<1x16xf32> to vector<16xf32>
      %add3A_329 = arith.addf %get3A_324, %get3A_328 : vector<16xf32>
      %swap3A_330 = arith.constant 64 : index
      %swap3A_331 = tpu.vector_load %arg5[%swap3A_330] {strides = array<i32>} : memref<128xf32, #tpu.memory_space<vmem>>, vector<16xf32>,
      %swap3A_332 = vector.shape_cast %swap3A_331 : vector<16xf32> to vector<16xf32>
      %swap3A_333 = vector.shape_cast %add3A_329 : vector<16xf32> to vector<16xf32>
      tpu.vector_store %arg5[%swap3A_330], %swap3A_333 {strides = array<i32>} : memref<128xf32, #tpu.memory_space<vmem>>, vector<16xf32>,
      %get3A_334 = arith.constant 80 : index
      %get3A_335 = tpu.vector_load %arg5[%get3A_334] {strides = array<i32>} : memref<128xf32, #tpu.memory_space<vmem>>, vector<16xf32>,
      %get3A_336 = vector.shape_cast %get3A_335 : vector<16xf32> to vector<16xf32>
      %get3A_337 = arith.index_cast %scan3A_273 : i32 to index
      %get3A_338 = arith.constant 80 : index
      %get3A_339 = tpu.vector_load %arg4[%get3A_337, %get3A_338] {strides = array<i32>} : memref<500x128xf32, #tpu.memory_space<vmem>>, vector<1x16xf32>,
      %get3A_340 = vector.shape_cast %get3A_339 : vector<1x16xf32> to vector<16xf32>
      %add3A_341 = arith.addf %get3A_336, %get3A_340 : vector<16xf32>
      %swap3A_342 = arith.constant 80 : index
      %swap3A_343 = tpu.vector_load %arg5[%swap3A_342] {strides = array<i32>} : memref<128xf32, #tpu.memory_space<vmem>>, vector<16xf32>,
      %swap3A_344 = vector.shape_cast %swap3A_343 : vector<16xf32> to vector<16xf32>
      %swap3A_345 = vector.shape_cast %add3A_341 : vector<16xf32> to vector<16xf32>
      tpu.vector_store %arg5[%swap3A_342], %swap3A_345 {strides = array<i32>} : memref<128xf32, #tpu.memory_space<vmem>>, vector<16xf32>,
      %get3A_346 = arith.constant 96 : index
      %get3A_347 = tpu.vector_load %arg5[%get3A_346] {strides = array<i32>} : memref<128xf32, #tpu.memory_space<vmem>>, vector<16xf32>,
      %get3A_348 = vector.shape_cast %get3A_347 : vector<16xf32> to vector<16xf32>
      %get3A_349 = arith.index_cast %scan3A_273 : i32 to index
      %get3A_350 = arith.constant 96 : index
      %get3A_351 = tpu.vector_load %arg4[%get3A_349, %get3A_350] {strides = array<i32>} : memref<500x128xf32, #tpu.memory_space<vmem>>, vector<1x16xf32>,
      %get3A_352 = vector.shape_cast %get3A_351 : vector<1x16xf32> to vector<16xf32>
      %add3A_353 = arith.addf %get3A_348, %get3A_352 : vector<16xf32>
      %swap3A_354 = arith.constant 96 : index
      %swap3A_355 = tpu.vector_load %arg5[%swap3A_354] {strides = array<i32>} : memref<128xf32, #tpu.memory_space<vmem>>, vector<16xf32>,
      %swap3A_356 = vector.shape_cast %swap3A_355 : vector<16xf32> to vector<16xf32>
      %swap3A_357 = vector.shape_cast %add3A_353 : vector<16xf32> to vector<16xf32>
      tpu.vector_store %arg5[%swap3A_354], %swap3A_357 {strides = array<i32>} : memref<128xf32, #tpu.memory_space<vmem>>, vector<16xf32>,
      %get3A_358 = arith.constant 112 : index
      %get3A_359 = tpu.vector_load %arg5[%get3A_358] {strides = array<i32>} : memref<128xf32, #tpu.memory_space<vmem>>, vector<16xf32>,
      %get3A_360 = vector.shape_cast %get3A_359 : vector<16xf32> to vector<16xf32>
      %get3A_361 = arith.index_cast %scan3A_273 : i32 to index
      %get3A_362 = arith.constant 112 : index
      %get3A_363 = tpu.vector_load %arg4[%get3A_361, %get3A_362] {strides = array<i32>} : memref<500x128xf32, #tpu.memory_space<vmem>>, vector<1x16xf32>,
      %get3A_364 = vector.shape_cast %get3A_363 : vector<1x16xf32> to vector<16xf32>
      %add3A_365 = arith.addf %get3A_360, %get3A_364 : vector<16xf32>
      %swap3A_366 = arith.constant 112 : index
      %swap3A_367 = tpu.vector_load %arg5[%swap3A_366] {strides = array<i32>} : memref<128xf32, #tpu.memory_space<vmem>>, vector<16xf32>,
      %swap3A_368 = vector.shape_cast %swap3A_367 : vector<16xf32> to vector<16xf32>
      %swap3A_369 = vector.shape_cast %add3A_365 : vector<16xf32> to vector<16xf32>
      tpu.vector_store %arg5[%swap3A_366], %swap3A_369 {strides = array<i32>} : memref<128xf32, #tpu.memory_space<vmem>>, vector<16xf32>,
    }
    %scan3A_55 = arith.constant 500 : i32
    %get3A = arith.constant 0 : index
    %get3A_56 = tpu.vector_load %arg5[%get3A] {strides = array<i32>} : memref<128xf32, #tpu.memory_space<vmem>>, vector<16xf32>,
    %get3A_57 = vector.shape_cast %get3A_56 : vector<16xf32> to vector<16xf32>
    %mul3A_58 = arith.constant 2.000000e-03 : f32
    %mul3A_59 = vector.broadcast %mul3A_58 : f32 to vector<16xf32>
    %mul3A_60 = arith.mulf %get3A_57, %mul3A_59 : vector<16xf32>
    %swap3A_61 = arith.constant 0 : index
    %swap3A_62 = tpu.vector_load %arg5[%swap3A_61] {strides = array<i32>} : memref<128xf32, #tpu.memory_space<vmem>>, vector<16xf32>,
    %swap3A_63 = vector.shape_cast %swap3A_62 : vector<16xf32> to vector<16xf32>
    %swap3A_64 = vector.shape_cast %mul3A_60 : vector<16xf32> to vector<16xf32>
    tpu.vector_store %arg5[%swap3A_61], %swap3A_64 {strides = array<i32>} : memref<128xf32, #tpu.memory_space<vmem>>, vector<16xf32>,
    %get3A_65 = arith.constant 16 : index
    %get3A_66 = tpu.vector_load %arg5[%get3A_65] {strides = array<i32>} : memref<128xf32, #tpu.memory_space<vmem>>, vector<16xf32>,
    %get3A_67 = vector.shape_cast %get3A_66 : vector<16xf32> to vector<16xf32>
    %mul3A_68 = arith.constant 2.000000e-03 : f32
    %mul3A_69 = vector.broadcast %mul3A_68 : f32 to vector<16xf32>
    %mul3A_70 = arith.mulf %get3A_67, %mul3A_69 : vector<16xf32>
    %swap3A_71 = arith.constant 16 : index
    %swap3A_72 = tpu.vector_load %arg5[%swap3A_71] {strides = array<i32>} : memref<128xf32, #tpu.memory_space<vmem>>, vector<16xf32>,
    %swap3A_73 = vector.shape_cast %swap3A_72 : vector<16xf32> to vector<16xf32>
    %swap3A_74 = vector.shape_cast %mul3A_70 : vector<16xf32> to vector<16xf32>
    tpu.vector_store %arg5[%swap3A_71], %swap3A_74 {strides = array<i32>} : memref<128xf32, #tpu.memory_space<vmem>>, vector<16xf32>,
    %get3A_75 = arith.constant 32 : index
    %get3A_76 = tpu.vector_load %arg5[%get3A_75] {strides = array<i32>} : memref<128xf32, #tpu.memory_space<vmem>>, vector<16xf32>,
    %get3A_77 = vector.shape_cast %get3A_76 : vector<16xf32> to vector<16xf32>
    %mul3A_78 = arith.constant 2.000000e-03 : f32
    %mul3A_79 = vector.broadcast %mul3A_78 : f32 to vector<16xf32>
    %mul3A_80 = arith.mulf %get3A_77, %mul3A_79 : vector<16xf32>
    %swap3A_81 = arith.constant 32 : index
    %swap3A_82 = tpu.vector_load %arg5[%swap3A_81] {strides = array<i32>} : memref<128xf32, #tpu.memory_space<vmem>>, vector<16xf32>,
    %swap3A_83 = vector.shape_cast %swap3A_82 : vector<16xf32> to vector<16xf32>
    %swap3A_84 = vector.shape_cast %mul3A_80 : vector<16xf32> to vector<16xf32>
    tpu.vector_store %arg5[%swap3A_81], %swap3A_84 {strides = array<i32>} : memref<128xf32, #tpu.memory_space<vmem>>, vector<16xf32>,
    %get3A_85 = arith.constant 48 : index
    %get3A_86 = tpu.vector_load %arg5[%get3A_85] {strides = array<i32>} : memref<128xf32, #tpu.memory_space<vmem>>, vector<16xf32>,
    %get3A_87 = vector.shape_cast %get3A_86 : vector<16xf32> to vector<16xf32>
    %mul3A_88 = arith.constant 2.000000e-03 : f32
    %mul3A_89 = vector.broadcast %mul3A_88 : f32 to vector<16xf32>
    %mul3A_90 = arith.mulf %get3A_87, %mul3A_89 : vector<16xf32>
    %swap3A_91 = arith.constant 48 : index
    %swap3A_92 = tpu.vector_load %arg5[%swap3A_91] {strides = array<i32>} : memref<128xf32, #tpu.memory_space<vmem>>, vector<16xf32>,
    %swap3A_93 = vector.shape_cast %swap3A_92 : vector<16xf32> to vector<16xf32>
    %swap3A_94 = vector.shape_cast %mul3A_90 : vector<16xf32> to vector<16xf32>
    tpu.vector_store %arg5[%swap3A_91], %swap3A_94 {strides = array<i32>} : memref<128xf32, #tpu.memory_space<vmem>>, vector<16xf32>,
    %get3A_95 = arith.constant 64 : index
    %get3A_96 = tpu.vector_load %arg5[%get3A_95] {strides = array<i32>} : memref<128xf32, #tpu.memory_space<vmem>>, vector<16xf32>,
    %get3A_97 = vector.shape_cast %get3A_96 : vector<16xf32> to vector<16xf32>
    %mul3A_98 = arith.constant 2.000000e-03 : f32
    %mul3A_99 = vector.broadcast %mul3A_98 : f32 to vector<16xf32>
    %mul3A_100 = arith.mulf %get3A_97, %mul3A_99 : vector<16xf32>
    %swap3A_101 = arith.constant 64 : index
    %swap3A_102 = tpu.vector_load %arg5[%swap3A_101] {strides = array<i32>} : memref<128xf32, #tpu.memory_space<vmem>>, vector<16xf32>,
    %swap3A_103 = vector.shape_cast %swap3A_102 : vector<16xf32> to vector<16xf32>
    %swap3A_104 = vector.shape_cast %mul3A_100 : vector<16xf32> to vector<16xf32>
    tpu.vector_store %arg5[%swap3A_101], %swap3A_104 {strides = array<i32>} : memref<128xf32, #tpu.memory_space<vmem>>, vector<16xf32>,
    %get3A_105 = arith.constant 80 : index
    %get3A_106 = tpu.vector_load %arg5[%get3A_105] {strides = array<i32>} : memref<128xf32, #tpu.memory_space<vmem>>, vector<16xf32>,
    %get3A_107 = vector.shape_cast %get3A_106 : vector<16xf32> to vector<16xf32>
    %mul3A_108 = arith.constant 2.000000e-03 : f32
    %mul3A_109 = vector.broadcast %mul3A_108 : f32 to vector<16xf32>
    %mul3A_110 = arith.mulf %get3A_107, %mul3A_109 : vector<16xf32>
    %swap3A_111 = arith.constant 80 : index
    %swap3A_112 = tpu.vector_load %arg5[%swap3A_111] {strides = array<i32>} : memref<128xf32, #tpu.memory_space<vmem>>, vector<16xf32>,
    %swap3A_113 = vector.shape_cast %swap3A_112 : vector<16xf32> to vector<16xf32>
    %swap3A_114 = vector.shape_cast %mul3A_110 : vector<16xf32> to vector<16xf32>
    tpu.vector_store %arg5[%swap3A_111], %swap3A_114 {strides = array<i32>} : memref<128xf32, #tpu.memory_space<vmem>>, vector<16xf32>,
    %get3A_115 = arith.constant 96 : index
    %get3A_116 = tpu.vector_load %arg5[%get3A_115] {strides = array<i32>} : memref<128xf32, #tpu.memory_space<vmem>>, vector<16xf32>,
    %get3A_117 = vector.shape_cast %get3A_116 : vector<16xf32> to vector<16xf32>
    %mul3A_118 = arith.constant 2.000000e-03 : f32
    %mul3A_119 = vector.broadcast %mul3A_118 : f32 to vector<16xf32>
    %mul3A_120 = arith.mulf %get3A_117, %mul3A_119 : vector<16xf32>
    %swap3A_121 = arith.constant 96 : index
    %swap3A_122 = tpu.vector_load %arg5[%swap3A_121] {strides = array<i32>} : memref<128xf32, #tpu.memory_space<vmem>>, vector<16xf32>,
    %swap3A_123 = vector.shape_cast %swap3A_122 : vector<16xf32> to vector<16xf32>
    %swap3A_124 = vector.shape_cast %mul3A_120 : vector<16xf32> to vector<16xf32>
    tpu.vector_store %arg5[%swap3A_121], %swap3A_124 {strides = array<i32>} : memref<128xf32, #tpu.memory_space<vmem>>, vector<16xf32>,
    %get3A_125 = arith.constant 112 : index
    %get3A_126 = tpu.vector_load %arg5[%get3A_125] {strides = array<i32>} : memref<128xf32, #tpu.memory_space<vmem>>, vector<16xf32>,
    %get3A_127 = vector.shape_cast %get3A_126 : vector<16xf32> to vector<16xf32>
    %mul3A_128 = arith.constant 2.000000e-03 : f32
    %mul3A_129 = vector.broadcast %mul3A_128 : f32 to vector<16xf32>
    %mul3A_130 = arith.mulf %get3A_127, %mul3A_129 : vector<16xf32>
    %swap3A_131 = arith.constant 112 : index
    %swap3A_132 = tpu.vector_load %arg5[%swap3A_131] {strides = array<i32>} : memref<128xf32, #tpu.memory_space<vmem>>, vector<16xf32>,
    %swap3A_133 = vector.shape_cast %swap3A_132 : vector<16xf32> to vector<16xf32>
    %swap3A_134 = vector.shape_cast %mul3A_130 : vector<16xf32> to vector<16xf32>
    tpu.vector_store %arg5[%swap3A_131], %swap3A_134 {strides = array<i32>} : memref<128xf32, #tpu.memory_space<vmem>>, vector<16xf32>,
    "tpu.region"() ({
      %run_scoped3A = tpu.sem_alloc : memref<!tpu.dma_semaphore, #tpu.memory_space<semaphore_mem>>
      %dma_start3A = arith.constant 0 : i32
      %dma_start3A_273 = tpu.memref_slice %arg3[%add3A_4, %dma_start3A] : memref<64x128xf32, #tpu.memory_space<hbm>> -> memref<1x128xf32, #tpu.memory_space<hbm>>
      %dma_start3A_274 = tpu.memref_squeeze %dma_start3A_273 : memref<1x128xf32, #tpu.memory_space<hbm>> -> memref<128xf32, #tpu.memory_space<hbm>>
      %dma_start3A_275 = arith.constant 0 : i32
      %dma_start3A_276 = tpu.memref_slice %arg3[%add3A_4, %dma_start3A_275] : memref<64x128xf32, #tpu.memory_space<hbm>> -> memref<1x128xf32, #tpu.memory_space<hbm>>
      %dma_start3A_277 = tpu.memref_squeeze %dma_start3A_276 : memref<1x128xf32, #tpu.memory_space<hbm>> -> memref<128xf32, #tpu.memory_space<hbm>>
      tpu.enqueue_dma source(%arg5 : memref<128xf32, #tpu.memory_space<vmem>>) target(%dma_start3A_277 : memref<128xf32, #tpu.memory_space<hbm>>) target_semaphore(%run_scoped3A : memref<!tpu.dma_semaphore, #tpu.memory_space<semaphore_mem>>)
      %dma_wait3A = arith.constant 0 : i32
      %dma_wait3A_278 = tpu.memref_slice %arg3[%add3A_4, %dma_wait3A] : memref<64x128xf32, #tpu.memory_space<hbm>> -> memref<1x128xf32, #tpu.memory_space<hbm>>
      %dma_wait3A_279 = tpu.memref_squeeze %dma_wait3A_278 : memref<1x128xf32, #tpu.memory_space<hbm>> -> memref<128xf32, #tpu.memory_space<hbm>>
      %dma_wait3A_280 = arith.constant 0 : i32
      %dma_wait3A_281 = tpu.memref_slice %arg3[%add3A_4, %dma_wait3A_280] : memref<64x128xf32, #tpu.memory_space<hbm>> -> memref<1x128xf32, #tpu.memory_space<hbm>>
      %dma_wait3A_282 = tpu.memref_squeeze %dma_wait3A_281 : memref<1x128xf32, #tpu.memory_space<hbm>> -> memref<128xf32, #tpu.memory_space<hbm>>
      tpu.wait_dma2 semaphore(%run_scoped3A : memref<!tpu.dma_semaphore, #tpu.memory_space<semaphore_mem>>) src(%arg5 : memref<128xf32, #tpu.memory_space<vmem>>) dst(%dma_wait3A_282 : memref<128xf32, #tpu.memory_space<hbm>>)
      tpu.yield
    }) : () -> ()
    %mul3A_135 = arith.constant 2 : i32
    %mul3A_136 = arith.muli %add3A, %mul3A_135 : i32
    %add3A_137 = arith.constant 1 : i32
    %add3A_138 = arith.addi %mul3A_136, %add3A_137 : i32
    "tpu.region"() ({
      %run_scoped3A = tpu.sem_alloc : memref<!tpu.dma_semaphore, #tpu.memory_space<semaphore_mem>>
      %dma_start3A = arith.constant 0 : i32
      %dma_start3A_273 = arith.constant 0 : i32
      %dma_start3A_274 = tpu.memref_slice %arg2[%add3A_138, %dma_start3A, %dma_start3A_273] : memref<64x500x128xf32, #tpu.memory_space<hbm>> -> memref<1x500x128xf32, #tpu.memory_space<hbm>>
      %dma_start3A_275 = tpu.memref_squeeze %dma_start3A_274 : memref<1x500x128xf32, #tpu.memory_space<hbm>> -> memref<500x128xf32, #tpu.memory_space<hbm>>
      %dma_start3A_276 = arith.constant 0 : i32
      %dma_start3A_277 = arith.constant 0 : i32
      %dma_start3A_278 = tpu.memref_slice %arg2[%add3A_138, %dma_start3A_276, %dma_start3A_277] : memref<64x500x128xf32, #tpu.memory_space<hbm>> -> memref<1x500x128xf32, #tpu.memory_space<hbm>>
      %dma_start3A_279 = tpu.memref_squeeze %dma_start3A_278 : memref<1x500x128xf32, #tpu.memory_space<hbm>> -> memref<500x128xf32, #tpu.memory_space<hbm>>
      tpu.enqueue_dma source(%dma_start3A_279 : memref<500x128xf32, #tpu.memory_space<hbm>>) target(%arg4 : memref<500x128xf32, #tpu.memory_space<vmem>>) target_semaphore(%run_scoped3A : memref<!tpu.dma_semaphore, #tpu.memory_space<semaphore_mem>>)
      %dma_wait3A = arith.constant 0 : i32
      %dma_wait3A_280 = arith.constant 0 : i32
      %dma_wait3A_281 = tpu.memref_slice %arg2[%add3A_138, %dma_wait3A, %dma_wait3A_280] : memref<64x500x128xf32, #tpu.memory_space<hbm>> -> memref<1x500x128xf32, #tpu.memory_space<hbm>>
      %dma_wait3A_282 = tpu.memref_squeeze %dma_wait3A_281 : memref<1x500x128xf32, #tpu.memory_space<hbm>> -> memref<500x128xf32, #tpu.memory_space<hbm>>
      %dma_wait3A_283 = arith.constant 0 : i32
      %dma_wait3A_284 = arith.constant 0 : i32
      %dma_wait3A_285 = tpu.memref_slice %arg2[%add3A_138, %dma_wait3A_283, %dma_wait3A_284] : memref<64x500x128xf32, #tpu.memory_space<hbm>> -> memref<1x500x128xf32, #tpu.memory_space<hbm>>
      %dma_wait3A_286 = tpu.memref_squeeze %dma_wait3A_285 : memref<1x500x128xf32, #tpu.memory_space<hbm>> -> memref<500x128xf32, #tpu.memory_space<hbm>>
      tpu.wait_dma2 semaphore(%run_scoped3A : memref<!tpu.dma_semaphore, #tpu.memory_space<semaphore_mem>>) src(%dma_wait3A_286 : memref<500x128xf32, #tpu.memory_space<hbm>>) dst(%arg4 : memref<500x128xf32, #tpu.memory_space<vmem>>)
      tpu.yield
    }) : () -> ()
    %broadcast_in_dim3A_139 = arith.constant 0.000000e+00 : f32
    %broadcast_in_dim3A_140 = vector.broadcast %broadcast_in_dim3A_139 : f32 to vector<16xf32>
    %swap3A_141 = arith.constant 0 : index
    %swap3A_142 = tpu.vector_load %arg5[%swap3A_141] {strides = array<i32>} : memref<128xf32, #tpu.memory_space<vmem>>, vector<16xf32>,
    %swap3A_143 = vector.shape_cast %swap3A_142 : vector<16xf32> to vector<16xf32>
    %swap3A_144 = vector.shape_cast %broadcast_in_dim3A_140 : vector<16xf32> to vector<16xf32>
    tpu.vector_store %arg5[%swap3A_141], %swap3A_144 {strides = array<i32>} : memref<128xf32, #tpu.memory_space<vmem>>, vector<16xf32>,
    %broadcast_in_dim3A_145 = arith.constant 0.000000e+00 : f32
    %broadcast_in_dim3A_146 = vector.broadcast %broadcast_in_dim3A_145 : f32 to vector<16xf32>
    %swap3A_147 = arith.constant 16 : index
    %swap3A_148 = tpu.vector_load %arg5[%swap3A_147] {strides = array<i32>} : memref<128xf32, #tpu.memory_space<vmem>>, vector<16xf32>,
    %swap3A_149 = vector.shape_cast %swap3A_148 : vector<16xf32> to vector<16xf32>
    %swap3A_150 = vector.shape_cast %broadcast_in_dim3A_146 : vector<16xf32> to vector<16xf32>
    tpu.vector_store %arg5[%swap3A_147], %swap3A_150 {strides = array<i32>} : memref<128xf32, #tpu.memory_space<vmem>>, vector<16xf32>,
    %broadcast_in_dim3A_151 = arith.constant 0.000000e+00 : f32
    %broadcast_in_dim3A_152 = vector.broadcast %broadcast_in_dim3A_151 : f32 to vector<16xf32>
    %swap3A_153 = arith.constant 32 : index
    %swap3A_154 = tpu.vector_load %arg5[%swap3A_153] {strides = array<i32>} : memref<128xf32, #tpu.memory_space<vmem>>, vector<16xf32>,
    %swap3A_155 = vector.shape_cast %swap3A_154 : vector<16xf32> to vector<16xf32>
    %swap3A_156 = vector.shape_cast %broadcast_in_dim3A_152 : vector<16xf32> to vector<16xf32>
    tpu.vector_store %arg5[%swap3A_153], %swap3A_156 {strides = array<i32>} : memref<128xf32, #tpu.memory_space<vmem>>, vector<16xf32>,
    %broadcast_in_dim3A_157 = arith.constant 0.000000e+00 : f32
    %broadcast_in_dim3A_158 = vector.broadcast %broadcast_in_dim3A_157 : f32 to vector<16xf32>
    %swap3A_159 = arith.constant 48 : index
    %swap3A_160 = tpu.vector_load %arg5[%swap3A_159] {strides = array<i32>} : memref<128xf32, #tpu.memory_space<vmem>>, vector<16xf32>,
    %swap3A_161 = vector.shape_cast %swap3A_160 : vector<16xf32> to vector<16xf32>
    %swap3A_162 = vector.shape_cast %broadcast_in_dim3A_158 : vector<16xf32> to vector<16xf32>
    tpu.vector_store %arg5[%swap3A_159], %swap3A_162 {strides = array<i32>} : memref<128xf32, #tpu.memory_space<vmem>>, vector<16xf32>,
    %broadcast_in_dim3A_163 = arith.constant 0.000000e+00 : f32
    %broadcast_in_dim3A_164 = vector.broadcast %broadcast_in_dim3A_163 : f32 to vector<16xf32>
    %swap3A_165 = arith.constant 64 : index
    %swap3A_166 = tpu.vector_load %arg5[%swap3A_165] {strides = array<i32>} : memref<128xf32, #tpu.memory_space<vmem>>, vector<16xf32>,
    %swap3A_167 = vector.shape_cast %swap3A_166 : vector<16xf32> to vector<16xf32>
    %swap3A_168 = vector.shape_cast %broadcast_in_dim3A_164 : vector<16xf32> to vector<16xf32>
    tpu.vector_store %arg5[%swap3A_165], %swap3A_168 {strides = array<i32>} : memref<128xf32, #tpu.memory_space<vmem>>, vector<16xf32>,
    %broadcast_in_dim3A_169 = arith.constant 0.000000e+00 : f32
    %broadcast_in_dim3A_170 = vector.broadcast %broadcast_in_dim3A_169 : f32 to vector<16xf32>
    %swap3A_171 = arith.constant 80 : index
    %swap3A_172 = tpu.vector_load %arg5[%swap3A_171] {strides = array<i32>} : memref<128xf32, #tpu.memory_space<vmem>>, vector<16xf32>,
    %swap3A_173 = vector.shape_cast %swap3A_172 : vector<16xf32> to vector<16xf32>
    %swap3A_174 = vector.shape_cast %broadcast_in_dim3A_170 : vector<16xf32> to vector<16xf32>
    tpu.vector_store %arg5[%swap3A_171], %swap3A_174 {strides = array<i32>} : memref<128xf32, #tpu.memory_space<vmem>>, vector<16xf32>,
    %broadcast_in_dim3A_175 = arith.constant 0.000000e+00 : f32
    %broadcast_in_dim3A_176 = vector.broadcast %broadcast_in_dim3A_175 : f32 to vector<16xf32>
    %swap3A_177 = arith.constant 96 : index
    %swap3A_178 = tpu.vector_load %arg5[%swap3A_177] {strides = array<i32>} : memref<128xf32, #tpu.memory_space<vmem>>, vector<16xf32>,
    %swap3A_179 = vector.shape_cast %swap3A_178 : vector<16xf32> to vector<16xf32>
    %swap3A_180 = vector.shape_cast %broadcast_in_dim3A_176 : vector<16xf32> to vector<16xf32>
    tpu.vector_store %arg5[%swap3A_177], %swap3A_180 {strides = array<i32>} : memref<128xf32, #tpu.memory_space<vmem>>, vector<16xf32>,
    %broadcast_in_dim3A_181 = arith.constant 0.000000e+00 : f32
    %broadcast_in_dim3A_182 = vector.broadcast %broadcast_in_dim3A_181 : f32 to vector<16xf32>
    %swap3A_183 = arith.constant 112 : index
    %swap3A_184 = tpu.vector_load %arg5[%swap3A_183] {strides = array<i32>} : memref<128xf32, #tpu.memory_space<vmem>>, vector<16xf32>,
    %swap3A_185 = vector.shape_cast %swap3A_184 : vector<16xf32> to vector<16xf32>
    %swap3A_186 = vector.shape_cast %broadcast_in_dim3A_182 : vector<16xf32> to vector<16xf32>
    tpu.vector_store %arg5[%swap3A_183], %swap3A_186 {strides = array<i32>} : memref<128xf32, #tpu.memory_space<vmem>>, vector<16xf32>,
    %scan3A_187 = arith.constant 0 : i32
    %scan3A_188 = arith.constant 0 : i32
    %scan3A_189 = arith.constant 500 : i32
    %scan3A_190 = arith.addi %scan3A_188, %scan3A_189 : i32
    %scan3A_191 = arith.constant 1 : i32
    scf.for %scan3A_273 = %scan3A_188 to %scan3A_190 step %scan3A_191  : i32 {
      %get3A_274 = arith.constant 0 : index
      %get3A_275 = tpu.vector_load %arg5[%get3A_274] {strides = array<i32>} : memref<128xf32, #tpu.memory_space<vmem>>, vector<16xf32>,
      %get3A_276 = vector.shape_cast %get3A_275 : vector<16xf32> to vector<16xf32>
      %get3A_277 = arith.index_cast %scan3A_273 : i32 to index
      %get3A_278 = arith.constant 0 : index
      %get3A_279 = tpu.vector_load %arg4[%get3A_277, %get3A_278] {strides = array<i32>} : memref<500x128xf32, #tpu.memory_space<vmem>>, vector<1x16xf32>,
      %get3A_280 = vector.shape_cast %get3A_279 : vector<1x16xf32> to vector<16xf32>
      %add3A_281 = arith.addf %get3A_276, %get3A_280 : vector<16xf32>
      %swap3A_282 = arith.constant 0 : index
      %swap3A_283 = tpu.vector_load %arg5[%swap3A_282] {strides = array<i32>} : memref<128xf32, #tpu.memory_space<vmem>>, vector<16xf32>,
      %swap3A_284 = vector.shape_cast %swap3A_283 : vector<16xf32> to vector<16xf32>
      %swap3A_285 = vector.shape_cast %add3A_281 : vector<16xf32> to vector<16xf32>
      tpu.vector_store %arg5[%swap3A_282], %swap3A_285 {strides = array<i32>} : memref<128xf32, #tpu.memory_space<vmem>>, vector<16xf32>,
      %get3A_286 = arith.constant 16 : index
      %get3A_287 = tpu.vector_load %arg5[%get3A_286] {strides = array<i32>} : memref<128xf32, #tpu.memory_space<vmem>>, vector<16xf32>,
      %get3A_288 = vector.shape_cast %get3A_287 : vector<16xf32> to vector<16xf32>
      %get3A_289 = arith.index_cast %scan3A_273 : i32 to index
      %get3A_290 = arith.constant 16 : index
      %get3A_291 = tpu.vector_load %arg4[%get3A_289, %get3A_290] {strides = array<i32>} : memref<500x128xf32, #tpu.memory_space<vmem>>, vector<1x16xf32>,
      %get3A_292 = vector.shape_cast %get3A_291 : vector<1x16xf32> to vector<16xf32>
      %add3A_293 = arith.addf %get3A_288, %get3A_292 : vector<16xf32>
      %swap3A_294 = arith.constant 16 : index
      %swap3A_295 = tpu.vector_load %arg5[%swap3A_294] {strides = array<i32>} : memref<128xf32, #tpu.memory_space<vmem>>, vector<16xf32>,
      %swap3A_296 = vector.shape_cast %swap3A_295 : vector<16xf32> to vector<16xf32>
      %swap3A_297 = vector.shape_cast %add3A_293 : vector<16xf32> to vector<16xf32>
      tpu.vector_store %arg5[%swap3A_294], %swap3A_297 {strides = array<i32>} : memref<128xf32, #tpu.memory_space<vmem>>, vector<16xf32>,
      %get3A_298 = arith.constant 32 : index
      %get3A_299 = tpu.vector_load %arg5[%get3A_298] {strides = array<i32>} : memref<128xf32, #tpu.memory_space<vmem>>, vector<16xf32>,
      %get3A_300 = vector.shape_cast %get3A_299 : vector<16xf32> to vector<16xf32>
      %get3A_301 = arith.index_cast %scan3A_273 : i32 to index
      %get3A_302 = arith.constant 32 : index
      %get3A_303 = tpu.vector_load %arg4[%get3A_301, %get3A_302] {strides = array<i32>} : memref<500x128xf32, #tpu.memory_space<vmem>>, vector<1x16xf32>,
      %get3A_304 = vector.shape_cast %get3A_303 : vector<1x16xf32> to vector<16xf32>
      %add3A_305 = arith.addf %get3A_300, %get3A_304 : vector<16xf32>
      %swap3A_306 = arith.constant 32 : index
      %swap3A_307 = tpu.vector_load %arg5[%swap3A_306] {strides = array<i32>} : memref<128xf32, #tpu.memory_space<vmem>>, vector<16xf32>,
      %swap3A_308 = vector.shape_cast %swap3A_307 : vector<16xf32> to vector<16xf32>
      %swap3A_309 = vector.shape_cast %add3A_305 : vector<16xf32> to vector<16xf32>
      tpu.vector_store %arg5[%swap3A_306], %swap3A_309 {strides = array<i32>} : memref<128xf32, #tpu.memory_space<vmem>>, vector<16xf32>,
      %get3A_310 = arith.constant 48 : index
      %get3A_311 = tpu.vector_load %arg5[%get3A_310] {strides = array<i32>} : memref<128xf32, #tpu.memory_space<vmem>>, vector<16xf32>,
      %get3A_312 = vector.shape_cast %get3A_311 : vector<16xf32> to vector<16xf32>
      %get3A_313 = arith.index_cast %scan3A_273 : i32 to index
      %get3A_314 = arith.constant 48 : index
      %get3A_315 = tpu.vector_load %arg4[%get3A_313, %get3A_314] {strides = array<i32>} : memref<500x128xf32, #tpu.memory_space<vmem>>, vector<1x16xf32>,
      %get3A_316 = vector.shape_cast %get3A_315 : vector<1x16xf32> to vector<16xf32>
      %add3A_317 = arith.addf %get3A_312, %get3A_316 : vector<16xf32>
      %swap3A_318 = arith.constant 48 : index
      %swap3A_319 = tpu.vector_load %arg5[%swap3A_318] {strides = array<i32>} : memref<128xf32, #tpu.memory_space<vmem>>, vector<16xf32>,
      %swap3A_320 = vector.shape_cast %swap3A_319 : vector<16xf32> to vector<16xf32>
      %swap3A_321 = vector.shape_cast %add3A_317 : vector<16xf32> to vector<16xf32>
      tpu.vector_store %arg5[%swap3A_318], %swap3A_321 {strides = array<i32>} : memref<128xf32, #tpu.memory_space<vmem>>, vector<16xf32>,
      %get3A_322 = arith.constant 64 : index
      %get3A_323 = tpu.vector_load %arg5[%get3A_322] {strides = array<i32>} : memref<128xf32, #tpu.memory_space<vmem>>, vector<16xf32>,
      %get3A_324 = vector.shape_cast %get3A_323 : vector<16xf32> to vector<16xf32>
      %get3A_325 = arith.index_cast %scan3A_273 : i32 to index
      %get3A_326 = arith.constant 64 : index
      %get3A_327 = tpu.vector_load %arg4[%get3A_325, %get3A_326] {strides = array<i32>} : memref<500x128xf32, #tpu.memory_space<vmem>>, vector<1x16xf32>,
      %get3A_328 = vector.shape_cast %get3A_327 : vector<1x16xf32> to vector<16xf32>
      %add3A_329 = arith.addf %get3A_324, %get3A_328 : vector<16xf32>
      %swap3A_330 = arith.constant 64 : index
      %swap3A_331 = tpu.vector_load %arg5[%swap3A_330] {strides = array<i32>} : memref<128xf32, #tpu.memory_space<vmem>>, vector<16xf32>,
      %swap3A_332 = vector.shape_cast %swap3A_331 : vector<16xf32> to vector<16xf32>
      %swap3A_333 = vector.shape_cast %add3A_329 : vector<16xf32> to vector<16xf32>
      tpu.vector_store %arg5[%swap3A_330], %swap3A_333 {strides = array<i32>} : memref<128xf32, #tpu.memory_space<vmem>>, vector<16xf32>,
      %get3A_334 = arith.constant 80 : index
      %get3A_335 = tpu.vector_load %arg5[%get3A_334] {strides = array<i32>} : memref<128xf32, #tpu.memory_space<vmem>>, vector<16xf32>,
      %get3A_336 = vector.shape_cast %get3A_335 : vector<16xf32> to vector<16xf32>
      %get3A_337 = arith.index_cast %scan3A_273 : i32 to index
      %get3A_338 = arith.constant 80 : index
      %get3A_339 = tpu.vector_load %arg4[%get3A_337, %get3A_338] {strides = array<i32>} : memref<500x128xf32, #tpu.memory_space<vmem>>, vector<1x16xf32>,
      %get3A_340 = vector.shape_cast %get3A_339 : vector<1x16xf32> to vector<16xf32>
      %add3A_341 = arith.addf %get3A_336, %get3A_340 : vector<16xf32>
      %swap3A_342 = arith.constant 80 : index
      %swap3A_343 = tpu.vector_load %arg5[%swap3A_342] {strides = array<i32>} : memref<128xf32, #tpu.memory_space<vmem>>, vector<16xf32>,
      %swap3A_344 = vector.shape_cast %swap3A_343 : vector<16xf32> to vector<16xf32>
      %swap3A_345 = vector.shape_cast %add3A_341 : vector<16xf32> to vector<16xf32>
      tpu.vector_store %arg5[%swap3A_342], %swap3A_345 {strides = array<i32>} : memref<128xf32, #tpu.memory_space<vmem>>, vector<16xf32>,
      %get3A_346 = arith.constant 96 : index
      %get3A_347 = tpu.vector_load %arg5[%get3A_346] {strides = array<i32>} : memref<128xf32, #tpu.memory_space<vmem>>, vector<16xf32>,
      %get3A_348 = vector.shape_cast %get3A_347 : vector<16xf32> to vector<16xf32>
      %get3A_349 = arith.index_cast %scan3A_273 : i32 to index
      %get3A_350 = arith.constant 96 : index
      %get3A_351 = tpu.vector_load %arg4[%get3A_349, %get3A_350] {strides = array<i32>} : memref<500x128xf32, #tpu.memory_space<vmem>>, vector<1x16xf32>,
      %get3A_352 = vector.shape_cast %get3A_351 : vector<1x16xf32> to vector<16xf32>
      %add3A_353 = arith.addf %get3A_348, %get3A_352 : vector<16xf32>
      %swap3A_354 = arith.constant 96 : index
      %swap3A_355 = tpu.vector_load %arg5[%swap3A_354] {strides = array<i32>} : memref<128xf32, #tpu.memory_space<vmem>>, vector<16xf32>,
      %swap3A_356 = vector.shape_cast %swap3A_355 : vector<16xf32> to vector<16xf32>
      %swap3A_357 = vector.shape_cast %add3A_353 : vector<16xf32> to vector<16xf32>
      tpu.vector_store %arg5[%swap3A_354], %swap3A_357 {strides = array<i32>} : memref<128xf32, #tpu.memory_space<vmem>>, vector<16xf32>,
      %get3A_358 = arith.constant 112 : index
      %get3A_359 = tpu.vector_load %arg5[%get3A_358] {strides = array<i32>} : memref<128xf32, #tpu.memory_space<vmem>>, vector<16xf32>,
      %get3A_360 = vector.shape_cast %get3A_359 : vector<16xf32> to vector<16xf32>
      %get3A_361 = arith.index_cast %scan3A_273 : i32 to index
      %get3A_362 = arith.constant 112 : index
      %get3A_363 = tpu.vector_load %arg4[%get3A_361, %get3A_362] {strides = array<i32>} : memref<500x128xf32, #tpu.memory_space<vmem>>, vector<1x16xf32>,
      %get3A_364 = vector.shape_cast %get3A_363 : vector<1x16xf32> to vector<16xf32>
      %add3A_365 = arith.addf %get3A_360, %get3A_364 : vector<16xf32>
      %swap3A_366 = arith.constant 112 : index
      %swap3A_367 = tpu.vector_load %arg5[%swap3A_366] {strides = array<i32>} : memref<128xf32, #tpu.memory_space<vmem>>, vector<16xf32>,
      %swap3A_368 = vector.shape_cast %swap3A_367 : vector<16xf32> to vector<16xf32>
      %swap3A_369 = vector.shape_cast %add3A_365 : vector<16xf32> to vector<16xf32>
      tpu.vector_store %arg5[%swap3A_366], %swap3A_369 {strides = array<i32>} : memref<128xf32, #tpu.memory_space<vmem>>, vector<16xf32>,
    }
    %scan3A_192 = arith.constant 500 : i32
    %get3A_193 = arith.constant 0 : index
    %get3A_194 = tpu.vector_load %arg5[%get3A_193] {strides = array<i32>} : memref<128xf32, #tpu.memory_space<vmem>>, vector<16xf32>,
    %get3A_195 = vector.shape_cast %get3A_194 : vector<16xf32> to vector<16xf32>
    %mul3A_196 = arith.constant 2.000000e-03 : f32
    %mul3A_197 = vector.broadcast %mul3A_196 : f32 to vector<16xf32>
    %mul3A_198 = arith.mulf %get3A_195, %mul3A_197 : vector<16xf32>
    %swap3A_199 = arith.constant 0 : index
    %swap3A_200 = tpu.vector_load %arg5[%swap3A_199] {strides = array<i32>} : memref<128xf32, #tpu.memory_space<vmem>>, vector<16xf32>,
    %swap3A_201 = vector.shape_cast %swap3A_200 : vector<16xf32> to vector<16xf32>
    %swap3A_202 = vector.shape_cast %mul3A_198 : vector<16xf32> to vector<16xf32>
    tpu.vector_store %arg5[%swap3A_199], %swap3A_202 {strides = array<i32>} : memref<128xf32, #tpu.memory_space<vmem>>, vector<16xf32>,
    %get3A_203 = arith.constant 16 : index
    %get3A_204 = tpu.vector_load %arg5[%get3A_203] {strides = array<i32>} : memref<128xf32, #tpu.memory_space<vmem>>, vector<16xf32>,
    %get3A_205 = vector.shape_cast %get3A_204 : vector<16xf32> to vector<16xf32>
    %mul3A_206 = arith.constant 2.000000e-03 : f32
    %mul3A_207 = vector.broadcast %mul3A_206 : f32 to vector<16xf32>
    %mul3A_208 = arith.mulf %get3A_205, %mul3A_207 : vector<16xf32>
    %swap3A_209 = arith.constant 16 : index
    %swap3A_210 = tpu.vector_load %arg5[%swap3A_209] {strides = array<i32>} : memref<128xf32, #tpu.memory_space<vmem>>, vector<16xf32>,
    %swap3A_211 = vector.shape_cast %swap3A_210 : vector<16xf32> to vector<16xf32>
    %swap3A_212 = vector.shape_cast %mul3A_208 : vector<16xf32> to vector<16xf32>
    tpu.vector_store %arg5[%swap3A_209], %swap3A_212 {strides = array<i32>} : memref<128xf32, #tpu.memory_space<vmem>>, vector<16xf32>,
    %get3A_213 = arith.constant 32 : index
    %get3A_214 = tpu.vector_load %arg5[%get3A_213] {strides = array<i32>} : memref<128xf32, #tpu.memory_space<vmem>>, vector<16xf32>,
    %get3A_215 = vector.shape_cast %get3A_214 : vector<16xf32> to vector<16xf32>
    %mul3A_216 = arith.constant 2.000000e-03 : f32
    %mul3A_217 = vector.broadcast %mul3A_216 : f32 to vector<16xf32>
    %mul3A_218 = arith.mulf %get3A_215, %mul3A_217 : vector<16xf32>
    %swap3A_219 = arith.constant 32 : index
    %swap3A_220 = tpu.vector_load %arg5[%swap3A_219] {strides = array<i32>} : memref<128xf32, #tpu.memory_space<vmem>>, vector<16xf32>,
    %swap3A_221 = vector.shape_cast %swap3A_220 : vector<16xf32> to vector<16xf32>
    %swap3A_222 = vector.shape_cast %mul3A_218 : vector<16xf32> to vector<16xf32>
    tpu.vector_store %arg5[%swap3A_219], %swap3A_222 {strides = array<i32>} : memref<128xf32, #tpu.memory_space<vmem>>, vector<16xf32>,
    %get3A_223 = arith.constant 48 : index
    %get3A_224 = tpu.vector_load %arg5[%get3A_223] {strides = array<i32>} : memref<128xf32, #tpu.memory_space<vmem>>, vector<16xf32>,
    %get3A_225 = vector.shape_cast %get3A_224 : vector<16xf32> to vector<16xf32>
    %mul3A_226 = arith.constant 2.000000e-03 : f32
    %mul3A_227 = vector.broadcast %mul3A_226 : f32 to vector<16xf32>
    %mul3A_228 = arith.mulf %get3A_225, %mul3A_227 : vector<16xf32>
    %swap3A_229 = arith.constant 48 : index
    %swap3A_230 = tpu.vector_load %arg5[%swap3A_229] {strides = array<i32>} : memref<128xf32, #tpu.memory_space<vmem>>, vector<16xf32>,
    %swap3A_231 = vector.shape_cast %swap3A_230 : vector<16xf32> to vector<16xf32>
    %swap3A_232 = vector.shape_cast %mul3A_228 : vector<16xf32> to vector<16xf32>
    tpu.vector_store %arg5[%swap3A_229], %swap3A_232 {strides = array<i32>} : memref<128xf32, #tpu.memory_space<vmem>>, vector<16xf32>,
    %get3A_233 = arith.constant 64 : index
    %get3A_234 = tpu.vector_load %arg5[%get3A_233] {strides = array<i32>} : memref<128xf32, #tpu.memory_space<vmem>>, vector<16xf32>,
    %get3A_235 = vector.shape_cast %get3A_234 : vector<16xf32> to vector<16xf32>
    %mul3A_236 = arith.constant 2.000000e-03 : f32
    %mul3A_237 = vector.broadcast %mul3A_236 : f32 to vector<16xf32>
    %mul3A_238 = arith.mulf %get3A_235, %mul3A_237 : vector<16xf32>
    %swap3A_239 = arith.constant 64 : index
    %swap3A_240 = tpu.vector_load %arg5[%swap3A_239] {strides = array<i32>} : memref<128xf32, #tpu.memory_space<vmem>>, vector<16xf32>,
    %swap3A_241 = vector.shape_cast %swap3A_240 : vector<16xf32> to vector<16xf32>
    %swap3A_242 = vector.shape_cast %mul3A_238 : vector<16xf32> to vector<16xf32>
    tpu.vector_store %arg5[%swap3A_239], %swap3A_242 {strides = array<i32>} : memref<128xf32, #tpu.memory_space<vmem>>, vector<16xf32>,
    %get3A_243 = arith.constant 80 : index
    %get3A_244 = tpu.vector_load %arg5[%get3A_243] {strides = array<i32>} : memref<128xf32, #tpu.memory_space<vmem>>, vector<16xf32>,
    %get3A_245 = vector.shape_cast %get3A_244 : vector<16xf32> to vector<16xf32>
    %mul3A_246 = arith.constant 2.000000e-03 : f32
    %mul3A_247 = vector.broadcast %mul3A_246 : f32 to vector<16xf32>
    %mul3A_248 = arith.mulf %get3A_245, %mul3A_247 : vector<16xf32>
    %swap3A_249 = arith.constant 80 : index
    %swap3A_250 = tpu.vector_load %arg5[%swap3A_249] {strides = array<i32>} : memref<128xf32, #tpu.memory_space<vmem>>, vector<16xf32>,
    %swap3A_251 = vector.shape_cast %swap3A_250 : vector<16xf32> to vector<16xf32>
    %swap3A_252 = vector.shape_cast %mul3A_248 : vector<16xf32> to vector<16xf32>
    tpu.vector_store %arg5[%swap3A_249], %swap3A_252 {strides = array<i32>} : memref<128xf32, #tpu.memory_space<vmem>>, vector<16xf32>,
    %get3A_253 = arith.constant 96 : index
    %get3A_254 = tpu.vector_load %arg5[%get3A_253] {strides = array<i32>} : memref<128xf32, #tpu.memory_space<vmem>>, vector<16xf32>,
    %get3A_255 = vector.shape_cast %get3A_254 : vector<16xf32> to vector<16xf32>
    %mul3A_256 = arith.constant 2.000000e-03 : f32
    %mul3A_257 = vector.broadcast %mul3A_256 : f32 to vector<16xf32>
    %mul3A_258 = arith.mulf %get3A_255, %mul3A_257 : vector<16xf32>
    %swap3A_259 = arith.constant 96 : index
    %swap3A_260 = tpu.vector_load %arg5[%swap3A_259] {strides = array<i32>} : memref<128xf32, #tpu.memory_space<vmem>>, vector<16xf32>,
    %swap3A_261 = vector.shape_cast %swap3A_260 : vector<16xf32> to vector<16xf32>
    %swap3A_262 = vector.shape_cast %mul3A_258 : vector<16xf32> to vector<16xf32>
    tpu.vector_store %arg5[%swap3A_259], %swap3A_262 {strides = array<i32>} : memref<128xf32, #tpu.memory_space<vmem>>, vector<16xf32>,
    %get3A_263 = arith.constant 112 : index
    %get3A_264 = tpu.vector_load %arg5[%get3A_263] {strides = array<i32>} : memref<128xf32, #tpu.memory_space<vmem>>, vector<16xf32>,
    %get3A_265 = vector.shape_cast %get3A_264 : vector<16xf32> to vector<16xf32>
    %mul3A_266 = arith.constant 2.000000e-03 : f32
    %mul3A_267 = vector.broadcast %mul3A_266 : f32 to vector<16xf32>
    %mul3A_268 = arith.mulf %get3A_265, %mul3A_267 : vector<16xf32>
    %swap3A_269 = arith.constant 112 : index
    %swap3A_270 = tpu.vector_load %arg5[%swap3A_269] {strides = array<i32>} : memref<128xf32, #tpu.memory_space<vmem>>, vector<16xf32>,
    %swap3A_271 = vector.shape_cast %swap3A_270 : vector<16xf32> to vector<16xf32>
    %swap3A_272 = vector.shape_cast %mul3A_268 : vector<16xf32> to vector<16xf32>
    tpu.vector_store %arg5[%swap3A_269], %swap3A_272 {strides = array<i32>} : memref<128xf32, #tpu.memory_space<vmem>>, vector<16xf32>,
    "tpu.region"() ({
      %run_scoped3A = tpu.sem_alloc : memref<!tpu.dma_semaphore, #tpu.memory_space<semaphore_mem>>
      %dma_start3A = arith.constant 0 : i32
      %dma_start3A_273 = tpu.memref_slice %arg3[%add3A_138, %dma_start3A] : memref<64x128xf32, #tpu.memory_space<hbm>> -> memref<1x128xf32, #tpu.memory_space<hbm>>
      %dma_start3A_274 = tpu.memref_squeeze %dma_start3A_273 : memref<1x128xf32, #tpu.memory_space<hbm>> -> memref<128xf32, #tpu.memory_space<hbm>>
      %dma_start3A_275 = arith.constant 0 : i32
      %dma_start3A_276 = tpu.memref_slice %arg3[%add3A_138, %dma_start3A_275] : memref<64x128xf32, #tpu.memory_space<hbm>> -> memref<1x128xf32, #tpu.memory_space<hbm>>
      %dma_start3A_277 = tpu.memref_squeeze %dma_start3A_276 : memref<1x128xf32, #tpu.memory_space<hbm>> -> memref<128xf32, #tpu.memory_space<hbm>>
      tpu.enqueue_dma source(%arg5 : memref<128xf32, #tpu.memory_space<vmem>>) target(%dma_start3A_277 : memref<128xf32, #tpu.memory_space<hbm>>) target_semaphore(%run_scoped3A : memref<!tpu.dma_semaphore, #tpu.memory_space<semaphore_mem>>)
      %dma_wait3A = arith.constant 0 : i32
      %dma_wait3A_278 = tpu.memref_slice %arg3[%add3A_138, %dma_wait3A] : memref<64x128xf32, #tpu.memory_space<hbm>> -> memref<1x128xf32, #tpu.memory_space<hbm>>
      %dma_wait3A_279 = tpu.memref_squeeze %dma_wait3A_278 : memref<1x128xf32, #tpu.memory_space<hbm>> -> memref<128xf32, #tpu.memory_space<hbm>>
      %dma_wait3A_280 = arith.constant 0 : i32
      %dma_wait3A_281 = tpu.memref_slice %arg3[%add3A_138, %dma_wait3A_280] : memref<64x128xf32, #tpu.memory_space<hbm>> -> memref<1x128xf32, #tpu.memory_space<hbm>>
      %dma_wait3A_282 = tpu.memref_squeeze %dma_wait3A_281 : memref<1x128xf32, #tpu.memory_space<hbm>> -> memref<128xf32, #tpu.memory_space<hbm>>
      tpu.wait_dma2 semaphore(%run_scoped3A : memref<!tpu.dma_semaphore, #tpu.memory_space<semaphore_mem>>) src(%arg5 : memref<128xf32, #tpu.memory_space<vmem>>) dst(%dma_wait3A_282 : memref<128xf32, #tpu.memory_space<hbm>>)
      tpu.yield
    }) : () -> ()
    return
  }
}

module attributes {stable_mosaic.version = 14 : i64} {
  func.func @_ccn2_body(%arg0: i32, %arg1: memref<16x500x3xf32, #tpu.memory_space<vmem>>, %arg2: memref<16x3x500xf32, #tpu.memory_space<vmem>>, %arg3: memref<3x128xf32, #tpu.memory_space<vmem>>, %arg4: memref<1x128xf32, #tpu.memory_space<vmem>>, %arg5: memref<128x128xf32, #tpu.memory_space<vmem>>, %arg6: memref<1x128xf32, #tpu.memory_space<vmem>>, %arg7: memref<16x500x128xf32, #tpu.memory_space<vmem>>, %arg8: memref<16x1x128xf32, #tpu.memory_space<vmem>>) attributes {dimension_semantics = [#tpu.dimension_semantics<arbitrary>], iteration_bounds = array<i64: 4>, scalar_prefetch = 0 : i64, scratch_operands = 0 : i64, tpu.core_type = #tpu.core_type<tc>, window_params = [{transform_indices = @transform_0, window_bounds = array<i64: 16, 500, 3>}, {transform_indices = @transform_1, window_bounds = array<i64: 16, 3, 500>}, {pipeline_mode = #tpu.pipeline_mode<synchronous>, transform_indices = @transform_2, window_bounds = array<i64: 3, 128>}, {pipeline_mode = #tpu.pipeline_mode<synchronous>, transform_indices = @transform_3, window_bounds = array<i64: 1, 128>}, {pipeline_mode = #tpu.pipeline_mode<synchronous>, transform_indices = @transform_4, window_bounds = array<i64: 128, 128>}, {pipeline_mode = #tpu.pipeline_mode<synchronous>, transform_indices = @transform_5, window_bounds = array<i64: 1, 128>}, {transform_indices = @transform_6, window_bounds = array<i64: 16, 500, 128>}, {transform_indices = @transform_7, window_bounds = array<i64: 16, 1, 128>}]} {
    %get3A = arith.constant 0 : index
    %get3A_0 = arith.constant 0 : index
    %get3A_1 = arith.constant 0 : index
    %get3A_2 = vector.load %arg1[%get3A, %get3A_0, %get3A_1] : memref<16x500x3xf32, #tpu.memory_space<vmem>>, vector<1x500x3xf32>
    %get3A_3 = vector.shape_cast %get3A_2 : vector<1x500x3xf32> to vector<500x3xf32>
    %get3A_4 = arith.constant 0 : index
    %get3A_5 = arith.constant 0 : index
    %get3A_6 = arith.constant 0 : index
    %get3A_7 = vector.load %arg2[%get3A_4, %get3A_5, %get3A_6] : memref<16x3x500xf32, #tpu.memory_space<vmem>>, vector<1x3x500xf32>
    %get3A_8 = vector.shape_cast %get3A_7 : vector<1x3x500xf32> to vector<3x500xf32>
    %get3A_9 = arith.constant 0 : index
    %get3A_10 = arith.constant 0 : index
    %get3A_11 = vector.load %arg3[%get3A_9, %get3A_10] : memref<3x128xf32, #tpu.memory_space<vmem>>, vector<3x128xf32>
    %get3A_12 = arith.constant 0 : index
    %get3A_13 = arith.constant 0 : index
    %get3A_14 = vector.load %arg4[%get3A_12, %get3A_13] : memref<1x128xf32, #tpu.memory_space<vmem>>, vector<1x128xf32>
    %get3A_15 = arith.constant 0 : index
    %get3A_16 = arith.constant 0 : index
    %get3A_17 = vector.load %arg5[%get3A_15, %get3A_16] : memref<128x128xf32, #tpu.memory_space<vmem>>, vector<128x128xf32>
    %get3A_18 = arith.constant 0 : index
    %get3A_19 = arith.constant 0 : index
    %get3A_20 = vector.load %arg6[%get3A_18, %get3A_19] : memref<1x128xf32, #tpu.memory_space<vmem>>, vector<1x128xf32>
    %slice3A = vector.extract_strided_slice %get3A_3 {offsets = [0, 0], sizes = [500, 1], strides = [1, 1]} : vector<500x3xf32> to vector<500x1xf32>
    %slice3A_21 = vector.extract_strided_slice %get3A_3 {offsets = [0, 1], sizes = [500, 1], strides = [1, 1]} : vector<500x3xf32> to vector<500x1xf32>
    %slice3A_22 = vector.extract_strided_slice %get3A_8 {offsets = [0, 0], sizes = [1, 500], strides = [1, 1]} : vector<3x500xf32> to vector<1x500xf32>
    %slice3A_23 = vector.extract_strided_slice %get3A_8 {offsets = [1, 0], sizes = [1, 500], strides = [1, 1]} : vector<3x500xf32> to vector<1x500xf32>
    %sub3A = vector.broadcast %slice3A : vector<500x1xf32> to vector<500x500xf32>
    %sub3A_24 = vector.broadcast %slice3A_22 : vector<1x500xf32> to vector<500x500xf32>
    %sub3A_25 = arith.subf %sub3A, %sub3A_24 : vector<500x500xf32>
    %sub3A_26 = vector.broadcast %slice3A_21 : vector<500x1xf32> to vector<500x500xf32>
    %sub3A_27 = vector.broadcast %slice3A_23 : vector<1x500xf32> to vector<500x500xf32>
    %sub3A_28 = arith.subf %sub3A_26, %sub3A_27 : vector<500x500xf32>
    %mul3A = arith.mulf %sub3A_25, %sub3A_25 : vector<500x500xf32>
    %mul3A_29 = arith.mulf %sub3A_28, %sub3A_28 : vector<500x500xf32>
    %add3A = arith.addf %mul3A, %mul3A_29 : vector<500x500xf32>
    %le3A = arith.constant 3.025000e-03 : f32
    %le3A_30 = vector.broadcast %le3A : f32 to vector<500x500xf32>
    %le3A_31 = arith.cmpf ole, %add3A, %le3A_30 : vector<500x500xf32>
    %convert_element_type3A = arith.extui %le3A_31 : vector<500x500xi1> to vector<500x500xi32>
    %convert_element_type3A_32 = arith.sitofp %convert_element_type3A : vector<500x500xi32> to vector<500x500xf32>
    %convert_element_type3A_33 = arith.truncf %convert_element_type3A_32 : vector<500x500xf32> to vector<500x500xbf16>
    %dot_general3A = arith.constant dense<0.000000e+00> : vector<500x128xf32>
    %dot_general3A_34 = tpu.matmul %get3A_3, %get3A_11, %dot_general3A {dimension_numbers = #tpu.dot_dimension_numbers<[1], [0], [0], [1], [0, 0, 1, 1], [], []>, transpose_lhs_hint = false} : vector<500x3xf32>, vector<3x128xf32>, vector<500x128xf32> -> vector<500x128xf32>
    %add3A_35 = vector.broadcast %get3A_14 : vector<1x128xf32> to vector<500x128xf32>
    %add3A_36 = arith.addf %dot_general3A_34, %add3A_35 : vector<500x128xf32>
    %max3A = arith.constant 0.000000e+00 : f32
    %max3A_37 = vector.broadcast %max3A : f32 to vector<500x128xf32>
    %max3A_38 = arith.maximumf %add3A_36, %max3A_37 : vector<500x128xf32>
    %convert_element_type3A_39 = arith.truncf %max3A_38 : vector<500x128xf32> to vector<500x128xbf16>
    %convert_element_type3A_40 = arith.extf %convert_element_type3A_39 : vector<500x128xbf16> to vector<500x128xf32>
    %sub3A_41 = arith.subf %max3A_38, %convert_element_type3A_40 : vector<500x128xf32>
    %convert_element_type3A_42 = arith.truncf %sub3A_41 : vector<500x128xf32> to vector<500x128xbf16>
    %broadcast_in_dim3A = arith.constant 0.000000e+00 : bf16
    %broadcast_in_dim3A_43 = vector.broadcast %broadcast_in_dim3A : bf16 to vector<500x12xbf16>
    %concatenate3A = tpu.concatenate %convert_element_type3A_33, %broadcast_in_dim3A_43, %convert_element_type3A_39, %convert_element_type3A_42 in 1 : vector<500x500xbf16>, vector<500x12xbf16>, vector<500x128xbf16>, vector<500x128xbf16> -> vector<500x768xbf16>
    %dot_general3A_44 = arith.constant dense<0.000000e+00> : vector<500x768xf32>
    %dot_general3A_45 = tpu.matmul %convert_element_type3A_33, %concatenate3A, %dot_general3A_44 {dimension_numbers = #tpu.dot_dimension_numbers<[1], [0], [0], [1], [0, 0, 1, 1], [], []>, transpose_lhs_hint = false} : vector<500x500xbf16>, vector<500x768xbf16>, vector<500x768xf32> -> vector<500x768xf32>
    %slice3A_46 = vector.extract_strided_slice %dot_general3A_45 {offsets = [0, 0], sizes = [500, 500], strides = [1, 1]} : vector<500x768xf32> to vector<500x500xf32>
    %slice3A_47 = vector.extract_strided_slice %dot_general3A_45 {offsets = [0, 512], sizes = [500, 128], strides = [1, 1]} : vector<500x768xf32> to vector<500x128xf32>
    %slice3A_48 = vector.extract_strided_slice %dot_general3A_45 {offsets = [0, 640], sizes = [500, 128], strides = [1, 1]} : vector<500x768xf32> to vector<500x128xf32>
    %add3A_49 = arith.addf %slice3A_47, %slice3A_48 : vector<500x128xf32>
    %gt3A = arith.constant 0.000000e+00 : f32
    %gt3A_50 = vector.broadcast %gt3A : f32 to vector<500x500xf32>
    %gt3A_51 = arith.cmpf ogt, %slice3A_46, %gt3A_50 : vector<500x500xf32>
    %convert_element_type3A_52 = arith.extui %gt3A_51 : vector<500x500xi1> to vector<500x500xi32>
    %convert_element_type3A_53 = arith.sitofp %convert_element_type3A_52 : vector<500x500xi32> to vector<500x500xf32>
    %convert_element_type3A_54 = arith.truncf %convert_element_type3A_53 : vector<500x500xf32> to vector<500x500xbf16>
    %dot_general3A_55 = arith.constant dense<0.000000e+00> : vector<500x500xf32>
    %dot_general3A_56 = tpu.matmul %convert_element_type3A_54, %convert_element_type3A_33, %dot_general3A_55 {dimension_numbers = #tpu.dot_dimension_numbers<[1], [0], [0], [1], [0, 0, 1, 1], [], []>, transpose_lhs_hint = false} : vector<500x500xbf16>, vector<500x500xbf16>, vector<500x500xf32> -> vector<500x500xf32>
    %mul3A_57 = arith.mulf %convert_element_type3A_53, %dot_general3A_56 : vector<500x500xf32>
    %dot_general3A_58 = arith.constant dense<0.000000e+00> : vector<500x128xf32>
    %dot_general3A_59 = tpu.matmul %add3A_49, %get3A_17, %dot_general3A_58 {dimension_numbers = #tpu.dot_dimension_numbers<[1], [0], [0], [1], [0, 0, 1, 1], [], []>, transpose_lhs_hint = false} : vector<500x128xf32>, vector<128x128xf32>, vector<500x128xf32> -> vector<500x128xf32>
    %dot_general3A_60 = arith.constant dense<0.000000e+00> : vector<500x128xf32>
    %dot_general3A_61 = tpu.matmul %mul3A_57, %dot_general3A_59, %dot_general3A_60 {dimension_numbers = #tpu.dot_dimension_numbers<[1], [0], [0], [1], [0, 0, 1, 1], [], []>, transpose_lhs_hint = false} : vector<500x500xf32>, vector<500x128xf32>, vector<500x128xf32> -> vector<500x128xf32>
    %add3A_62 = vector.broadcast %get3A_20 : vector<1x128xf32> to vector<500x128xf32>
    %add3A_63 = arith.addf %dot_general3A_61, %add3A_62 : vector<500x128xf32>
    %max3A_64 = arith.constant 0.000000e+00 : f32
    %max3A_65 = vector.broadcast %max3A_64 : f32 to vector<500x128xf32>
    %max3A_66 = arith.maximumf %add3A_63, %max3A_65 : vector<500x128xf32>
    %swap3A = arith.constant 0 : index
    %swap3A_67 = arith.constant 0 : index
    %swap3A_68 = arith.constant 0 : index
    %swap3A_69 = vector.load %arg7[%swap3A, %swap3A_67, %swap3A_68] : memref<16x500x128xf32, #tpu.memory_space<vmem>>, vector<1x500x128xf32>
    %swap3A_70 = vector.shape_cast %swap3A_69 : vector<1x500x128xf32> to vector<500x128xf32>
    %swap3A_71 = vector.shape_cast %max3A_66 : vector<500x128xf32> to vector<1x500x128xf32>
    tpu.vector_store %arg7[%swap3A, %swap3A_67, %swap3A_68], %swap3A_71 {strides = array<i32>} : memref<16x500x128xf32, #tpu.memory_space<vmem>>, vector<1x500x128xf32>,
    %reduce_sum3A = arith.constant dense<0.000000e+00> : vector<128xf32>
    %reduce_sum3A_72 = vector.multi_reduction <add>, %max3A_66, %reduce_sum3A [0] : vector<500x128xf32> to vector<128xf32>
    %div3A = arith.constant 5.000000e+02 : f32
    %div3A_73 = vector.broadcast %div3A : f32 to vector<128xf32>
    %div3A_74 = arith.divf %reduce_sum3A_72, %div3A_73 : vector<128xf32>
    %swap3A_75 = arith.constant 0 : index
    %swap3A_76 = arith.constant 0 : index
    %swap3A_77 = arith.constant 0 : index
    %swap3A_78 = vector.load %arg8[%swap3A_75, %swap3A_76, %swap3A_77] : memref<16x1x128xf32, #tpu.memory_space<vmem>>, vector<1x1x128xf32>
    %swap3A_79 = vector.shape_cast %swap3A_78 : vector<1x1x128xf32> to vector<128xf32>
    %swap3A_80 = vector.shape_cast %div3A_74 : vector<128xf32> to vector<1x1x128xf32>
    tpu.vector_store %arg8[%swap3A_75, %swap3A_76, %swap3A_77], %swap3A_80 {strides = array<i32>} : memref<16x1x128xf32, #tpu.memory_space<vmem>>, vector<1x1x128xf32>,
    %get3A_81 = arith.constant 1 : index
    %get3A_82 = arith.constant 0 : index
    %get3A_83 = arith.constant 0 : index
    %get3A_84 = vector.load %arg1[%get3A_81, %get3A_82, %get3A_83] : memref<16x500x3xf32, #tpu.memory_space<vmem>>, vector<1x500x3xf32>
    %get3A_85 = vector.shape_cast %get3A_84 : vector<1x500x3xf32> to vector<500x3xf32>
    %get3A_86 = arith.constant 1 : index
    %get3A_87 = arith.constant 0 : index
    %get3A_88 = arith.constant 0 : index
    %get3A_89 = vector.load %arg2[%get3A_86, %get3A_87, %get3A_88] : memref<16x3x500xf32, #tpu.memory_space<vmem>>, vector<1x3x500xf32>
    %get3A_90 = vector.shape_cast %get3A_89 : vector<1x3x500xf32> to vector<3x500xf32>
    %get3A_91 = arith.constant 0 : index
    %get3A_92 = arith.constant 0 : index
    %get3A_93 = vector.load %arg3[%get3A_91, %get3A_92] : memref<3x128xf32, #tpu.memory_space<vmem>>, vector<3x128xf32>
    %get3A_94 = arith.constant 0 : index
    %get3A_95 = arith.constant 0 : index
    %get3A_96 = vector.load %arg4[%get3A_94, %get3A_95] : memref<1x128xf32, #tpu.memory_space<vmem>>, vector<1x128xf32>
    %get3A_97 = arith.constant 0 : index
    %get3A_98 = arith.constant 0 : index
    %get3A_99 = vector.load %arg5[%get3A_97, %get3A_98] : memref<128x128xf32, #tpu.memory_space<vmem>>, vector<128x128xf32>
    %get3A_100 = arith.constant 0 : index
    %get3A_101 = arith.constant 0 : index
    %get3A_102 = vector.load %arg6[%get3A_100, %get3A_101] : memref<1x128xf32, #tpu.memory_space<vmem>>, vector<1x128xf32>
    %slice3A_103 = vector.extract_strided_slice %get3A_85 {offsets = [0, 0], sizes = [500, 1], strides = [1, 1]} : vector<500x3xf32> to vector<500x1xf32>
    %slice3A_104 = vector.extract_strided_slice %get3A_85 {offsets = [0, 1], sizes = [500, 1], strides = [1, 1]} : vector<500x3xf32> to vector<500x1xf32>
    %slice3A_105 = vector.extract_strided_slice %get3A_90 {offsets = [0, 0], sizes = [1, 500], strides = [1, 1]} : vector<3x500xf32> to vector<1x500xf32>
    %slice3A_106 = vector.extract_strided_slice %get3A_90 {offsets = [1, 0], sizes = [1, 500], strides = [1, 1]} : vector<3x500xf32> to vector<1x500xf32>
    %sub3A_107 = vector.broadcast %slice3A_103 : vector<500x1xf32> to vector<500x500xf32>
    %sub3A_108 = vector.broadcast %slice3A_105 : vector<1x500xf32> to vector<500x500xf32>
    %sub3A_109 = arith.subf %sub3A_107, %sub3A_108 : vector<500x500xf32>
    %sub3A_110 = vector.broadcast %slice3A_104 : vector<500x1xf32> to vector<500x500xf32>
    %sub3A_111 = vector.broadcast %slice3A_106 : vector<1x500xf32> to vector<500x500xf32>
    %sub3A_112 = arith.subf %sub3A_110, %sub3A_111 : vector<500x500xf32>
    %mul3A_113 = arith.mulf %sub3A_109, %sub3A_109 : vector<500x500xf32>
    %mul3A_114 = arith.mulf %sub3A_112, %sub3A_112 : vector<500x500xf32>
    %add3A_115 = arith.addf %mul3A_113, %mul3A_114 : vector<500x500xf32>
    %le3A_116 = arith.constant 3.025000e-03 : f32
    %le3A_117 = vector.broadcast %le3A_116 : f32 to vector<500x500xf32>
    %le3A_118 = arith.cmpf ole, %add3A_115, %le3A_117 : vector<500x500xf32>
    %convert_element_type3A_119 = arith.extui %le3A_118 : vector<500x500xi1> to vector<500x500xi32>
    %convert_element_type3A_120 = arith.sitofp %convert_element_type3A_119 : vector<500x500xi32> to vector<500x500xf32>
    %convert_element_type3A_121 = arith.truncf %convert_element_type3A_120 : vector<500x500xf32> to vector<500x500xbf16>
    %dot_general3A_122 = arith.constant dense<0.000000e+00> : vector<500x128xf32>
    %dot_general3A_123 = tpu.matmul %get3A_85, %get3A_93, %dot_general3A_122 {dimension_numbers = #tpu.dot_dimension_numbers<[1], [0], [0], [1], [0, 0, 1, 1], [], []>, transpose_lhs_hint = false} : vector<500x3xf32>, vector<3x128xf32>, vector<500x128xf32> -> vector<500x128xf32>
    %add3A_124 = vector.broadcast %get3A_96 : vector<1x128xf32> to vector<500x128xf32>
    %add3A_125 = arith.addf %dot_general3A_123, %add3A_124 : vector<500x128xf32>
    %max3A_126 = arith.constant 0.000000e+00 : f32
    %max3A_127 = vector.broadcast %max3A_126 : f32 to vector<500x128xf32>
    %max3A_128 = arith.maximumf %add3A_125, %max3A_127 : vector<500x128xf32>
    %convert_element_type3A_129 = arith.truncf %max3A_128 : vector<500x128xf32> to vector<500x128xbf16>
    %convert_element_type3A_130 = arith.extf %convert_element_type3A_129 : vector<500x128xbf16> to vector<500x128xf32>
    %sub3A_131 = arith.subf %max3A_128, %convert_element_type3A_130 : vector<500x128xf32>
    %convert_element_type3A_132 = arith.truncf %sub3A_131 : vector<500x128xf32> to vector<500x128xbf16>
    %broadcast_in_dim3A_133 = arith.constant 0.000000e+00 : bf16
    %broadcast_in_dim3A_134 = vector.broadcast %broadcast_in_dim3A_133 : bf16 to vector<500x12xbf16>
    %concatenate3A_135 = tpu.concatenate %convert_element_type3A_121, %broadcast_in_dim3A_134, %convert_element_type3A_129, %convert_element_type3A_132 in 1 : vector<500x500xbf16>, vector<500x12xbf16>, vector<500x128xbf16>, vector<500x128xbf16> -> vector<500x768xbf16>
    %dot_general3A_136 = arith.constant dense<0.000000e+00> : vector<500x768xf32>
    %dot_general3A_137 = tpu.matmul %convert_element_type3A_121, %concatenate3A_135, %dot_general3A_136 {dimension_numbers = #tpu.dot_dimension_numbers<[1], [0], [0], [1], [0, 0, 1, 1], [], []>, transpose_lhs_hint = false} : vector<500x500xbf16>, vector<500x768xbf16>, vector<500x768xf32> -> vector<500x768xf32>
    %slice3A_138 = vector.extract_strided_slice %dot_general3A_137 {offsets = [0, 0], sizes = [500, 500], strides = [1, 1]} : vector<500x768xf32> to vector<500x500xf32>
    %slice3A_139 = vector.extract_strided_slice %dot_general3A_137 {offsets = [0, 512], sizes = [500, 128], strides = [1, 1]} : vector<500x768xf32> to vector<500x128xf32>
    %slice3A_140 = vector.extract_strided_slice %dot_general3A_137 {offsets = [0, 640], sizes = [500, 128], strides = [1, 1]} : vector<500x768xf32> to vector<500x128xf32>
    %add3A_141 = arith.addf %slice3A_139, %slice3A_140 : vector<500x128xf32>
    %gt3A_142 = arith.constant 0.000000e+00 : f32
    %gt3A_143 = vector.broadcast %gt3A_142 : f32 to vector<500x500xf32>
    %gt3A_144 = arith.cmpf ogt, %slice3A_138, %gt3A_143 : vector<500x500xf32>
    %convert_element_type3A_145 = arith.extui %gt3A_144 : vector<500x500xi1> to vector<500x500xi32>
    %convert_element_type3A_146 = arith.sitofp %convert_element_type3A_145 : vector<500x500xi32> to vector<500x500xf32>
    %convert_element_type3A_147 = arith.truncf %convert_element_type3A_146 : vector<500x500xf32> to vector<500x500xbf16>
    %dot_general3A_148 = arith.constant dense<0.000000e+00> : vector<500x500xf32>
    %dot_general3A_149 = tpu.matmul %convert_element_type3A_147, %convert_element_type3A_121, %dot_general3A_148 {dimension_numbers = #tpu.dot_dimension_numbers<[1], [0], [0], [1], [0, 0, 1, 1], [], []>, transpose_lhs_hint = false} : vector<500x500xbf16>, vector<500x500xbf16>, vector<500x500xf32> -> vector<500x500xf32>
    %mul3A_150 = arith.mulf %convert_element_type3A_146, %dot_general3A_149 : vector<500x500xf32>
    %dot_general3A_151 = arith.constant dense<0.000000e+00> : vector<500x128xf32>
    %dot_general3A_152 = tpu.matmul %add3A_141, %get3A_99, %dot_general3A_151 {dimension_numbers = #tpu.dot_dimension_numbers<[1], [0], [0], [1], [0, 0, 1, 1], [], []>, transpose_lhs_hint = false} : vector<500x128xf32>, vector<128x128xf32>, vector<500x128xf32> -> vector<500x128xf32>
    %dot_general3A_153 = arith.constant dense<0.000000e+00> : vector<500x128xf32>
    %dot_general3A_154 = tpu.matmul %mul3A_150, %dot_general3A_152, %dot_general3A_153 {dimension_numbers = #tpu.dot_dimension_numbers<[1], [0], [0], [1], [0, 0, 1, 1], [], []>, transpose_lhs_hint = false} : vector<500x500xf32>, vector<500x128xf32>, vector<500x128xf32> -> vector<500x128xf32>
    %add3A_155 = vector.broadcast %get3A_102 : vector<1x128xf32> to vector<500x128xf32>
    %add3A_156 = arith.addf %dot_general3A_154, %add3A_155 : vector<500x128xf32>
    %max3A_157 = arith.constant 0.000000e+00 : f32
    %max3A_158 = vector.broadcast %max3A_157 : f32 to vector<500x128xf32>
    %max3A_159 = arith.maximumf %add3A_156, %max3A_158 : vector<500x128xf32>
    %swap3A_160 = arith.constant 1 : index
    %swap3A_161 = arith.constant 0 : index
    %swap3A_162 = arith.constant 0 : index
    %swap3A_163 = vector.load %arg7[%swap3A_160, %swap3A_161, %swap3A_162] : memref<16x500x128xf32, #tpu.memory_space<vmem>>, vector<1x500x128xf32>
    %swap3A_164 = vector.shape_cast %swap3A_163 : vector<1x500x128xf32> to vector<500x128xf32>
    %swap3A_165 = vector.shape_cast %max3A_159 : vector<500x128xf32> to vector<1x500x128xf32>
    tpu.vector_store %arg7[%swap3A_160, %swap3A_161, %swap3A_162], %swap3A_165 {strides = array<i32>} : memref<16x500x128xf32, #tpu.memory_space<vmem>>, vector<1x500x128xf32>,
    %reduce_sum3A_166 = arith.constant dense<0.000000e+00> : vector<128xf32>
    %reduce_sum3A_167 = vector.multi_reduction <add>, %max3A_159, %reduce_sum3A_166 [0] : vector<500x128xf32> to vector<128xf32>
    %div3A_168 = arith.constant 5.000000e+02 : f32
    %div3A_169 = vector.broadcast %div3A_168 : f32 to vector<128xf32>
    %div3A_170 = arith.divf %reduce_sum3A_167, %div3A_169 : vector<128xf32>
    %swap3A_171 = arith.constant 1 : index
    %swap3A_172 = arith.constant 0 : index
    %swap3A_173 = arith.constant 0 : index
    %swap3A_174 = vector.load %arg8[%swap3A_171, %swap3A_172, %swap3A_173] : memref<16x1x128xf32, #tpu.memory_space<vmem>>, vector<1x1x128xf32>
    %swap3A_175 = vector.shape_cast %swap3A_174 : vector<1x1x128xf32> to vector<128xf32>
    %swap3A_176 = vector.shape_cast %div3A_170 : vector<128xf32> to vector<1x1x128xf32>
    tpu.vector_store %arg8[%swap3A_171, %swap3A_172, %swap3A_173], %swap3A_176 {strides = array<i32>} : memref<16x1x128xf32, #tpu.memory_space<vmem>>, vector<1x1x128xf32>,
    %get3A_177 = arith.constant 2 : index
    %get3A_178 = arith.constant 0 : index
    %get3A_179 = arith.constant 0 : index
    %get3A_180 = vector.load %arg1[%get3A_177, %get3A_178, %get3A_179] : memref<16x500x3xf32, #tpu.memory_space<vmem>>, vector<1x500x3xf32>
    %get3A_181 = vector.shape_cast %get3A_180 : vector<1x500x3xf32> to vector<500x3xf32>
    %get3A_182 = arith.constant 2 : index
    %get3A_183 = arith.constant 0 : index
    %get3A_184 = arith.constant 0 : index
    %get3A_185 = vector.load %arg2[%get3A_182, %get3A_183, %get3A_184] : memref<16x3x500xf32, #tpu.memory_space<vmem>>, vector<1x3x500xf32>
    %get3A_186 = vector.shape_cast %get3A_185 : vector<1x3x500xf32> to vector<3x500xf32>
    %get3A_187 = arith.constant 0 : index
    %get3A_188 = arith.constant 0 : index
    %get3A_189 = vector.load %arg3[%get3A_187, %get3A_188] : memref<3x128xf32, #tpu.memory_space<vmem>>, vector<3x128xf32>
    %get3A_190 = arith.constant 0 : index
    %get3A_191 = arith.constant 0 : index
    %get3A_192 = vector.load %arg4[%get3A_190, %get3A_191] : memref<1x128xf32, #tpu.memory_space<vmem>>, vector<1x128xf32>
    %get3A_193 = arith.constant 0 : index
    %get3A_194 = arith.constant 0 : index
    %get3A_195 = vector.load %arg5[%get3A_193, %get3A_194] : memref<128x128xf32, #tpu.memory_space<vmem>>, vector<128x128xf32>
    %get3A_196 = arith.constant 0 : index
    %get3A_197 = arith.constant 0 : index
    %get3A_198 = vector.load %arg6[%get3A_196, %get3A_197] : memref<1x128xf32, #tpu.memory_space<vmem>>, vector<1x128xf32>
    %slice3A_199 = vector.extract_strided_slice %get3A_181 {offsets = [0, 0], sizes = [500, 1], strides = [1, 1]} : vector<500x3xf32> to vector<500x1xf32>
    %slice3A_200 = vector.extract_strided_slice %get3A_181 {offsets = [0, 1], sizes = [500, 1], strides = [1, 1]} : vector<500x3xf32> to vector<500x1xf32>
    %slice3A_201 = vector.extract_strided_slice %get3A_186 {offsets = [0, 0], sizes = [1, 500], strides = [1, 1]} : vector<3x500xf32> to vector<1x500xf32>
    %slice3A_202 = vector.extract_strided_slice %get3A_186 {offsets = [1, 0], sizes = [1, 500], strides = [1, 1]} : vector<3x500xf32> to vector<1x500xf32>
    %sub3A_203 = vector.broadcast %slice3A_199 : vector<500x1xf32> to vector<500x500xf32>
    %sub3A_204 = vector.broadcast %slice3A_201 : vector<1x500xf32> to vector<500x500xf32>
    %sub3A_205 = arith.subf %sub3A_203, %sub3A_204 : vector<500x500xf32>
    %sub3A_206 = vector.broadcast %slice3A_200 : vector<500x1xf32> to vector<500x500xf32>
    %sub3A_207 = vector.broadcast %slice3A_202 : vector<1x500xf32> to vector<500x500xf32>
    %sub3A_208 = arith.subf %sub3A_206, %sub3A_207 : vector<500x500xf32>
    %mul3A_209 = arith.mulf %sub3A_205, %sub3A_205 : vector<500x500xf32>
    %mul3A_210 = arith.mulf %sub3A_208, %sub3A_208 : vector<500x500xf32>
    %add3A_211 = arith.addf %mul3A_209, %mul3A_210 : vector<500x500xf32>
    %le3A_212 = arith.constant 3.025000e-03 : f32
    %le3A_213 = vector.broadcast %le3A_212 : f32 to vector<500x500xf32>
    %le3A_214 = arith.cmpf ole, %add3A_211, %le3A_213 : vector<500x500xf32>
    %convert_element_type3A_215 = arith.extui %le3A_214 : vector<500x500xi1> to vector<500x500xi32>
    %convert_element_type3A_216 = arith.sitofp %convert_element_type3A_215 : vector<500x500xi32> to vector<500x500xf32>
    %convert_element_type3A_217 = arith.truncf %convert_element_type3A_216 : vector<500x500xf32> to vector<500x500xbf16>
    %dot_general3A_218 = arith.constant dense<0.000000e+00> : vector<500x128xf32>
    %dot_general3A_219 = tpu.matmul %get3A_181, %get3A_189, %dot_general3A_218 {dimension_numbers = #tpu.dot_dimension_numbers<[1], [0], [0], [1], [0, 0, 1, 1], [], []>, transpose_lhs_hint = false} : vector<500x3xf32>, vector<3x128xf32>, vector<500x128xf32> -> vector<500x128xf32>
    %add3A_220 = vector.broadcast %get3A_192 : vector<1x128xf32> to vector<500x128xf32>
    %add3A_221 = arith.addf %dot_general3A_219, %add3A_220 : vector<500x128xf32>
    %max3A_222 = arith.constant 0.000000e+00 : f32
    %max3A_223 = vector.broadcast %max3A_222 : f32 to vector<500x128xf32>
    %max3A_224 = arith.maximumf %add3A_221, %max3A_223 : vector<500x128xf32>
    %convert_element_type3A_225 = arith.truncf %max3A_224 : vector<500x128xf32> to vector<500x128xbf16>
    %convert_element_type3A_226 = arith.extf %convert_element_type3A_225 : vector<500x128xbf16> to vector<500x128xf32>
    %sub3A_227 = arith.subf %max3A_224, %convert_element_type3A_226 : vector<500x128xf32>
    %convert_element_type3A_228 = arith.truncf %sub3A_227 : vector<500x128xf32> to vector<500x128xbf16>
    %broadcast_in_dim3A_229 = arith.constant 0.000000e+00 : bf16
    %broadcast_in_dim3A_230 = vector.broadcast %broadcast_in_dim3A_229 : bf16 to vector<500x12xbf16>
    %concatenate3A_231 = tpu.concatenate %convert_element_type3A_217, %broadcast_in_dim3A_230, %convert_element_type3A_225, %convert_element_type3A_228 in 1 : vector<500x500xbf16>, vector<500x12xbf16>, vector<500x128xbf16>, vector<500x128xbf16> -> vector<500x768xbf16>
    %dot_general3A_232 = arith.constant dense<0.000000e+00> : vector<500x768xf32>
    %dot_general3A_233 = tpu.matmul %convert_element_type3A_217, %concatenate3A_231, %dot_general3A_232 {dimension_numbers = #tpu.dot_dimension_numbers<[1], [0], [0], [1], [0, 0, 1, 1], [], []>, transpose_lhs_hint = false} : vector<500x500xbf16>, vector<500x768xbf16>, vector<500x768xf32> -> vector<500x768xf32>
    %slice3A_234 = vector.extract_strided_slice %dot_general3A_233 {offsets = [0, 0], sizes = [500, 500], strides = [1, 1]} : vector<500x768xf32> to vector<500x500xf32>
    %slice3A_235 = vector.extract_strided_slice %dot_general3A_233 {offsets = [0, 512], sizes = [500, 128], strides = [1, 1]} : vector<500x768xf32> to vector<500x128xf32>
    %slice3A_236 = vector.extract_strided_slice %dot_general3A_233 {offsets = [0, 640], sizes = [500, 128], strides = [1, 1]} : vector<500x768xf32> to vector<500x128xf32>
    %add3A_237 = arith.addf %slice3A_235, %slice3A_236 : vector<500x128xf32>
    %gt3A_238 = arith.constant 0.000000e+00 : f32
    %gt3A_239 = vector.broadcast %gt3A_238 : f32 to vector<500x500xf32>
    %gt3A_240 = arith.cmpf ogt, %slice3A_234, %gt3A_239 : vector<500x500xf32>
    %convert_element_type3A_241 = arith.extui %gt3A_240 : vector<500x500xi1> to vector<500x500xi32>
    %convert_element_type3A_242 = arith.sitofp %convert_element_type3A_241 : vector<500x500xi32> to vector<500x500xf32>
    %convert_element_type3A_243 = arith.truncf %convert_element_type3A_242 : vector<500x500xf32> to vector<500x500xbf16>
    %dot_general3A_244 = arith.constant dense<0.000000e+00> : vector<500x500xf32>
    %dot_general3A_245 = tpu.matmul %convert_element_type3A_243, %convert_element_type3A_217, %dot_general3A_244 {dimension_numbers = #tpu.dot_dimension_numbers<[1], [0], [0], [1], [0, 0, 1, 1], [], []>, transpose_lhs_hint = false} : vector<500x500xbf16>, vector<500x500xbf16>, vector<500x500xf32> -> vector<500x500xf32>
    %mul3A_246 = arith.mulf %convert_element_type3A_242, %dot_general3A_245 : vector<500x500xf32>
    %dot_general3A_247 = arith.constant dense<0.000000e+00> : vector<500x128xf32>
    %dot_general3A_248 = tpu.matmul %add3A_237, %get3A_195, %dot_general3A_247 {dimension_numbers = #tpu.dot_dimension_numbers<[1], [0], [0], [1], [0, 0, 1, 1], [], []>, transpose_lhs_hint = false} : vector<500x128xf32>, vector<128x128xf32>, vector<500x128xf32> -> vector<500x128xf32>
    %dot_general3A_249 = arith.constant dense<0.000000e+00> : vector<500x128xf32>
    %dot_general3A_250 = tpu.matmul %mul3A_246, %dot_general3A_248, %dot_general3A_249 {dimension_numbers = #tpu.dot_dimension_numbers<[1], [0], [0], [1], [0, 0, 1, 1], [], []>, transpose_lhs_hint = false} : vector<500x500xf32>, vector<500x128xf32>, vector<500x128xf32> -> vector<500x128xf32>
    %add3A_251 = vector.broadcast %get3A_198 : vector<1x128xf32> to vector<500x128xf32>
    %add3A_252 = arith.addf %dot_general3A_250, %add3A_251 : vector<500x128xf32>
    %max3A_253 = arith.constant 0.000000e+00 : f32
    %max3A_254 = vector.broadcast %max3A_253 : f32 to vector<500x128xf32>
    %max3A_255 = arith.maximumf %add3A_252, %max3A_254 : vector<500x128xf32>
    %swap3A_256 = arith.constant 2 : index
    %swap3A_257 = arith.constant 0 : index
    %swap3A_258 = arith.constant 0 : index
    %swap3A_259 = vector.load %arg7[%swap3A_256, %swap3A_257, %swap3A_258] : memref<16x500x128xf32, #tpu.memory_space<vmem>>, vector<1x500x128xf32>
    %swap3A_260 = vector.shape_cast %swap3A_259 : vector<1x500x128xf32> to vector<500x128xf32>
    %swap3A_261 = vector.shape_cast %max3A_255 : vector<500x128xf32> to vector<1x500x128xf32>
    tpu.vector_store %arg7[%swap3A_256, %swap3A_257, %swap3A_258], %swap3A_261 {strides = array<i32>} : memref<16x500x128xf32, #tpu.memory_space<vmem>>, vector<1x500x128xf32>,
    %reduce_sum3A_262 = arith.constant dense<0.000000e+00> : vector<128xf32>
    %reduce_sum3A_263 = vector.multi_reduction <add>, %max3A_255, %reduce_sum3A_262 [0] : vector<500x128xf32> to vector<128xf32>
    %div3A_264 = arith.constant 5.000000e+02 : f32
    %div3A_265 = vector.broadcast %div3A_264 : f32 to vector<128xf32>
    %div3A_266 = arith.divf %reduce_sum3A_263, %div3A_265 : vector<128xf32>
    %swap3A_267 = arith.constant 2 : index
    %swap3A_268 = arith.constant 0 : index
    %swap3A_269 = arith.constant 0 : index
    %swap3A_270 = vector.load %arg8[%swap3A_267, %swap3A_268, %swap3A_269] : memref<16x1x128xf32, #tpu.memory_space<vmem>>, vector<1x1x128xf32>
    %swap3A_271 = vector.shape_cast %swap3A_270 : vector<1x1x128xf32> to vector<128xf32>
    %swap3A_272 = vector.shape_cast %div3A_266 : vector<128xf32> to vector<1x1x128xf32>
    tpu.vector_store %arg8[%swap3A_267, %swap3A_268, %swap3A_269], %swap3A_272 {strides = array<i32>} : memref<16x1x128xf32, #tpu.memory_space<vmem>>, vector<1x1x128xf32>,
    %get3A_273 = arith.constant 3 : index
    %get3A_274 = arith.constant 0 : index
    %get3A_275 = arith.constant 0 : index
    %get3A_276 = vector.load %arg1[%get3A_273, %get3A_274, %get3A_275] : memref<16x500x3xf32, #tpu.memory_space<vmem>>, vector<1x500x3xf32>
    %get3A_277 = vector.shape_cast %get3A_276 : vector<1x500x3xf32> to vector<500x3xf32>
    %get3A_278 = arith.constant 3 : index
    %get3A_279 = arith.constant 0 : index
    %get3A_280 = arith.constant 0 : index
    %get3A_281 = vector.load %arg2[%get3A_278, %get3A_279, %get3A_280] : memref<16x3x500xf32, #tpu.memory_space<vmem>>, vector<1x3x500xf32>
    %get3A_282 = vector.shape_cast %get3A_281 : vector<1x3x500xf32> to vector<3x500xf32>
    %get3A_283 = arith.constant 0 : index
    %get3A_284 = arith.constant 0 : index
    %get3A_285 = vector.load %arg3[%get3A_283, %get3A_284] : memref<3x128xf32, #tpu.memory_space<vmem>>, vector<3x128xf32>
    %get3A_286 = arith.constant 0 : index
    %get3A_287 = arith.constant 0 : index
    %get3A_288 = vector.load %arg4[%get3A_286, %get3A_287] : memref<1x128xf32, #tpu.memory_space<vmem>>, vector<1x128xf32>
    %get3A_289 = arith.constant 0 : index
    %get3A_290 = arith.constant 0 : index
    %get3A_291 = vector.load %arg5[%get3A_289, %get3A_290] : memref<128x128xf32, #tpu.memory_space<vmem>>, vector<128x128xf32>
    %get3A_292 = arith.constant 0 : index
    %get3A_293 = arith.constant 0 : index
    %get3A_294 = vector.load %arg6[%get3A_292, %get3A_293] : memref<1x128xf32, #tpu.memory_space<vmem>>, vector<1x128xf32>
    %slice3A_295 = vector.extract_strided_slice %get3A_277 {offsets = [0, 0], sizes = [500, 1], strides = [1, 1]} : vector<500x3xf32> to vector<500x1xf32>
    %slice3A_296 = vector.extract_strided_slice %get3A_277 {offsets = [0, 1], sizes = [500, 1], strides = [1, 1]} : vector<500x3xf32> to vector<500x1xf32>
    %slice3A_297 = vector.extract_strided_slice %get3A_282 {offsets = [0, 0], sizes = [1, 500], strides = [1, 1]} : vector<3x500xf32> to vector<1x500xf32>
    %slice3A_298 = vector.extract_strided_slice %get3A_282 {offsets = [1, 0], sizes = [1, 500], strides = [1, 1]} : vector<3x500xf32> to vector<1x500xf32>
    %sub3A_299 = vector.broadcast %slice3A_295 : vector<500x1xf32> to vector<500x500xf32>
    %sub3A_300 = vector.broadcast %slice3A_297 : vector<1x500xf32> to vector<500x500xf32>
    %sub3A_301 = arith.subf %sub3A_299, %sub3A_300 : vector<500x500xf32>
    %sub3A_302 = vector.broadcast %slice3A_296 : vector<500x1xf32> to vector<500x500xf32>
    %sub3A_303 = vector.broadcast %slice3A_298 : vector<1x500xf32> to vector<500x500xf32>
    %sub3A_304 = arith.subf %sub3A_302, %sub3A_303 : vector<500x500xf32>
    %mul3A_305 = arith.mulf %sub3A_301, %sub3A_301 : vector<500x500xf32>
    %mul3A_306 = arith.mulf %sub3A_304, %sub3A_304 : vector<500x500xf32>
    %add3A_307 = arith.addf %mul3A_305, %mul3A_306 : vector<500x500xf32>
    %le3A_308 = arith.constant 3.025000e-03 : f32
    %le3A_309 = vector.broadcast %le3A_308 : f32 to vector<500x500xf32>
    %le3A_310 = arith.cmpf ole, %add3A_307, %le3A_309 : vector<500x500xf32>
    %convert_element_type3A_311 = arith.extui %le3A_310 : vector<500x500xi1> to vector<500x500xi32>
    %convert_element_type3A_312 = arith.sitofp %convert_element_type3A_311 : vector<500x500xi32> to vector<500x500xf32>
    %convert_element_type3A_313 = arith.truncf %convert_element_type3A_312 : vector<500x500xf32> to vector<500x500xbf16>
    %dot_general3A_314 = arith.constant dense<0.000000e+00> : vector<500x128xf32>
    %dot_general3A_315 = tpu.matmul %get3A_277, %get3A_285, %dot_general3A_314 {dimension_numbers = #tpu.dot_dimension_numbers<[1], [0], [0], [1], [0, 0, 1, 1], [], []>, transpose_lhs_hint = false} : vector<500x3xf32>, vector<3x128xf32>, vector<500x128xf32> -> vector<500x128xf32>
    %add3A_316 = vector.broadcast %get3A_288 : vector<1x128xf32> to vector<500x128xf32>
    %add3A_317 = arith.addf %dot_general3A_315, %add3A_316 : vector<500x128xf32>
    %max3A_318 = arith.constant 0.000000e+00 : f32
    %max3A_319 = vector.broadcast %max3A_318 : f32 to vector<500x128xf32>
    %max3A_320 = arith.maximumf %add3A_317, %max3A_319 : vector<500x128xf32>
    %convert_element_type3A_321 = arith.truncf %max3A_320 : vector<500x128xf32> to vector<500x128xbf16>
    %convert_element_type3A_322 = arith.extf %convert_element_type3A_321 : vector<500x128xbf16> to vector<500x128xf32>
    %sub3A_323 = arith.subf %max3A_320, %convert_element_type3A_322 : vector<500x128xf32>
    %convert_element_type3A_324 = arith.truncf %sub3A_323 : vector<500x128xf32> to vector<500x128xbf16>
    %broadcast_in_dim3A_325 = arith.constant 0.000000e+00 : bf16
    %broadcast_in_dim3A_326 = vector.broadcast %broadcast_in_dim3A_325 : bf16 to vector<500x12xbf16>
    %concatenate3A_327 = tpu.concatenate %convert_element_type3A_313, %broadcast_in_dim3A_326, %convert_element_type3A_321, %convert_element_type3A_324 in 1 : vector<500x500xbf16>, vector<500x12xbf16>, vector<500x128xbf16>, vector<500x128xbf16> -> vector<500x768xbf16>
    %dot_general3A_328 = arith.constant dense<0.000000e+00> : vector<500x768xf32>
    %dot_general3A_329 = tpu.matmul %convert_element_type3A_313, %concatenate3A_327, %dot_general3A_328 {dimension_numbers = #tpu.dot_dimension_numbers<[1], [0], [0], [1], [0, 0, 1, 1], [], []>, transpose_lhs_hint = false} : vector<500x500xbf16>, vector<500x768xbf16>, vector<500x768xf32> -> vector<500x768xf32>
    %slice3A_330 = vector.extract_strided_slice %dot_general3A_329 {offsets = [0, 0], sizes = [500, 500], strides = [1, 1]} : vector<500x768xf32> to vector<500x500xf32>
    %slice3A_331 = vector.extract_strided_slice %dot_general3A_329 {offsets = [0, 512], sizes = [500, 128], strides = [1, 1]} : vector<500x768xf32> to vector<500x128xf32>
    %slice3A_332 = vector.extract_strided_slice %dot_general3A_329 {offsets = [0, 640], sizes = [500, 128], strides = [1, 1]} : vector<500x768xf32> to vector<500x128xf32>
    %add3A_333 = arith.addf %slice3A_331, %slice3A_332 : vector<500x128xf32>
    %gt3A_334 = arith.constant 0.000000e+00 : f32
    %gt3A_335 = vector.broadcast %gt3A_334 : f32 to vector<500x500xf32>
    %gt3A_336 = arith.cmpf ogt, %slice3A_330, %gt3A_335 : vector<500x500xf32>
    %convert_element_type3A_337 = arith.extui %gt3A_336 : vector<500x500xi1> to vector<500x500xi32>
    %convert_element_type3A_338 = arith.sitofp %convert_element_type3A_337 : vector<500x500xi32> to vector<500x500xf32>
    %convert_element_type3A_339 = arith.truncf %convert_element_type3A_338 : vector<500x500xf32> to vector<500x500xbf16>
    %dot_general3A_340 = arith.constant dense<0.000000e+00> : vector<500x500xf32>
    %dot_general3A_341 = tpu.matmul %convert_element_type3A_339, %convert_element_type3A_313, %dot_general3A_340 {dimension_numbers = #tpu.dot_dimension_numbers<[1], [0], [0], [1], [0, 0, 1, 1], [], []>, transpose_lhs_hint = false} : vector<500x500xbf16>, vector<500x500xbf16>, vector<500x500xf32> -> vector<500x500xf32>
    %mul3A_342 = arith.mulf %convert_element_type3A_338, %dot_general3A_341 : vector<500x500xf32>
    %dot_general3A_343 = arith.constant dense<0.000000e+00> : vector<500x128xf32>
    %dot_general3A_344 = tpu.matmul %add3A_333, %get3A_291, %dot_general3A_343 {dimension_numbers = #tpu.dot_dimension_numbers<[1], [0], [0], [1], [0, 0, 1, 1], [], []>, transpose_lhs_hint = false} : vector<500x128xf32>, vector<128x128xf32>, vector<500x128xf32> -> vector<500x128xf32>
    %dot_general3A_345 = arith.constant dense<0.000000e+00> : vector<500x128xf32>
    %dot_general3A_346 = tpu.matmul %mul3A_342, %dot_general3A_344, %dot_general3A_345 {dimension_numbers = #tpu.dot_dimension_numbers<[1], [0], [0], [1], [0, 0, 1, 1], [], []>, transpose_lhs_hint = false} : vector<500x500xf32>, vector<500x128xf32>, vector<500x128xf32> -> vector<500x128xf32>
    %add3A_347 = vector.broadcast %get3A_294 : vector<1x128xf32> to vector<500x128xf32>
    %add3A_348 = arith.addf %dot_general3A_346, %add3A_347 : vector<500x128xf32>
    %max3A_349 = arith.constant 0.000000e+00 : f32
    %max3A_350 = vector.broadcast %max3A_349 : f32 to vector<500x128xf32>
    %max3A_351 = arith.maximumf %add3A_348, %max3A_350 : vector<500x128xf32>
    %swap3A_352 = arith.constant 3 : index
    %swap3A_353 = arith.constant 0 : index
    %swap3A_354 = arith.constant 0 : index
    %swap3A_355 = vector.load %arg7[%swap3A_352, %swap3A_353, %swap3A_354] : memref<16x500x128xf32, #tpu.memory_space<vmem>>, vector<1x500x128xf32>
    %swap3A_356 = vector.shape_cast %swap3A_355 : vector<1x500x128xf32> to vector<500x128xf32>
    %swap3A_357 = vector.shape_cast %max3A_351 : vector<500x128xf32> to vector<1x500x128xf32>
    tpu.vector_store %arg7[%swap3A_352, %swap3A_353, %swap3A_354], %swap3A_357 {strides = array<i32>} : memref<16x500x128xf32, #tpu.memory_space<vmem>>, vector<1x500x128xf32>,
    %reduce_sum3A_358 = arith.constant dense<0.000000e+00> : vector<128xf32>
    %reduce_sum3A_359 = vector.multi_reduction <add>, %max3A_351, %reduce_sum3A_358 [0] : vector<500x128xf32> to vector<128xf32>
    %div3A_360 = arith.constant 5.000000e+02 : f32
    %div3A_361 = vector.broadcast %div3A_360 : f32 to vector<128xf32>
    %div3A_362 = arith.divf %reduce_sum3A_359, %div3A_361 : vector<128xf32>
    %swap3A_363 = arith.constant 3 : index
    %swap3A_364 = arith.constant 0 : index
    %swap3A_365 = arith.constant 0 : index
    %swap3A_366 = vector.load %arg8[%swap3A_363, %swap3A_364, %swap3A_365] : memref<16x1x128xf32, #tpu.memory_space<vmem>>, vector<1x1x128xf32>
    %swap3A_367 = vector.shape_cast %swap3A_366 : vector<1x1x128xf32> to vector<128xf32>
    %swap3A_368 = vector.shape_cast %div3A_362 : vector<128xf32> to vector<1x1x128xf32>
    tpu.vector_store %arg8[%swap3A_363, %swap3A_364, %swap3A_365], %swap3A_368 {strides = array<i32>} : memref<16x1x128xf32, #tpu.memory_space<vmem>>, vector<1x1x128xf32>,
    %get3A_369 = arith.constant 4 : index
    %get3A_370 = arith.constant 0 : index
    %get3A_371 = arith.constant 0 : index
    %get3A_372 = vector.load %arg1[%get3A_369, %get3A_370, %get3A_371] : memref<16x500x3xf32, #tpu.memory_space<vmem>>, vector<1x500x3xf32>
    %get3A_373 = vector.shape_cast %get3A_372 : vector<1x500x3xf32> to vector<500x3xf32>
    %get3A_374 = arith.constant 4 : index
    %get3A_375 = arith.constant 0 : index
    %get3A_376 = arith.constant 0 : index
    %get3A_377 = vector.load %arg2[%get3A_374, %get3A_375, %get3A_376] : memref<16x3x500xf32, #tpu.memory_space<vmem>>, vector<1x3x500xf32>
    %get3A_378 = vector.shape_cast %get3A_377 : vector<1x3x500xf32> to vector<3x500xf32>
    %get3A_379 = arith.constant 0 : index
    %get3A_380 = arith.constant 0 : index
    %get3A_381 = vector.load %arg3[%get3A_379, %get3A_380] : memref<3x128xf32, #tpu.memory_space<vmem>>, vector<3x128xf32>
    %get3A_382 = arith.constant 0 : index
    %get3A_383 = arith.constant 0 : index
    %get3A_384 = vector.load %arg4[%get3A_382, %get3A_383] : memref<1x128xf32, #tpu.memory_space<vmem>>, vector<1x128xf32>
    %get3A_385 = arith.constant 0 : index
    %get3A_386 = arith.constant 0 : index
    %get3A_387 = vector.load %arg5[%get3A_385, %get3A_386] : memref<128x128xf32, #tpu.memory_space<vmem>>, vector<128x128xf32>
    %get3A_388 = arith.constant 0 : index
    %get3A_389 = arith.constant 0 : index
    %get3A_390 = vector.load %arg6[%get3A_388, %get3A_389] : memref<1x128xf32, #tpu.memory_space<vmem>>, vector<1x128xf32>
    %slice3A_391 = vector.extract_strided_slice %get3A_373 {offsets = [0, 0], sizes = [500, 1], strides = [1, 1]} : vector<500x3xf32> to vector<500x1xf32>
    %slice3A_392 = vector.extract_strided_slice %get3A_373 {offsets = [0, 1], sizes = [500, 1], strides = [1, 1]} : vector<500x3xf32> to vector<500x1xf32>
    %slice3A_393 = vector.extract_strided_slice %get3A_378 {offsets = [0, 0], sizes = [1, 500], strides = [1, 1]} : vector<3x500xf32> to vector<1x500xf32>
    %slice3A_394 = vector.extract_strided_slice %get3A_378 {offsets = [1, 0], sizes = [1, 500], strides = [1, 1]} : vector<3x500xf32> to vector<1x500xf32>
    %sub3A_395 = vector.broadcast %slice3A_391 : vector<500x1xf32> to vector<500x500xf32>
    %sub3A_396 = vector.broadcast %slice3A_393 : vector<1x500xf32> to vector<500x500xf32>
    %sub3A_397 = arith.subf %sub3A_395, %sub3A_396 : vector<500x500xf32>
    %sub3A_398 = vector.broadcast %slice3A_392 : vector<500x1xf32> to vector<500x500xf32>
    %sub3A_399 = vector.broadcast %slice3A_394 : vector<1x500xf32> to vector<500x500xf32>
    %sub3A_400 = arith.subf %sub3A_398, %sub3A_399 : vector<500x500xf32>
    %mul3A_401 = arith.mulf %sub3A_397, %sub3A_397 : vector<500x500xf32>
    %mul3A_402 = arith.mulf %sub3A_400, %sub3A_400 : vector<500x500xf32>
    %add3A_403 = arith.addf %mul3A_401, %mul3A_402 : vector<500x500xf32>
    %le3A_404 = arith.constant 3.025000e-03 : f32
    %le3A_405 = vector.broadcast %le3A_404 : f32 to vector<500x500xf32>
    %le3A_406 = arith.cmpf ole, %add3A_403, %le3A_405 : vector<500x500xf32>
    %convert_element_type3A_407 = arith.extui %le3A_406 : vector<500x500xi1> to vector<500x500xi32>
    %convert_element_type3A_408 = arith.sitofp %convert_element_type3A_407 : vector<500x500xi32> to vector<500x500xf32>
    %convert_element_type3A_409 = arith.truncf %convert_element_type3A_408 : vector<500x500xf32> to vector<500x500xbf16>
    %dot_general3A_410 = arith.constant dense<0.000000e+00> : vector<500x128xf32>
    %dot_general3A_411 = tpu.matmul %get3A_373, %get3A_381, %dot_general3A_410 {dimension_numbers = #tpu.dot_dimension_numbers<[1], [0], [0], [1], [0, 0, 1, 1], [], []>, transpose_lhs_hint = false} : vector<500x3xf32>, vector<3x128xf32>, vector<500x128xf32> -> vector<500x128xf32>
    %add3A_412 = vector.broadcast %get3A_384 : vector<1x128xf32> to vector<500x128xf32>
    %add3A_413 = arith.addf %dot_general3A_411, %add3A_412 : vector<500x128xf32>
    %max3A_414 = arith.constant 0.000000e+00 : f32
    %max3A_415 = vector.broadcast %max3A_414 : f32 to vector<500x128xf32>
    %max3A_416 = arith.maximumf %add3A_413, %max3A_415 : vector<500x128xf32>
    %convert_element_type3A_417 = arith.truncf %max3A_416 : vector<500x128xf32> to vector<500x128xbf16>
    %convert_element_type3A_418 = arith.extf %convert_element_type3A_417 : vector<500x128xbf16> to vector<500x128xf32>
    %sub3A_419 = arith.subf %max3A_416, %convert_element_type3A_418 : vector<500x128xf32>
    %convert_element_type3A_420 = arith.truncf %sub3A_419 : vector<500x128xf32> to vector<500x128xbf16>
    %broadcast_in_dim3A_421 = arith.constant 0.000000e+00 : bf16
    %broadcast_in_dim3A_422 = vector.broadcast %broadcast_in_dim3A_421 : bf16 to vector<500x12xbf16>
    %concatenate3A_423 = tpu.concatenate %convert_element_type3A_409, %broadcast_in_dim3A_422, %convert_element_type3A_417, %convert_element_type3A_420 in 1 : vector<500x500xbf16>, vector<500x12xbf16>, vector<500x128xbf16>, vector<500x128xbf16> -> vector<500x768xbf16>
    %dot_general3A_424 = arith.constant dense<0.000000e+00> : vector<500x768xf32>
    %dot_general3A_425 = tpu.matmul %convert_element_type3A_409, %concatenate3A_423, %dot_general3A_424 {dimension_numbers = #tpu.dot_dimension_numbers<[1], [0], [0], [1], [0, 0, 1, 1], [], []>, transpose_lhs_hint = false} : vector<500x500xbf16>, vector<500x768xbf16>, vector<500x768xf32> -> vector<500x768xf32>
    %slice3A_426 = vector.extract_strided_slice %dot_general3A_425 {offsets = [0, 0], sizes = [500, 500], strides = [1, 1]} : vector<500x768xf32> to vector<500x500xf32>
    %slice3A_427 = vector.extract_strided_slice %dot_general3A_425 {offsets = [0, 512], sizes = [500, 128], strides = [1, 1]} : vector<500x768xf32> to vector<500x128xf32>
    %slice3A_428 = vector.extract_strided_slice %dot_general3A_425 {offsets = [0, 640], sizes = [500, 128], strides = [1, 1]} : vector<500x768xf32> to vector<500x128xf32>
    %add3A_429 = arith.addf %slice3A_427, %slice3A_428 : vector<500x128xf32>
    %gt3A_430 = arith.constant 0.000000e+00 : f32
    %gt3A_431 = vector.broadcast %gt3A_430 : f32 to vector<500x500xf32>
    %gt3A_432 = arith.cmpf ogt, %slice3A_426, %gt3A_431 : vector<500x500xf32>
    %convert_element_type3A_433 = arith.extui %gt3A_432 : vector<500x500xi1> to vector<500x500xi32>
    %convert_element_type3A_434 = arith.sitofp %convert_element_type3A_433 : vector<500x500xi32> to vector<500x500xf32>
    %convert_element_type3A_435 = arith.truncf %convert_element_type3A_434 : vector<500x500xf32> to vector<500x500xbf16>
    %dot_general3A_436 = arith.constant dense<0.000000e+00> : vector<500x500xf32>
    %dot_general3A_437 = tpu.matmul %convert_element_type3A_435, %convert_element_type3A_409, %dot_general3A_436 {dimension_numbers = #tpu.dot_dimension_numbers<[1], [0], [0], [1], [0, 0, 1, 1], [], []>, transpose_lhs_hint = false} : vector<500x500xbf16>, vector<500x500xbf16>, vector<500x500xf32> -> vector<500x500xf32>
    %mul3A_438 = arith.mulf %convert_element_type3A_434, %dot_general3A_437 : vector<500x500xf32>
    %dot_general3A_439 = arith.constant dense<0.000000e+00> : vector<500x128xf32>
    %dot_general3A_440 = tpu.matmul %add3A_429, %get3A_387, %dot_general3A_439 {dimension_numbers = #tpu.dot_dimension_numbers<[1], [0], [0], [1], [0, 0, 1, 1], [], []>, transpose_lhs_hint = false} : vector<500x128xf32>, vector<128x128xf32>, vector<500x128xf32> -> vector<500x128xf32>
    %dot_general3A_441 = arith.constant dense<0.000000e+00> : vector<500x128xf32>
    %dot_general3A_442 = tpu.matmul %mul3A_438, %dot_general3A_440, %dot_general3A_441 {dimension_numbers = #tpu.dot_dimension_numbers<[1], [0], [0], [1], [0, 0, 1, 1], [], []>, transpose_lhs_hint = false} : vector<500x500xf32>, vector<500x128xf32>, vector<500x128xf32> -> vector<500x128xf32>
    %add3A_443 = vector.broadcast %get3A_390 : vector<1x128xf32> to vector<500x128xf32>
    %add3A_444 = arith.addf %dot_general3A_442, %add3A_443 : vector<500x128xf32>
    %max3A_445 = arith.constant 0.000000e+00 : f32
    %max3A_446 = vector.broadcast %max3A_445 : f32 to vector<500x128xf32>
    %max3A_447 = arith.maximumf %add3A_444, %max3A_446 : vector<500x128xf32>
    %swap3A_448 = arith.constant 4 : index
    %swap3A_449 = arith.constant 0 : index
    %swap3A_450 = arith.constant 0 : index
    %swap3A_451 = vector.load %arg7[%swap3A_448, %swap3A_449, %swap3A_450] : memref<16x500x128xf32, #tpu.memory_space<vmem>>, vector<1x500x128xf32>
    %swap3A_452 = vector.shape_cast %swap3A_451 : vector<1x500x128xf32> to vector<500x128xf32>
    %swap3A_453 = vector.shape_cast %max3A_447 : vector<500x128xf32> to vector<1x500x128xf32>
    tpu.vector_store %arg7[%swap3A_448, %swap3A_449, %swap3A_450], %swap3A_453 {strides = array<i32>} : memref<16x500x128xf32, #tpu.memory_space<vmem>>, vector<1x500x128xf32>,
    %reduce_sum3A_454 = arith.constant dense<0.000000e+00> : vector<128xf32>
    %reduce_sum3A_455 = vector.multi_reduction <add>, %max3A_447, %reduce_sum3A_454 [0] : vector<500x128xf32> to vector<128xf32>
    %div3A_456 = arith.constant 5.000000e+02 : f32
    %div3A_457 = vector.broadcast %div3A_456 : f32 to vector<128xf32>
    %div3A_458 = arith.divf %reduce_sum3A_455, %div3A_457 : vector<128xf32>
    %swap3A_459 = arith.constant 4 : index
    %swap3A_460 = arith.constant 0 : index
    %swap3A_461 = arith.constant 0 : index
    %swap3A_462 = vector.load %arg8[%swap3A_459, %swap3A_460, %swap3A_461] : memref<16x1x128xf32, #tpu.memory_space<vmem>>, vector<1x1x128xf32>
    %swap3A_463 = vector.shape_cast %swap3A_462 : vector<1x1x128xf32> to vector<128xf32>
    %swap3A_464 = vector.shape_cast %div3A_458 : vector<128xf32> to vector<1x1x128xf32>
    tpu.vector_store %arg8[%swap3A_459, %swap3A_460, %swap3A_461], %swap3A_464 {strides = array<i32>} : memref<16x1x128xf32, #tpu.memory_space<vmem>>, vector<1x1x128xf32>,
    %get3A_465 = arith.constant 5 : index
    %get3A_466 = arith.constant 0 : index
    %get3A_467 = arith.constant 0 : index
    %get3A_468 = vector.load %arg1[%get3A_465, %get3A_466, %get3A_467] : memref<16x500x3xf32, #tpu.memory_space<vmem>>, vector<1x500x3xf32>
    %get3A_469 = vector.shape_cast %get3A_468 : vector<1x500x3xf32> to vector<500x3xf32>
    %get3A_470 = arith.constant 5 : index
    %get3A_471 = arith.constant 0 : index
    %get3A_472 = arith.constant 0 : index
    %get3A_473 = vector.load %arg2[%get3A_470, %get3A_471, %get3A_472] : memref<16x3x500xf32, #tpu.memory_space<vmem>>, vector<1x3x500xf32>
    %get3A_474 = vector.shape_cast %get3A_473 : vector<1x3x500xf32> to vector<3x500xf32>
    %get3A_475 = arith.constant 0 : index
    %get3A_476 = arith.constant 0 : index
    %get3A_477 = vector.load %arg3[%get3A_475, %get3A_476] : memref<3x128xf32, #tpu.memory_space<vmem>>, vector<3x128xf32>
    %get3A_478 = arith.constant 0 : index
    %get3A_479 = arith.constant 0 : index
    %get3A_480 = vector.load %arg4[%get3A_478, %get3A_479] : memref<1x128xf32, #tpu.memory_space<vmem>>, vector<1x128xf32>
    %get3A_481 = arith.constant 0 : index
    %get3A_482 = arith.constant 0 : index
    %get3A_483 = vector.load %arg5[%get3A_481, %get3A_482] : memref<128x128xf32, #tpu.memory_space<vmem>>, vector<128x128xf32>
    %get3A_484 = arith.constant 0 : index
    %get3A_485 = arith.constant 0 : index
    %get3A_486 = vector.load %arg6[%get3A_484, %get3A_485] : memref<1x128xf32, #tpu.memory_space<vmem>>, vector<1x128xf32>
    %slice3A_487 = vector.extract_strided_slice %get3A_469 {offsets = [0, 0], sizes = [500, 1], strides = [1, 1]} : vector<500x3xf32> to vector<500x1xf32>
    %slice3A_488 = vector.extract_strided_slice %get3A_469 {offsets = [0, 1], sizes = [500, 1], strides = [1, 1]} : vector<500x3xf32> to vector<500x1xf32>
    %slice3A_489 = vector.extract_strided_slice %get3A_474 {offsets = [0, 0], sizes = [1, 500], strides = [1, 1]} : vector<3x500xf32> to vector<1x500xf32>
    %slice3A_490 = vector.extract_strided_slice %get3A_474 {offsets = [1, 0], sizes = [1, 500], strides = [1, 1]} : vector<3x500xf32> to vector<1x500xf32>
    %sub3A_491 = vector.broadcast %slice3A_487 : vector<500x1xf32> to vector<500x500xf32>
    %sub3A_492 = vector.broadcast %slice3A_489 : vector<1x500xf32> to vector<500x500xf32>
    %sub3A_493 = arith.subf %sub3A_491, %sub3A_492 : vector<500x500xf32>
    %sub3A_494 = vector.broadcast %slice3A_488 : vector<500x1xf32> to vector<500x500xf32>
    %sub3A_495 = vector.broadcast %slice3A_490 : vector<1x500xf32> to vector<500x500xf32>
    %sub3A_496 = arith.subf %sub3A_494, %sub3A_495 : vector<500x500xf32>
    %mul3A_497 = arith.mulf %sub3A_493, %sub3A_493 : vector<500x500xf32>
    %mul3A_498 = arith.mulf %sub3A_496, %sub3A_496 : vector<500x500xf32>
    %add3A_499 = arith.addf %mul3A_497, %mul3A_498 : vector<500x500xf32>
    %le3A_500 = arith.constant 3.025000e-03 : f32
    %le3A_501 = vector.broadcast %le3A_500 : f32 to vector<500x500xf32>
    %le3A_502 = arith.cmpf ole, %add3A_499, %le3A_501 : vector<500x500xf32>
    %convert_element_type3A_503 = arith.extui %le3A_502 : vector<500x500xi1> to vector<500x500xi32>
    %convert_element_type3A_504 = arith.sitofp %convert_element_type3A_503 : vector<500x500xi32> to vector<500x500xf32>
    %convert_element_type3A_505 = arith.truncf %convert_element_type3A_504 : vector<500x500xf32> to vector<500x500xbf16>
    %dot_general3A_506 = arith.constant dense<0.000000e+00> : vector<500x128xf32>
    %dot_general3A_507 = tpu.matmul %get3A_469, %get3A_477, %dot_general3A_506 {dimension_numbers = #tpu.dot_dimension_numbers<[1], [0], [0], [1], [0, 0, 1, 1], [], []>, transpose_lhs_hint = false} : vector<500x3xf32>, vector<3x128xf32>, vector<500x128xf32> -> vector<500x128xf32>
    %add3A_508 = vector.broadcast %get3A_480 : vector<1x128xf32> to vector<500x128xf32>
    %add3A_509 = arith.addf %dot_general3A_507, %add3A_508 : vector<500x128xf32>
    %max3A_510 = arith.constant 0.000000e+00 : f32
    %max3A_511 = vector.broadcast %max3A_510 : f32 to vector<500x128xf32>
    %max3A_512 = arith.maximumf %add3A_509, %max3A_511 : vector<500x128xf32>
    %convert_element_type3A_513 = arith.truncf %max3A_512 : vector<500x128xf32> to vector<500x128xbf16>
    %convert_element_type3A_514 = arith.extf %convert_element_type3A_513 : vector<500x128xbf16> to vector<500x128xf32>
    %sub3A_515 = arith.subf %max3A_512, %convert_element_type3A_514 : vector<500x128xf32>
    %convert_element_type3A_516 = arith.truncf %sub3A_515 : vector<500x128xf32> to vector<500x128xbf16>
    %broadcast_in_dim3A_517 = arith.constant 0.000000e+00 : bf16
    %broadcast_in_dim3A_518 = vector.broadcast %broadcast_in_dim3A_517 : bf16 to vector<500x12xbf16>
    %concatenate3A_519 = tpu.concatenate %convert_element_type3A_505, %broadcast_in_dim3A_518, %convert_element_type3A_513, %convert_element_type3A_516 in 1 : vector<500x500xbf16>, vector<500x12xbf16>, vector<500x128xbf16>, vector<500x128xbf16> -> vector<500x768xbf16>
    %dot_general3A_520 = arith.constant dense<0.000000e+00> : vector<500x768xf32>
    %dot_general3A_521 = tpu.matmul %convert_element_type3A_505, %concatenate3A_519, %dot_general3A_520 {dimension_numbers = #tpu.dot_dimension_numbers<[1], [0], [0], [1], [0, 0, 1, 1], [], []>, transpose_lhs_hint = false} : vector<500x500xbf16>, vector<500x768xbf16>, vector<500x768xf32> -> vector<500x768xf32>
    %slice3A_522 = vector.extract_strided_slice %dot_general3A_521 {offsets = [0, 0], sizes = [500, 500], strides = [1, 1]} : vector<500x768xf32> to vector<500x500xf32>
    %slice3A_523 = vector.extract_strided_slice %dot_general3A_521 {offsets = [0, 512], sizes = [500, 128], strides = [1, 1]} : vector<500x768xf32> to vector<500x128xf32>
    %slice3A_524 = vector.extract_strided_slice %dot_general3A_521 {offsets = [0, 640], sizes = [500, 128], strides = [1, 1]} : vector<500x768xf32> to vector<500x128xf32>
    %add3A_525 = arith.addf %slice3A_523, %slice3A_524 : vector<500x128xf32>
    %gt3A_526 = arith.constant 0.000000e+00 : f32
    %gt3A_527 = vector.broadcast %gt3A_526 : f32 to vector<500x500xf32>
    %gt3A_528 = arith.cmpf ogt, %slice3A_522, %gt3A_527 : vector<500x500xf32>
    %convert_element_type3A_529 = arith.extui %gt3A_528 : vector<500x500xi1> to vector<500x500xi32>
    %convert_element_type3A_530 = arith.sitofp %convert_element_type3A_529 : vector<500x500xi32> to vector<500x500xf32>
    %convert_element_type3A_531 = arith.truncf %convert_element_type3A_530 : vector<500x500xf32> to vector<500x500xbf16>
    %dot_general3A_532 = arith.constant dense<0.000000e+00> : vector<500x500xf32>
    %dot_general3A_533 = tpu.matmul %convert_element_type3A_531, %convert_element_type3A_505, %dot_general3A_532 {dimension_numbers = #tpu.dot_dimension_numbers<[1], [0], [0], [1], [0, 0, 1, 1], [], []>, transpose_lhs_hint = false} : vector<500x500xbf16>, vector<500x500xbf16>, vector<500x500xf32> -> vector<500x500xf32>
    %mul3A_534 = arith.mulf %convert_element_type3A_530, %dot_general3A_533 : vector<500x500xf32>
    %dot_general3A_535 = arith.constant dense<0.000000e+00> : vector<500x128xf32>
    %dot_general3A_536 = tpu.matmul %add3A_525, %get3A_483, %dot_general3A_535 {dimension_numbers = #tpu.dot_dimension_numbers<[1], [0], [0], [1], [0, 0, 1, 1], [], []>, transpose_lhs_hint = false} : vector<500x128xf32>, vector<128x128xf32>, vector<500x128xf32> -> vector<500x128xf32>
    %dot_general3A_537 = arith.constant dense<0.000000e+00> : vector<500x128xf32>
    %dot_general3A_538 = tpu.matmul %mul3A_534, %dot_general3A_536, %dot_general3A_537 {dimension_numbers = #tpu.dot_dimension_numbers<[1], [0], [0], [1], [0, 0, 1, 1], [], []>, transpose_lhs_hint = false} : vector<500x500xf32>, vector<500x128xf32>, vector<500x128xf32> -> vector<500x128xf32>
    %add3A_539 = vector.broadcast %get3A_486 : vector<1x128xf32> to vector<500x128xf32>
    %add3A_540 = arith.addf %dot_general3A_538, %add3A_539 : vector<500x128xf32>
    %max3A_541 = arith.constant 0.000000e+00 : f32
    %max3A_542 = vector.broadcast %max3A_541 : f32 to vector<500x128xf32>
    %max3A_543 = arith.maximumf %add3A_540, %max3A_542 : vector<500x128xf32>
    %swap3A_544 = arith.constant 5 : index
    %swap3A_545 = arith.constant 0 : index
    %swap3A_546 = arith.constant 0 : index
    %swap3A_547 = vector.load %arg7[%swap3A_544, %swap3A_545, %swap3A_546] : memref<16x500x128xf32, #tpu.memory_space<vmem>>, vector<1x500x128xf32>
    %swap3A_548 = vector.shape_cast %swap3A_547 : vector<1x500x128xf32> to vector<500x128xf32>
    %swap3A_549 = vector.shape_cast %max3A_543 : vector<500x128xf32> to vector<1x500x128xf32>
    tpu.vector_store %arg7[%swap3A_544, %swap3A_545, %swap3A_546], %swap3A_549 {strides = array<i32>} : memref<16x500x128xf32, #tpu.memory_space<vmem>>, vector<1x500x128xf32>,
    %reduce_sum3A_550 = arith.constant dense<0.000000e+00> : vector<128xf32>
    %reduce_sum3A_551 = vector.multi_reduction <add>, %max3A_543, %reduce_sum3A_550 [0] : vector<500x128xf32> to vector<128xf32>
    %div3A_552 = arith.constant 5.000000e+02 : f32
    %div3A_553 = vector.broadcast %div3A_552 : f32 to vector<128xf32>
    %div3A_554 = arith.divf %reduce_sum3A_551, %div3A_553 : vector<128xf32>
    %swap3A_555 = arith.constant 5 : index
    %swap3A_556 = arith.constant 0 : index
    %swap3A_557 = arith.constant 0 : index
    %swap3A_558 = vector.load %arg8[%swap3A_555, %swap3A_556, %swap3A_557] : memref<16x1x128xf32, #tpu.memory_space<vmem>>, vector<1x1x128xf32>
    %swap3A_559 = vector.shape_cast %swap3A_558 : vector<1x1x128xf32> to vector<128xf32>
    %swap3A_560 = vector.shape_cast %div3A_554 : vector<128xf32> to vector<1x1x128xf32>
    tpu.vector_store %arg8[%swap3A_555, %swap3A_556, %swap3A_557], %swap3A_560 {strides = array<i32>} : memref<16x1x128xf32, #tpu.memory_space<vmem>>, vector<1x1x128xf32>,
    %get3A_561 = arith.constant 6 : index
    %get3A_562 = arith.constant 0 : index
    %get3A_563 = arith.constant 0 : index
    %get3A_564 = vector.load %arg1[%get3A_561, %get3A_562, %get3A_563] : memref<16x500x3xf32, #tpu.memory_space<vmem>>, vector<1x500x3xf32>
    %get3A_565 = vector.shape_cast %get3A_564 : vector<1x500x3xf32> to vector<500x3xf32>
    %get3A_566 = arith.constant 6 : index
    %get3A_567 = arith.constant 0 : index
    %get3A_568 = arith.constant 0 : index
    %get3A_569 = vector.load %arg2[%get3A_566, %get3A_567, %get3A_568] : memref<16x3x500xf32, #tpu.memory_space<vmem>>, vector<1x3x500xf32>
    %get3A_570 = vector.shape_cast %get3A_569 : vector<1x3x500xf32> to vector<3x500xf32>
    %get3A_571 = arith.constant 0 : index
    %get3A_572 = arith.constant 0 : index
    %get3A_573 = vector.load %arg3[%get3A_571, %get3A_572] : memref<3x128xf32, #tpu.memory_space<vmem>>, vector<3x128xf32>
    %get3A_574 = arith.constant 0 : index
    %get3A_575 = arith.constant 0 : index
    %get3A_576 = vector.load %arg4[%get3A_574, %get3A_575] : memref<1x128xf32, #tpu.memory_space<vmem>>, vector<1x128xf32>
    %get3A_577 = arith.constant 0 : index
    %get3A_578 = arith.constant 0 : index
    %get3A_579 = vector.load %arg5[%get3A_577, %get3A_578] : memref<128x128xf32, #tpu.memory_space<vmem>>, vector<128x128xf32>
    %get3A_580 = arith.constant 0 : index
    %get3A_581 = arith.constant 0 : index
    %get3A_582 = vector.load %arg6[%get3A_580, %get3A_581] : memref<1x128xf32, #tpu.memory_space<vmem>>, vector<1x128xf32>
    %slice3A_583 = vector.extract_strided_slice %get3A_565 {offsets = [0, 0], sizes = [500, 1], strides = [1, 1]} : vector<500x3xf32> to vector<500x1xf32>
    %slice3A_584 = vector.extract_strided_slice %get3A_565 {offsets = [0, 1], sizes = [500, 1], strides = [1, 1]} : vector<500x3xf32> to vector<500x1xf32>
    %slice3A_585 = vector.extract_strided_slice %get3A_570 {offsets = [0, 0], sizes = [1, 500], strides = [1, 1]} : vector<3x500xf32> to vector<1x500xf32>
    %slice3A_586 = vector.extract_strided_slice %get3A_570 {offsets = [1, 0], sizes = [1, 500], strides = [1, 1]} : vector<3x500xf32> to vector<1x500xf32>
    %sub3A_587 = vector.broadcast %slice3A_583 : vector<500x1xf32> to vector<500x500xf32>
    %sub3A_588 = vector.broadcast %slice3A_585 : vector<1x500xf32> to vector<500x500xf32>
    %sub3A_589 = arith.subf %sub3A_587, %sub3A_588 : vector<500x500xf32>
    %sub3A_590 = vector.broadcast %slice3A_584 : vector<500x1xf32> to vector<500x500xf32>
    %sub3A_591 = vector.broadcast %slice3A_586 : vector<1x500xf32> to vector<500x500xf32>
    %sub3A_592 = arith.subf %sub3A_590, %sub3A_591 : vector<500x500xf32>
    %mul3A_593 = arith.mulf %sub3A_589, %sub3A_589 : vector<500x500xf32>
    %mul3A_594 = arith.mulf %sub3A_592, %sub3A_592 : vector<500x500xf32>
    %add3A_595 = arith.addf %mul3A_593, %mul3A_594 : vector<500x500xf32>
    %le3A_596 = arith.constant 3.025000e-03 : f32
    %le3A_597 = vector.broadcast %le3A_596 : f32 to vector<500x500xf32>
    %le3A_598 = arith.cmpf ole, %add3A_595, %le3A_597 : vector<500x500xf32>
    %convert_element_type3A_599 = arith.extui %le3A_598 : vector<500x500xi1> to vector<500x500xi32>
    %convert_element_type3A_600 = arith.sitofp %convert_element_type3A_599 : vector<500x500xi32> to vector<500x500xf32>
    %convert_element_type3A_601 = arith.truncf %convert_element_type3A_600 : vector<500x500xf32> to vector<500x500xbf16>
    %dot_general3A_602 = arith.constant dense<0.000000e+00> : vector<500x128xf32>
    %dot_general3A_603 = tpu.matmul %get3A_565, %get3A_573, %dot_general3A_602 {dimension_numbers = #tpu.dot_dimension_numbers<[1], [0], [0], [1], [0, 0, 1, 1], [], []>, transpose_lhs_hint = false} : vector<500x3xf32>, vector<3x128xf32>, vector<500x128xf32> -> vector<500x128xf32>
    %add3A_604 = vector.broadcast %get3A_576 : vector<1x128xf32> to vector<500x128xf32>
    %add3A_605 = arith.addf %dot_general3A_603, %add3A_604 : vector<500x128xf32>
    %max3A_606 = arith.constant 0.000000e+00 : f32
    %max3A_607 = vector.broadcast %max3A_606 : f32 to vector<500x128xf32>
    %max3A_608 = arith.maximumf %add3A_605, %max3A_607 : vector<500x128xf32>
    %convert_element_type3A_609 = arith.truncf %max3A_608 : vector<500x128xf32> to vector<500x128xbf16>
    %convert_element_type3A_610 = arith.extf %convert_element_type3A_609 : vector<500x128xbf16> to vector<500x128xf32>
    %sub3A_611 = arith.subf %max3A_608, %convert_element_type3A_610 : vector<500x128xf32>
    %convert_element_type3A_612 = arith.truncf %sub3A_611 : vector<500x128xf32> to vector<500x128xbf16>
    %broadcast_in_dim3A_613 = arith.constant 0.000000e+00 : bf16
    %broadcast_in_dim3A_614 = vector.broadcast %broadcast_in_dim3A_613 : bf16 to vector<500x12xbf16>
    %concatenate3A_615 = tpu.concatenate %convert_element_type3A_601, %broadcast_in_dim3A_614, %convert_element_type3A_609, %convert_element_type3A_612 in 1 : vector<500x500xbf16>, vector<500x12xbf16>, vector<500x128xbf16>, vector<500x128xbf16> -> vector<500x768xbf16>
    %dot_general3A_616 = arith.constant dense<0.000000e+00> : vector<500x768xf32>
    %dot_general3A_617 = tpu.matmul %convert_element_type3A_601, %concatenate3A_615, %dot_general3A_616 {dimension_numbers = #tpu.dot_dimension_numbers<[1], [0], [0], [1], [0, 0, 1, 1], [], []>, transpose_lhs_hint = false} : vector<500x500xbf16>, vector<500x768xbf16>, vector<500x768xf32> -> vector<500x768xf32>
    %slice3A_618 = vector.extract_strided_slice %dot_general3A_617 {offsets = [0, 0], sizes = [500, 500], strides = [1, 1]} : vector<500x768xf32> to vector<500x500xf32>
    %slice3A_619 = vector.extract_strided_slice %dot_general3A_617 {offsets = [0, 512], sizes = [500, 128], strides = [1, 1]} : vector<500x768xf32> to vector<500x128xf32>
    %slice3A_620 = vector.extract_strided_slice %dot_general3A_617 {offsets = [0, 640], sizes = [500, 128], strides = [1, 1]} : vector<500x768xf32> to vector<500x128xf32>
    %add3A_621 = arith.addf %slice3A_619, %slice3A_620 : vector<500x128xf32>
    %gt3A_622 = arith.constant 0.000000e+00 : f32
    %gt3A_623 = vector.broadcast %gt3A_622 : f32 to vector<500x500xf32>
    %gt3A_624 = arith.cmpf ogt, %slice3A_618, %gt3A_623 : vector<500x500xf32>
    %convert_element_type3A_625 = arith.extui %gt3A_624 : vector<500x500xi1> to vector<500x500xi32>
    %convert_element_type3A_626 = arith.sitofp %convert_element_type3A_625 : vector<500x500xi32> to vector<500x500xf32>
    %convert_element_type3A_627 = arith.truncf %convert_element_type3A_626 : vector<500x500xf32> to vector<500x500xbf16>
    %dot_general3A_628 = arith.constant dense<0.000000e+00> : vector<500x500xf32>
    %dot_general3A_629 = tpu.matmul %convert_element_type3A_627, %convert_element_type3A_601, %dot_general3A_628 {dimension_numbers = #tpu.dot_dimension_numbers<[1], [0], [0], [1], [0, 0, 1, 1], [], []>, transpose_lhs_hint = false} : vector<500x500xbf16>, vector<500x500xbf16>, vector<500x500xf32> -> vector<500x500xf32>
    %mul3A_630 = arith.mulf %convert_element_type3A_626, %dot_general3A_629 : vector<500x500xf32>
    %dot_general3A_631 = arith.constant dense<0.000000e+00> : vector<500x128xf32>
    %dot_general3A_632 = tpu.matmul %add3A_621, %get3A_579, %dot_general3A_631 {dimension_numbers = #tpu.dot_dimension_numbers<[1], [0], [0], [1], [0, 0, 1, 1], [], []>, transpose_lhs_hint = false} : vector<500x128xf32>, vector<128x128xf32>, vector<500x128xf32> -> vector<500x128xf32>
    %dot_general3A_633 = arith.constant dense<0.000000e+00> : vector<500x128xf32>
    %dot_general3A_634 = tpu.matmul %mul3A_630, %dot_general3A_632, %dot_general3A_633 {dimension_numbers = #tpu.dot_dimension_numbers<[1], [0], [0], [1], [0, 0, 1, 1], [], []>, transpose_lhs_hint = false} : vector<500x500xf32>, vector<500x128xf32>, vector<500x128xf32> -> vector<500x128xf32>
    %add3A_635 = vector.broadcast %get3A_582 : vector<1x128xf32> to vector<500x128xf32>
    %add3A_636 = arith.addf %dot_general3A_634, %add3A_635 : vector<500x128xf32>
    %max3A_637 = arith.constant 0.000000e+00 : f32
    %max3A_638 = vector.broadcast %max3A_637 : f32 to vector<500x128xf32>
    %max3A_639 = arith.maximumf %add3A_636, %max3A_638 : vector<500x128xf32>
    %swap3A_640 = arith.constant 6 : index
    %swap3A_641 = arith.constant 0 : index
    %swap3A_642 = arith.constant 0 : index
    %swap3A_643 = vector.load %arg7[%swap3A_640, %swap3A_641, %swap3A_642] : memref<16x500x128xf32, #tpu.memory_space<vmem>>, vector<1x500x128xf32>
    %swap3A_644 = vector.shape_cast %swap3A_643 : vector<1x500x128xf32> to vector<500x128xf32>
    %swap3A_645 = vector.shape_cast %max3A_639 : vector<500x128xf32> to vector<1x500x128xf32>
    tpu.vector_store %arg7[%swap3A_640, %swap3A_641, %swap3A_642], %swap3A_645 {strides = array<i32>} : memref<16x500x128xf32, #tpu.memory_space<vmem>>, vector<1x500x128xf32>,
    %reduce_sum3A_646 = arith.constant dense<0.000000e+00> : vector<128xf32>
    %reduce_sum3A_647 = vector.multi_reduction <add>, %max3A_639, %reduce_sum3A_646 [0] : vector<500x128xf32> to vector<128xf32>
    %div3A_648 = arith.constant 5.000000e+02 : f32
    %div3A_649 = vector.broadcast %div3A_648 : f32 to vector<128xf32>
    %div3A_650 = arith.divf %reduce_sum3A_647, %div3A_649 : vector<128xf32>
    %swap3A_651 = arith.constant 6 : index
    %swap3A_652 = arith.constant 0 : index
    %swap3A_653 = arith.constant 0 : index
    %swap3A_654 = vector.load %arg8[%swap3A_651, %swap3A_652, %swap3A_653] : memref<16x1x128xf32, #tpu.memory_space<vmem>>, vector<1x1x128xf32>
    %swap3A_655 = vector.shape_cast %swap3A_654 : vector<1x1x128xf32> to vector<128xf32>
    %swap3A_656 = vector.shape_cast %div3A_650 : vector<128xf32> to vector<1x1x128xf32>
    tpu.vector_store %arg8[%swap3A_651, %swap3A_652, %swap3A_653], %swap3A_656 {strides = array<i32>} : memref<16x1x128xf32, #tpu.memory_space<vmem>>, vector<1x1x128xf32>,
    %get3A_657 = arith.constant 7 : index
    %get3A_658 = arith.constant 0 : index
    %get3A_659 = arith.constant 0 : index
    %get3A_660 = vector.load %arg1[%get3A_657, %get3A_658, %get3A_659] : memref<16x500x3xf32, #tpu.memory_space<vmem>>, vector<1x500x3xf32>
    %get3A_661 = vector.shape_cast %get3A_660 : vector<1x500x3xf32> to vector<500x3xf32>
    %get3A_662 = arith.constant 7 : index
    %get3A_663 = arith.constant 0 : index
    %get3A_664 = arith.constant 0 : index
    %get3A_665 = vector.load %arg2[%get3A_662, %get3A_663, %get3A_664] : memref<16x3x500xf32, #tpu.memory_space<vmem>>, vector<1x3x500xf32>
    %get3A_666 = vector.shape_cast %get3A_665 : vector<1x3x500xf32> to vector<3x500xf32>
    %get3A_667 = arith.constant 0 : index
    %get3A_668 = arith.constant 0 : index
    %get3A_669 = vector.load %arg3[%get3A_667, %get3A_668] : memref<3x128xf32, #tpu.memory_space<vmem>>, vector<3x128xf32>
    %get3A_670 = arith.constant 0 : index
    %get3A_671 = arith.constant 0 : index
    %get3A_672 = vector.load %arg4[%get3A_670, %get3A_671] : memref<1x128xf32, #tpu.memory_space<vmem>>, vector<1x128xf32>
    %get3A_673 = arith.constant 0 : index
    %get3A_674 = arith.constant 0 : index
    %get3A_675 = vector.load %arg5[%get3A_673, %get3A_674] : memref<128x128xf32, #tpu.memory_space<vmem>>, vector<128x128xf32>
    %get3A_676 = arith.constant 0 : index
    %get3A_677 = arith.constant 0 : index
    %get3A_678 = vector.load %arg6[%get3A_676, %get3A_677] : memref<1x128xf32, #tpu.memory_space<vmem>>, vector<1x128xf32>
    %slice3A_679 = vector.extract_strided_slice %get3A_661 {offsets = [0, 0], sizes = [500, 1], strides = [1, 1]} : vector<500x3xf32> to vector<500x1xf32>
    %slice3A_680 = vector.extract_strided_slice %get3A_661 {offsets = [0, 1], sizes = [500, 1], strides = [1, 1]} : vector<500x3xf32> to vector<500x1xf32>
    %slice3A_681 = vector.extract_strided_slice %get3A_666 {offsets = [0, 0], sizes = [1, 500], strides = [1, 1]} : vector<3x500xf32> to vector<1x500xf32>
    %slice3A_682 = vector.extract_strided_slice %get3A_666 {offsets = [1, 0], sizes = [1, 500], strides = [1, 1]} : vector<3x500xf32> to vector<1x500xf32>
    %sub3A_683 = vector.broadcast %slice3A_679 : vector<500x1xf32> to vector<500x500xf32>
    %sub3A_684 = vector.broadcast %slice3A_681 : vector<1x500xf32> to vector<500x500xf32>
    %sub3A_685 = arith.subf %sub3A_683, %sub3A_684 : vector<500x500xf32>
    %sub3A_686 = vector.broadcast %slice3A_680 : vector<500x1xf32> to vector<500x500xf32>
    %sub3A_687 = vector.broadcast %slice3A_682 : vector<1x500xf32> to vector<500x500xf32>
    %sub3A_688 = arith.subf %sub3A_686, %sub3A_687 : vector<500x500xf32>
    %mul3A_689 = arith.mulf %sub3A_685, %sub3A_685 : vector<500x500xf32>
    %mul3A_690 = arith.mulf %sub3A_688, %sub3A_688 : vector<500x500xf32>
    %add3A_691 = arith.addf %mul3A_689, %mul3A_690 : vector<500x500xf32>
    %le3A_692 = arith.constant 3.025000e-03 : f32
    %le3A_693 = vector.broadcast %le3A_692 : f32 to vector<500x500xf32>
    %le3A_694 = arith.cmpf ole, %add3A_691, %le3A_693 : vector<500x500xf32>
    %convert_element_type3A_695 = arith.extui %le3A_694 : vector<500x500xi1> to vector<500x500xi32>
    %convert_element_type3A_696 = arith.sitofp %convert_element_type3A_695 : vector<500x500xi32> to vector<500x500xf32>
    %convert_element_type3A_697 = arith.truncf %convert_element_type3A_696 : vector<500x500xf32> to vector<500x500xbf16>
    %dot_general3A_698 = arith.constant dense<0.000000e+00> : vector<500x128xf32>
    %dot_general3A_699 = tpu.matmul %get3A_661, %get3A_669, %dot_general3A_698 {dimension_numbers = #tpu.dot_dimension_numbers<[1], [0], [0], [1], [0, 0, 1, 1], [], []>, transpose_lhs_hint = false} : vector<500x3xf32>, vector<3x128xf32>, vector<500x128xf32> -> vector<500x128xf32>
    %add3A_700 = vector.broadcast %get3A_672 : vector<1x128xf32> to vector<500x128xf32>
    %add3A_701 = arith.addf %dot_general3A_699, %add3A_700 : vector<500x128xf32>
    %max3A_702 = arith.constant 0.000000e+00 : f32
    %max3A_703 = vector.broadcast %max3A_702 : f32 to vector<500x128xf32>
    %max3A_704 = arith.maximumf %add3A_701, %max3A_703 : vector<500x128xf32>
    %convert_element_type3A_705 = arith.truncf %max3A_704 : vector<500x128xf32> to vector<500x128xbf16>
    %convert_element_type3A_706 = arith.extf %convert_element_type3A_705 : vector<500x128xbf16> to vector<500x128xf32>
    %sub3A_707 = arith.subf %max3A_704, %convert_element_type3A_706 : vector<500x128xf32>
    %convert_element_type3A_708 = arith.truncf %sub3A_707 : vector<500x128xf32> to vector<500x128xbf16>
    %broadcast_in_dim3A_709 = arith.constant 0.000000e+00 : bf16
    %broadcast_in_dim3A_710 = vector.broadcast %broadcast_in_dim3A_709 : bf16 to vector<500x12xbf16>
    %concatenate3A_711 = tpu.concatenate %convert_element_type3A_697, %broadcast_in_dim3A_710, %convert_element_type3A_705, %convert_element_type3A_708 in 1 : vector<500x500xbf16>, vector<500x12xbf16>, vector<500x128xbf16>, vector<500x128xbf16> -> vector<500x768xbf16>
    %dot_general3A_712 = arith.constant dense<0.000000e+00> : vector<500x768xf32>
    %dot_general3A_713 = tpu.matmul %convert_element_type3A_697, %concatenate3A_711, %dot_general3A_712 {dimension_numbers = #tpu.dot_dimension_numbers<[1], [0], [0], [1], [0, 0, 1, 1], [], []>, transpose_lhs_hint = false} : vector<500x500xbf16>, vector<500x768xbf16>, vector<500x768xf32> -> vector<500x768xf32>
    %slice3A_714 = vector.extract_strided_slice %dot_general3A_713 {offsets = [0, 0], sizes = [500, 500], strides = [1, 1]} : vector<500x768xf32> to vector<500x500xf32>
    %slice3A_715 = vector.extract_strided_slice %dot_general3A_713 {offsets = [0, 512], sizes = [500, 128], strides = [1, 1]} : vector<500x768xf32> to vector<500x128xf32>
    %slice3A_716 = vector.extract_strided_slice %dot_general3A_713 {offsets = [0, 640], sizes = [500, 128], strides = [1, 1]} : vector<500x768xf32> to vector<500x128xf32>
    %add3A_717 = arith.addf %slice3A_715, %slice3A_716 : vector<500x128xf32>
    %gt3A_718 = arith.constant 0.000000e+00 : f32
    %gt3A_719 = vector.broadcast %gt3A_718 : f32 to vector<500x500xf32>
    %gt3A_720 = arith.cmpf ogt, %slice3A_714, %gt3A_719 : vector<500x500xf32>
    %convert_element_type3A_721 = arith.extui %gt3A_720 : vector<500x500xi1> to vector<500x500xi32>
    %convert_element_type3A_722 = arith.sitofp %convert_element_type3A_721 : vector<500x500xi32> to vector<500x500xf32>
    %convert_element_type3A_723 = arith.truncf %convert_element_type3A_722 : vector<500x500xf32> to vector<500x500xbf16>
    %dot_general3A_724 = arith.constant dense<0.000000e+00> : vector<500x500xf32>
    %dot_general3A_725 = tpu.matmul %convert_element_type3A_723, %convert_element_type3A_697, %dot_general3A_724 {dimension_numbers = #tpu.dot_dimension_numbers<[1], [0], [0], [1], [0, 0, 1, 1], [], []>, transpose_lhs_hint = false} : vector<500x500xbf16>, vector<500x500xbf16>, vector<500x500xf32> -> vector<500x500xf32>
    %mul3A_726 = arith.mulf %convert_element_type3A_722, %dot_general3A_725 : vector<500x500xf32>
    %dot_general3A_727 = arith.constant dense<0.000000e+00> : vector<500x128xf32>
    %dot_general3A_728 = tpu.matmul %add3A_717, %get3A_675, %dot_general3A_727 {dimension_numbers = #tpu.dot_dimension_numbers<[1], [0], [0], [1], [0, 0, 1, 1], [], []>, transpose_lhs_hint = false} : vector<500x128xf32>, vector<128x128xf32>, vector<500x128xf32> -> vector<500x128xf32>
    %dot_general3A_729 = arith.constant dense<0.000000e+00> : vector<500x128xf32>
    %dot_general3A_730 = tpu.matmul %mul3A_726, %dot_general3A_728, %dot_general3A_729 {dimension_numbers = #tpu.dot_dimension_numbers<[1], [0], [0], [1], [0, 0, 1, 1], [], []>, transpose_lhs_hint = false} : vector<500x500xf32>, vector<500x128xf32>, vector<500x128xf32> -> vector<500x128xf32>
    %add3A_731 = vector.broadcast %get3A_678 : vector<1x128xf32> to vector<500x128xf32>
    %add3A_732 = arith.addf %dot_general3A_730, %add3A_731 : vector<500x128xf32>
    %max3A_733 = arith.constant 0.000000e+00 : f32
    %max3A_734 = vector.broadcast %max3A_733 : f32 to vector<500x128xf32>
    %max3A_735 = arith.maximumf %add3A_732, %max3A_734 : vector<500x128xf32>
    %swap3A_736 = arith.constant 7 : index
    %swap3A_737 = arith.constant 0 : index
    %swap3A_738 = arith.constant 0 : index
    %swap3A_739 = vector.load %arg7[%swap3A_736, %swap3A_737, %swap3A_738] : memref<16x500x128xf32, #tpu.memory_space<vmem>>, vector<1x500x128xf32>
    %swap3A_740 = vector.shape_cast %swap3A_739 : vector<1x500x128xf32> to vector<500x128xf32>
    %swap3A_741 = vector.shape_cast %max3A_735 : vector<500x128xf32> to vector<1x500x128xf32>
    tpu.vector_store %arg7[%swap3A_736, %swap3A_737, %swap3A_738], %swap3A_741 {strides = array<i32>} : memref<16x500x128xf32, #tpu.memory_space<vmem>>, vector<1x500x128xf32>,
    %reduce_sum3A_742 = arith.constant dense<0.000000e+00> : vector<128xf32>
    %reduce_sum3A_743 = vector.multi_reduction <add>, %max3A_735, %reduce_sum3A_742 [0] : vector<500x128xf32> to vector<128xf32>
    %div3A_744 = arith.constant 5.000000e+02 : f32
    %div3A_745 = vector.broadcast %div3A_744 : f32 to vector<128xf32>
    %div3A_746 = arith.divf %reduce_sum3A_743, %div3A_745 : vector<128xf32>
    %swap3A_747 = arith.constant 7 : index
    %swap3A_748 = arith.constant 0 : index
    %swap3A_749 = arith.constant 0 : index
    %swap3A_750 = vector.load %arg8[%swap3A_747, %swap3A_748, %swap3A_749] : memref<16x1x128xf32, #tpu.memory_space<vmem>>, vector<1x1x128xf32>
    %swap3A_751 = vector.shape_cast %swap3A_750 : vector<1x1x128xf32> to vector<128xf32>
    %swap3A_752 = vector.shape_cast %div3A_746 : vector<128xf32> to vector<1x1x128xf32>
    tpu.vector_store %arg8[%swap3A_747, %swap3A_748, %swap3A_749], %swap3A_752 {strides = array<i32>} : memref<16x1x128xf32, #tpu.memory_space<vmem>>, vector<1x1x128xf32>,
    %get3A_753 = arith.constant 8 : index
    %get3A_754 = arith.constant 0 : index
    %get3A_755 = arith.constant 0 : index
    %get3A_756 = vector.load %arg1[%get3A_753, %get3A_754, %get3A_755] : memref<16x500x3xf32, #tpu.memory_space<vmem>>, vector<1x500x3xf32>
    %get3A_757 = vector.shape_cast %get3A_756 : vector<1x500x3xf32> to vector<500x3xf32>
    %get3A_758 = arith.constant 8 : index
    %get3A_759 = arith.constant 0 : index
    %get3A_760 = arith.constant 0 : index
    %get3A_761 = vector.load %arg2[%get3A_758, %get3A_759, %get3A_760] : memref<16x3x500xf32, #tpu.memory_space<vmem>>, vector<1x3x500xf32>
    %get3A_762 = vector.shape_cast %get3A_761 : vector<1x3x500xf32> to vector<3x500xf32>
    %get3A_763 = arith.constant 0 : index
    %get3A_764 = arith.constant 0 : index
    %get3A_765 = vector.load %arg3[%get3A_763, %get3A_764] : memref<3x128xf32, #tpu.memory_space<vmem>>, vector<3x128xf32>
    %get3A_766 = arith.constant 0 : index
    %get3A_767 = arith.constant 0 : index
    %get3A_768 = vector.load %arg4[%get3A_766, %get3A_767] : memref<1x128xf32, #tpu.memory_space<vmem>>, vector<1x128xf32>
    %get3A_769 = arith.constant 0 : index
    %get3A_770 = arith.constant 0 : index
    %get3A_771 = vector.load %arg5[%get3A_769, %get3A_770] : memref<128x128xf32, #tpu.memory_space<vmem>>, vector<128x128xf32>
    %get3A_772 = arith.constant 0 : index
    %get3A_773 = arith.constant 0 : index
    %get3A_774 = vector.load %arg6[%get3A_772, %get3A_773] : memref<1x128xf32, #tpu.memory_space<vmem>>, vector<1x128xf32>
    %slice3A_775 = vector.extract_strided_slice %get3A_757 {offsets = [0, 0], sizes = [500, 1], strides = [1, 1]} : vector<500x3xf32> to vector<500x1xf32>
    %slice3A_776 = vector.extract_strided_slice %get3A_757 {offsets = [0, 1], sizes = [500, 1], strides = [1, 1]} : vector<500x3xf32> to vector<500x1xf32>
    %slice3A_777 = vector.extract_strided_slice %get3A_762 {offsets = [0, 0], sizes = [1, 500], strides = [1, 1]} : vector<3x500xf32> to vector<1x500xf32>
    %slice3A_778 = vector.extract_strided_slice %get3A_762 {offsets = [1, 0], sizes = [1, 500], strides = [1, 1]} : vector<3x500xf32> to vector<1x500xf32>
    %sub3A_779 = vector.broadcast %slice3A_775 : vector<500x1xf32> to vector<500x500xf32>
    %sub3A_780 = vector.broadcast %slice3A_777 : vector<1x500xf32> to vector<500x500xf32>
    %sub3A_781 = arith.subf %sub3A_779, %sub3A_780 : vector<500x500xf32>
    %sub3A_782 = vector.broadcast %slice3A_776 : vector<500x1xf32> to vector<500x500xf32>
    %sub3A_783 = vector.broadcast %slice3A_778 : vector<1x500xf32> to vector<500x500xf32>
    %sub3A_784 = arith.subf %sub3A_782, %sub3A_783 : vector<500x500xf32>
    %mul3A_785 = arith.mulf %sub3A_781, %sub3A_781 : vector<500x500xf32>
    %mul3A_786 = arith.mulf %sub3A_784, %sub3A_784 : vector<500x500xf32>
    %add3A_787 = arith.addf %mul3A_785, %mul3A_786 : vector<500x500xf32>
    %le3A_788 = arith.constant 3.025000e-03 : f32
    %le3A_789 = vector.broadcast %le3A_788 : f32 to vector<500x500xf32>
    %le3A_790 = arith.cmpf ole, %add3A_787, %le3A_789 : vector<500x500xf32>
    %convert_element_type3A_791 = arith.extui %le3A_790 : vector<500x500xi1> to vector<500x500xi32>
    %convert_element_type3A_792 = arith.sitofp %convert_element_type3A_791 : vector<500x500xi32> to vector<500x500xf32>
    %convert_element_type3A_793 = arith.truncf %convert_element_type3A_792 : vector<500x500xf32> to vector<500x500xbf16>
    %dot_general3A_794 = arith.constant dense<0.000000e+00> : vector<500x128xf32>
    %dot_general3A_795 = tpu.matmul %get3A_757, %get3A_765, %dot_general3A_794 {dimension_numbers = #tpu.dot_dimension_numbers<[1], [0], [0], [1], [0, 0, 1, 1], [], []>, transpose_lhs_hint = false} : vector<500x3xf32>, vector<3x128xf32>, vector<500x128xf32> -> vector<500x128xf32>
    %add3A_796 = vector.broadcast %get3A_768 : vector<1x128xf32> to vector<500x128xf32>
    %add3A_797 = arith.addf %dot_general3A_795, %add3A_796 : vector<500x128xf32>
    %max3A_798 = arith.constant 0.000000e+00 : f32
    %max3A_799 = vector.broadcast %max3A_798 : f32 to vector<500x128xf32>
    %max3A_800 = arith.maximumf %add3A_797, %max3A_799 : vector<500x128xf32>
    %convert_element_type3A_801 = arith.truncf %max3A_800 : vector<500x128xf32> to vector<500x128xbf16>
    %convert_element_type3A_802 = arith.extf %convert_element_type3A_801 : vector<500x128xbf16> to vector<500x128xf32>
    %sub3A_803 = arith.subf %max3A_800, %convert_element_type3A_802 : vector<500x128xf32>
    %convert_element_type3A_804 = arith.truncf %sub3A_803 : vector<500x128xf32> to vector<500x128xbf16>
    %broadcast_in_dim3A_805 = arith.constant 0.000000e+00 : bf16
    %broadcast_in_dim3A_806 = vector.broadcast %broadcast_in_dim3A_805 : bf16 to vector<500x12xbf16>
    %concatenate3A_807 = tpu.concatenate %convert_element_type3A_793, %broadcast_in_dim3A_806, %convert_element_type3A_801, %convert_element_type3A_804 in 1 : vector<500x500xbf16>, vector<500x12xbf16>, vector<500x128xbf16>, vector<500x128xbf16> -> vector<500x768xbf16>
    %dot_general3A_808 = arith.constant dense<0.000000e+00> : vector<500x768xf32>
    %dot_general3A_809 = tpu.matmul %convert_element_type3A_793, %concatenate3A_807, %dot_general3A_808 {dimension_numbers = #tpu.dot_dimension_numbers<[1], [0], [0], [1], [0, 0, 1, 1], [], []>, transpose_lhs_hint = false} : vector<500x500xbf16>, vector<500x768xbf16>, vector<500x768xf32> -> vector<500x768xf32>
    %slice3A_810 = vector.extract_strided_slice %dot_general3A_809 {offsets = [0, 0], sizes = [500, 500], strides = [1, 1]} : vector<500x768xf32> to vector<500x500xf32>
    %slice3A_811 = vector.extract_strided_slice %dot_general3A_809 {offsets = [0, 512], sizes = [500, 128], strides = [1, 1]} : vector<500x768xf32> to vector<500x128xf32>
    %slice3A_812 = vector.extract_strided_slice %dot_general3A_809 {offsets = [0, 640], sizes = [500, 128], strides = [1, 1]} : vector<500x768xf32> to vector<500x128xf32>
    %add3A_813 = arith.addf %slice3A_811, %slice3A_812 : vector<500x128xf32>
    %gt3A_814 = arith.constant 0.000000e+00 : f32
    %gt3A_815 = vector.broadcast %gt3A_814 : f32 to vector<500x500xf32>
    %gt3A_816 = arith.cmpf ogt, %slice3A_810, %gt3A_815 : vector<500x500xf32>
    %convert_element_type3A_817 = arith.extui %gt3A_816 : vector<500x500xi1> to vector<500x500xi32>
    %convert_element_type3A_818 = arith.sitofp %convert_element_type3A_817 : vector<500x500xi32> to vector<500x500xf32>
    %convert_element_type3A_819 = arith.truncf %convert_element_type3A_818 : vector<500x500xf32> to vector<500x500xbf16>
    %dot_general3A_820 = arith.constant dense<0.000000e+00> : vector<500x500xf32>
    %dot_general3A_821 = tpu.matmul %convert_element_type3A_819, %convert_element_type3A_793, %dot_general3A_820 {dimension_numbers = #tpu.dot_dimension_numbers<[1], [0], [0], [1], [0, 0, 1, 1], [], []>, transpose_lhs_hint = false} : vector<500x500xbf16>, vector<500x500xbf16>, vector<500x500xf32> -> vector<500x500xf32>
    %mul3A_822 = arith.mulf %convert_element_type3A_818, %dot_general3A_821 : vector<500x500xf32>
    %dot_general3A_823 = arith.constant dense<0.000000e+00> : vector<500x128xf32>
    %dot_general3A_824 = tpu.matmul %add3A_813, %get3A_771, %dot_general3A_823 {dimension_numbers = #tpu.dot_dimension_numbers<[1], [0], [0], [1], [0, 0, 1, 1], [], []>, transpose_lhs_hint = false} : vector<500x128xf32>, vector<128x128xf32>, vector<500x128xf32> -> vector<500x128xf32>
    %dot_general3A_825 = arith.constant dense<0.000000e+00> : vector<500x128xf32>
    %dot_general3A_826 = tpu.matmul %mul3A_822, %dot_general3A_824, %dot_general3A_825 {dimension_numbers = #tpu.dot_dimension_numbers<[1], [0], [0], [1], [0, 0, 1, 1], [], []>, transpose_lhs_hint = false} : vector<500x500xf32>, vector<500x128xf32>, vector<500x128xf32> -> vector<500x128xf32>
    %add3A_827 = vector.broadcast %get3A_774 : vector<1x128xf32> to vector<500x128xf32>
    %add3A_828 = arith.addf %dot_general3A_826, %add3A_827 : vector<500x128xf32>
    %max3A_829 = arith.constant 0.000000e+00 : f32
    %max3A_830 = vector.broadcast %max3A_829 : f32 to vector<500x128xf32>
    %max3A_831 = arith.maximumf %add3A_828, %max3A_830 : vector<500x128xf32>
    %swap3A_832 = arith.constant 8 : index
    %swap3A_833 = arith.constant 0 : index
    %swap3A_834 = arith.constant 0 : index
    %swap3A_835 = vector.load %arg7[%swap3A_832, %swap3A_833, %swap3A_834] : memref<16x500x128xf32, #tpu.memory_space<vmem>>, vector<1x500x128xf32>
    %swap3A_836 = vector.shape_cast %swap3A_835 : vector<1x500x128xf32> to vector<500x128xf32>
    %swap3A_837 = vector.shape_cast %max3A_831 : vector<500x128xf32> to vector<1x500x128xf32>
    tpu.vector_store %arg7[%swap3A_832, %swap3A_833, %swap3A_834], %swap3A_837 {strides = array<i32>} : memref<16x500x128xf32, #tpu.memory_space<vmem>>, vector<1x500x128xf32>,
    %reduce_sum3A_838 = arith.constant dense<0.000000e+00> : vector<128xf32>
    %reduce_sum3A_839 = vector.multi_reduction <add>, %max3A_831, %reduce_sum3A_838 [0] : vector<500x128xf32> to vector<128xf32>
    %div3A_840 = arith.constant 5.000000e+02 : f32
    %div3A_841 = vector.broadcast %div3A_840 : f32 to vector<128xf32>
    %div3A_842 = arith.divf %reduce_sum3A_839, %div3A_841 : vector<128xf32>
    %swap3A_843 = arith.constant 8 : index
    %swap3A_844 = arith.constant 0 : index
    %swap3A_845 = arith.constant 0 : index
    %swap3A_846 = vector.load %arg8[%swap3A_843, %swap3A_844, %swap3A_845] : memref<16x1x128xf32, #tpu.memory_space<vmem>>, vector<1x1x128xf32>
    %swap3A_847 = vector.shape_cast %swap3A_846 : vector<1x1x128xf32> to vector<128xf32>
    %swap3A_848 = vector.shape_cast %div3A_842 : vector<128xf32> to vector<1x1x128xf32>
    tpu.vector_store %arg8[%swap3A_843, %swap3A_844, %swap3A_845], %swap3A_848 {strides = array<i32>} : memref<16x1x128xf32, #tpu.memory_space<vmem>>, vector<1x1x128xf32>,
    %get3A_849 = arith.constant 9 : index
    %get3A_850 = arith.constant 0 : index
    %get3A_851 = arith.constant 0 : index
    %get3A_852 = vector.load %arg1[%get3A_849, %get3A_850, %get3A_851] : memref<16x500x3xf32, #tpu.memory_space<vmem>>, vector<1x500x3xf32>
    %get3A_853 = vector.shape_cast %get3A_852 : vector<1x500x3xf32> to vector<500x3xf32>
    %get3A_854 = arith.constant 9 : index
    %get3A_855 = arith.constant 0 : index
    %get3A_856 = arith.constant 0 : index
    %get3A_857 = vector.load %arg2[%get3A_854, %get3A_855, %get3A_856] : memref<16x3x500xf32, #tpu.memory_space<vmem>>, vector<1x3x500xf32>
    %get3A_858 = vector.shape_cast %get3A_857 : vector<1x3x500xf32> to vector<3x500xf32>
    %get3A_859 = arith.constant 0 : index
    %get3A_860 = arith.constant 0 : index
    %get3A_861 = vector.load %arg3[%get3A_859, %get3A_860] : memref<3x128xf32, #tpu.memory_space<vmem>>, vector<3x128xf32>
    %get3A_862 = arith.constant 0 : index
    %get3A_863 = arith.constant 0 : index
    %get3A_864 = vector.load %arg4[%get3A_862, %get3A_863] : memref<1x128xf32, #tpu.memory_space<vmem>>, vector<1x128xf32>
    %get3A_865 = arith.constant 0 : index
    %get3A_866 = arith.constant 0 : index
    %get3A_867 = vector.load %arg5[%get3A_865, %get3A_866] : memref<128x128xf32, #tpu.memory_space<vmem>>, vector<128x128xf32>
    %get3A_868 = arith.constant 0 : index
    %get3A_869 = arith.constant 0 : index
    %get3A_870 = vector.load %arg6[%get3A_868, %get3A_869] : memref<1x128xf32, #tpu.memory_space<vmem>>, vector<1x128xf32>
    %slice3A_871 = vector.extract_strided_slice %get3A_853 {offsets = [0, 0], sizes = [500, 1], strides = [1, 1]} : vector<500x3xf32> to vector<500x1xf32>
    %slice3A_872 = vector.extract_strided_slice %get3A_853 {offsets = [0, 1], sizes = [500, 1], strides = [1, 1]} : vector<500x3xf32> to vector<500x1xf32>
    %slice3A_873 = vector.extract_strided_slice %get3A_858 {offsets = [0, 0], sizes = [1, 500], strides = [1, 1]} : vector<3x500xf32> to vector<1x500xf32>
    %slice3A_874 = vector.extract_strided_slice %get3A_858 {offsets = [1, 0], sizes = [1, 500], strides = [1, 1]} : vector<3x500xf32> to vector<1x500xf32>
    %sub3A_875 = vector.broadcast %slice3A_871 : vector<500x1xf32> to vector<500x500xf32>
    %sub3A_876 = vector.broadcast %slice3A_873 : vector<1x500xf32> to vector<500x500xf32>
    %sub3A_877 = arith.subf %sub3A_875, %sub3A_876 : vector<500x500xf32>
    %sub3A_878 = vector.broadcast %slice3A_872 : vector<500x1xf32> to vector<500x500xf32>
    %sub3A_879 = vector.broadcast %slice3A_874 : vector<1x500xf32> to vector<500x500xf32>
    %sub3A_880 = arith.subf %sub3A_878, %sub3A_879 : vector<500x500xf32>
    %mul3A_881 = arith.mulf %sub3A_877, %sub3A_877 : vector<500x500xf32>
    %mul3A_882 = arith.mulf %sub3A_880, %sub3A_880 : vector<500x500xf32>
    %add3A_883 = arith.addf %mul3A_881, %mul3A_882 : vector<500x500xf32>
    %le3A_884 = arith.constant 3.025000e-03 : f32
    %le3A_885 = vector.broadcast %le3A_884 : f32 to vector<500x500xf32>
    %le3A_886 = arith.cmpf ole, %add3A_883, %le3A_885 : vector<500x500xf32>
    %convert_element_type3A_887 = arith.extui %le3A_886 : vector<500x500xi1> to vector<500x500xi32>
    %convert_element_type3A_888 = arith.sitofp %convert_element_type3A_887 : vector<500x500xi32> to vector<500x500xf32>
    %convert_element_type3A_889 = arith.truncf %convert_element_type3A_888 : vector<500x500xf32> to vector<500x500xbf16>
    %dot_general3A_890 = arith.constant dense<0.000000e+00> : vector<500x128xf32>
    %dot_general3A_891 = tpu.matmul %get3A_853, %get3A_861, %dot_general3A_890 {dimension_numbers = #tpu.dot_dimension_numbers<[1], [0], [0], [1], [0, 0, 1, 1], [], []>, transpose_lhs_hint = false} : vector<500x3xf32>, vector<3x128xf32>, vector<500x128xf32> -> vector<500x128xf32>
    %add3A_892 = vector.broadcast %get3A_864 : vector<1x128xf32> to vector<500x128xf32>
    %add3A_893 = arith.addf %dot_general3A_891, %add3A_892 : vector<500x128xf32>
    %max3A_894 = arith.constant 0.000000e+00 : f32
    %max3A_895 = vector.broadcast %max3A_894 : f32 to vector<500x128xf32>
    %max3A_896 = arith.maximumf %add3A_893, %max3A_895 : vector<500x128xf32>
    %convert_element_type3A_897 = arith.truncf %max3A_896 : vector<500x128xf32> to vector<500x128xbf16>
    %convert_element_type3A_898 = arith.extf %convert_element_type3A_897 : vector<500x128xbf16> to vector<500x128xf32>
    %sub3A_899 = arith.subf %max3A_896, %convert_element_type3A_898 : vector<500x128xf32>
    %convert_element_type3A_900 = arith.truncf %sub3A_899 : vector<500x128xf32> to vector<500x128xbf16>
    %broadcast_in_dim3A_901 = arith.constant 0.000000e+00 : bf16
    %broadcast_in_dim3A_902 = vector.broadcast %broadcast_in_dim3A_901 : bf16 to vector<500x12xbf16>
    %concatenate3A_903 = tpu.concatenate %convert_element_type3A_889, %broadcast_in_dim3A_902, %convert_element_type3A_897, %convert_element_type3A_900 in 1 : vector<500x500xbf16>, vector<500x12xbf16>, vector<500x128xbf16>, vector<500x128xbf16> -> vector<500x768xbf16>
    %dot_general3A_904 = arith.constant dense<0.000000e+00> : vector<500x768xf32>
    %dot_general3A_905 = tpu.matmul %convert_element_type3A_889, %concatenate3A_903, %dot_general3A_904 {dimension_numbers = #tpu.dot_dimension_numbers<[1], [0], [0], [1], [0, 0, 1, 1], [], []>, transpose_lhs_hint = false} : vector<500x500xbf16>, vector<500x768xbf16>, vector<500x768xf32> -> vector<500x768xf32>
    %slice3A_906 = vector.extract_strided_slice %dot_general3A_905 {offsets = [0, 0], sizes = [500, 500], strides = [1, 1]} : vector<500x768xf32> to vector<500x500xf32>
    %slice3A_907 = vector.extract_strided_slice %dot_general3A_905 {offsets = [0, 512], sizes = [500, 128], strides = [1, 1]} : vector<500x768xf32> to vector<500x128xf32>
    %slice3A_908 = vector.extract_strided_slice %dot_general3A_905 {offsets = [0, 640], sizes = [500, 128], strides = [1, 1]} : vector<500x768xf32> to vector<500x128xf32>
    %add3A_909 = arith.addf %slice3A_907, %slice3A_908 : vector<500x128xf32>
    %gt3A_910 = arith.constant 0.000000e+00 : f32
    %gt3A_911 = vector.broadcast %gt3A_910 : f32 to vector<500x500xf32>
    %gt3A_912 = arith.cmpf ogt, %slice3A_906, %gt3A_911 : vector<500x500xf32>
    %convert_element_type3A_913 = arith.extui %gt3A_912 : vector<500x500xi1> to vector<500x500xi32>
    %convert_element_type3A_914 = arith.sitofp %convert_element_type3A_913 : vector<500x500xi32> to vector<500x500xf32>
    %convert_element_type3A_915 = arith.truncf %convert_element_type3A_914 : vector<500x500xf32> to vector<500x500xbf16>
    %dot_general3A_916 = arith.constant dense<0.000000e+00> : vector<500x500xf32>
    %dot_general3A_917 = tpu.matmul %convert_element_type3A_915, %convert_element_type3A_889, %dot_general3A_916 {dimension_numbers = #tpu.dot_dimension_numbers<[1], [0], [0], [1], [0, 0, 1, 1], [], []>, transpose_lhs_hint = false} : vector<500x500xbf16>, vector<500x500xbf16>, vector<500x500xf32> -> vector<500x500xf32>
    %mul3A_918 = arith.mulf %convert_element_type3A_914, %dot_general3A_917 : vector<500x500xf32>
    %dot_general3A_919 = arith.constant dense<0.000000e+00> : vector<500x128xf32>
    %dot_general3A_920 = tpu.matmul %add3A_909, %get3A_867, %dot_general3A_919 {dimension_numbers = #tpu.dot_dimension_numbers<[1], [0], [0], [1], [0, 0, 1, 1], [], []>, transpose_lhs_hint = false} : vector<500x128xf32>, vector<128x128xf32>, vector<500x128xf32> -> vector<500x128xf32>
    %dot_general3A_921 = arith.constant dense<0.000000e+00> : vector<500x128xf32>
    %dot_general3A_922 = tpu.matmul %mul3A_918, %dot_general3A_920, %dot_general3A_921 {dimension_numbers = #tpu.dot_dimension_numbers<[1], [0], [0], [1], [0, 0, 1, 1], [], []>, transpose_lhs_hint = false} : vector<500x500xf32>, vector<500x128xf32>, vector<500x128xf32> -> vector<500x128xf32>
    %add3A_923 = vector.broadcast %get3A_870 : vector<1x128xf32> to vector<500x128xf32>
    %add3A_924 = arith.addf %dot_general3A_922, %add3A_923 : vector<500x128xf32>
    %max3A_925 = arith.constant 0.000000e+00 : f32
    %max3A_926 = vector.broadcast %max3A_925 : f32 to vector<500x128xf32>
    %max3A_927 = arith.maximumf %add3A_924, %max3A_926 : vector<500x128xf32>
    %swap3A_928 = arith.constant 9 : index
    %swap3A_929 = arith.constant 0 : index
    %swap3A_930 = arith.constant 0 : index
    %swap3A_931 = vector.load %arg7[%swap3A_928, %swap3A_929, %swap3A_930] : memref<16x500x128xf32, #tpu.memory_space<vmem>>, vector<1x500x128xf32>
    %swap3A_932 = vector.shape_cast %swap3A_931 : vector<1x500x128xf32> to vector<500x128xf32>
    %swap3A_933 = vector.shape_cast %max3A_927 : vector<500x128xf32> to vector<1x500x128xf32>
    tpu.vector_store %arg7[%swap3A_928, %swap3A_929, %swap3A_930], %swap3A_933 {strides = array<i32>} : memref<16x500x128xf32, #tpu.memory_space<vmem>>, vector<1x500x128xf32>,
    %reduce_sum3A_934 = arith.constant dense<0.000000e+00> : vector<128xf32>
    %reduce_sum3A_935 = vector.multi_reduction <add>, %max3A_927, %reduce_sum3A_934 [0] : vector<500x128xf32> to vector<128xf32>
    %div3A_936 = arith.constant 5.000000e+02 : f32
    %div3A_937 = vector.broadcast %div3A_936 : f32 to vector<128xf32>
    %div3A_938 = arith.divf %reduce_sum3A_935, %div3A_937 : vector<128xf32>
    %swap3A_939 = arith.constant 9 : index
    %swap3A_940 = arith.constant 0 : index
    %swap3A_941 = arith.constant 0 : index
    %swap3A_942 = vector.load %arg8[%swap3A_939, %swap3A_940, %swap3A_941] : memref<16x1x128xf32, #tpu.memory_space<vmem>>, vector<1x1x128xf32>
    %swap3A_943 = vector.shape_cast %swap3A_942 : vector<1x1x128xf32> to vector<128xf32>
    %swap3A_944 = vector.shape_cast %div3A_938 : vector<128xf32> to vector<1x1x128xf32>
    tpu.vector_store %arg8[%swap3A_939, %swap3A_940, %swap3A_941], %swap3A_944 {strides = array<i32>} : memref<16x1x128xf32, #tpu.memory_space<vmem>>, vector<1x1x128xf32>,
    %get3A_945 = arith.constant 10 : index
    %get3A_946 = arith.constant 0 : index
    %get3A_947 = arith.constant 0 : index
    %get3A_948 = vector.load %arg1[%get3A_945, %get3A_946, %get3A_947] : memref<16x500x3xf32, #tpu.memory_space<vmem>>, vector<1x500x3xf32>
    %get3A_949 = vector.shape_cast %get3A_948 : vector<1x500x3xf32> to vector<500x3xf32>
    %get3A_950 = arith.constant 10 : index
    %get3A_951 = arith.constant 0 : index
    %get3A_952 = arith.constant 0 : index
    %get3A_953 = vector.load %arg2[%get3A_950, %get3A_951, %get3A_952] : memref<16x3x500xf32, #tpu.memory_space<vmem>>, vector<1x3x500xf32>
    %get3A_954 = vector.shape_cast %get3A_953 : vector<1x3x500xf32> to vector<3x500xf32>
    %get3A_955 = arith.constant 0 : index
    %get3A_956 = arith.constant 0 : index
    %get3A_957 = vector.load %arg3[%get3A_955, %get3A_956] : memref<3x128xf32, #tpu.memory_space<vmem>>, vector<3x128xf32>
    %get3A_958 = arith.constant 0 : index
    %get3A_959 = arith.constant 0 : index
    %get3A_960 = vector.load %arg4[%get3A_958, %get3A_959] : memref<1x128xf32, #tpu.memory_space<vmem>>, vector<1x128xf32>
    %get3A_961 = arith.constant 0 : index
    %get3A_962 = arith.constant 0 : index
    %get3A_963 = vector.load %arg5[%get3A_961, %get3A_962] : memref<128x128xf32, #tpu.memory_space<vmem>>, vector<128x128xf32>
    %get3A_964 = arith.constant 0 : index
    %get3A_965 = arith.constant 0 : index
    %get3A_966 = vector.load %arg6[%get3A_964, %get3A_965] : memref<1x128xf32, #tpu.memory_space<vmem>>, vector<1x128xf32>
    %slice3A_967 = vector.extract_strided_slice %get3A_949 {offsets = [0, 0], sizes = [500, 1], strides = [1, 1]} : vector<500x3xf32> to vector<500x1xf32>
    %slice3A_968 = vector.extract_strided_slice %get3A_949 {offsets = [0, 1], sizes = [500, 1], strides = [1, 1]} : vector<500x3xf32> to vector<500x1xf32>
    %slice3A_969 = vector.extract_strided_slice %get3A_954 {offsets = [0, 0], sizes = [1, 500], strides = [1, 1]} : vector<3x500xf32> to vector<1x500xf32>
    %slice3A_970 = vector.extract_strided_slice %get3A_954 {offsets = [1, 0], sizes = [1, 500], strides = [1, 1]} : vector<3x500xf32> to vector<1x500xf32>
    %sub3A_971 = vector.broadcast %slice3A_967 : vector<500x1xf32> to vector<500x500xf32>
    %sub3A_972 = vector.broadcast %slice3A_969 : vector<1x500xf32> to vector<500x500xf32>
    %sub3A_973 = arith.subf %sub3A_971, %sub3A_972 : vector<500x500xf32>
    %sub3A_974 = vector.broadcast %slice3A_968 : vector<500x1xf32> to vector<500x500xf32>
    %sub3A_975 = vector.broadcast %slice3A_970 : vector<1x500xf32> to vector<500x500xf32>
    %sub3A_976 = arith.subf %sub3A_974, %sub3A_975 : vector<500x500xf32>
    %mul3A_977 = arith.mulf %sub3A_973, %sub3A_973 : vector<500x500xf32>
    %mul3A_978 = arith.mulf %sub3A_976, %sub3A_976 : vector<500x500xf32>
    %add3A_979 = arith.addf %mul3A_977, %mul3A_978 : vector<500x500xf32>
    %le3A_980 = arith.constant 3.025000e-03 : f32
    %le3A_981 = vector.broadcast %le3A_980 : f32 to vector<500x500xf32>
    %le3A_982 = arith.cmpf ole, %add3A_979, %le3A_981 : vector<500x500xf32>
    %convert_element_type3A_983 = arith.extui %le3A_982 : vector<500x500xi1> to vector<500x500xi32>
    %convert_element_type3A_984 = arith.sitofp %convert_element_type3A_983 : vector<500x500xi32> to vector<500x500xf32>
    %convert_element_type3A_985 = arith.truncf %convert_element_type3A_984 : vector<500x500xf32> to vector<500x500xbf16>
    %dot_general3A_986 = arith.constant dense<0.000000e+00> : vector<500x128xf32>
    %dot_general3A_987 = tpu.matmul %get3A_949, %get3A_957, %dot_general3A_986 {dimension_numbers = #tpu.dot_dimension_numbers<[1], [0], [0], [1], [0, 0, 1, 1], [], []>, transpose_lhs_hint = false} : vector<500x3xf32>, vector<3x128xf32>, vector<500x128xf32> -> vector<500x128xf32>
    %add3A_988 = vector.broadcast %get3A_960 : vector<1x128xf32> to vector<500x128xf32>
    %add3A_989 = arith.addf %dot_general3A_987, %add3A_988 : vector<500x128xf32>
    %max3A_990 = arith.constant 0.000000e+00 : f32
    %max3A_991 = vector.broadcast %max3A_990 : f32 to vector<500x128xf32>
    %max3A_992 = arith.maximumf %add3A_989, %max3A_991 : vector<500x128xf32>
    %convert_element_type3A_993 = arith.truncf %max3A_992 : vector<500x128xf32> to vector<500x128xbf16>
    %convert_element_type3A_994 = arith.extf %convert_element_type3A_993 : vector<500x128xbf16> to vector<500x128xf32>
    %sub3A_995 = arith.subf %max3A_992, %convert_element_type3A_994 : vector<500x128xf32>
    %convert_element_type3A_996 = arith.truncf %sub3A_995 : vector<500x128xf32> to vector<500x128xbf16>
    %broadcast_in_dim3A_997 = arith.constant 0.000000e+00 : bf16
    %broadcast_in_dim3A_998 = vector.broadcast %broadcast_in_dim3A_997 : bf16 to vector<500x12xbf16>
    %concatenate3A_999 = tpu.concatenate %convert_element_type3A_985, %broadcast_in_dim3A_998, %convert_element_type3A_993, %convert_element_type3A_996 in 1 : vector<500x500xbf16>, vector<500x12xbf16>, vector<500x128xbf16>, vector<500x128xbf16> -> vector<500x768xbf16>
    %dot_general3A_1000 = arith.constant dense<0.000000e+00> : vector<500x768xf32>
    %dot_general3A_1001 = tpu.matmul %convert_element_type3A_985, %concatenate3A_999, %dot_general3A_1000 {dimension_numbers = #tpu.dot_dimension_numbers<[1], [0], [0], [1], [0, 0, 1, 1], [], []>, transpose_lhs_hint = false} : vector<500x500xbf16>, vector<500x768xbf16>, vector<500x768xf32> -> vector<500x768xf32>
    %slice3A_1002 = vector.extract_strided_slice %dot_general3A_1001 {offsets = [0, 0], sizes = [500, 500], strides = [1, 1]} : vector<500x768xf32> to vector<500x500xf32>
    %slice3A_1003 = vector.extract_strided_slice %dot_general3A_1001 {offsets = [0, 512], sizes = [500, 128], strides = [1, 1]} : vector<500x768xf32> to vector<500x128xf32>
    %slice3A_1004 = vector.extract_strided_slice %dot_general3A_1001 {offsets = [0, 640], sizes = [500, 128], strides = [1, 1]} : vector<500x768xf32> to vector<500x128xf32>
    %add3A_1005 = arith.addf %slice3A_1003, %slice3A_1004 : vector<500x128xf32>
    %gt3A_1006 = arith.constant 0.000000e+00 : f32
    %gt3A_1007 = vector.broadcast %gt3A_1006 : f32 to vector<500x500xf32>
    %gt3A_1008 = arith.cmpf ogt, %slice3A_1002, %gt3A_1007 : vector<500x500xf32>
    %convert_element_type3A_1009 = arith.extui %gt3A_1008 : vector<500x500xi1> to vector<500x500xi32>
    %convert_element_type3A_1010 = arith.sitofp %convert_element_type3A_1009 : vector<500x500xi32> to vector<500x500xf32>
    %convert_element_type3A_1011 = arith.truncf %convert_element_type3A_1010 : vector<500x500xf32> to vector<500x500xbf16>
    %dot_general3A_1012 = arith.constant dense<0.000000e+00> : vector<500x500xf32>
    %dot_general3A_1013 = tpu.matmul %convert_element_type3A_1011, %convert_element_type3A_985, %dot_general3A_1012 {dimension_numbers = #tpu.dot_dimension_numbers<[1], [0], [0], [1], [0, 0, 1, 1], [], []>, transpose_lhs_hint = false} : vector<500x500xbf16>, vector<500x500xbf16>, vector<500x500xf32> -> vector<500x500xf32>
    %mul3A_1014 = arith.mulf %convert_element_type3A_1010, %dot_general3A_1013 : vector<500x500xf32>
    %dot_general3A_1015 = arith.constant dense<0.000000e+00> : vector<500x128xf32>
    %dot_general3A_1016 = tpu.matmul %add3A_1005, %get3A_963, %dot_general3A_1015 {dimension_numbers = #tpu.dot_dimension_numbers<[1], [0], [0], [1], [0, 0, 1, 1], [], []>, transpose_lhs_hint = false} : vector<500x128xf32>, vector<128x128xf32>, vector<500x128xf32> -> vector<500x128xf32>
    %dot_general3A_1017 = arith.constant dense<0.000000e+00> : vector<500x128xf32>
    %dot_general3A_1018 = tpu.matmul %mul3A_1014, %dot_general3A_1016, %dot_general3A_1017 {dimension_numbers = #tpu.dot_dimension_numbers<[1], [0], [0], [1], [0, 0, 1, 1], [], []>, transpose_lhs_hint = false} : vector<500x500xf32>, vector<500x128xf32>, vector<500x128xf32> -> vector<500x128xf32>
    %add3A_1019 = vector.broadcast %get3A_966 : vector<1x128xf32> to vector<500x128xf32>
    %add3A_1020 = arith.addf %dot_general3A_1018, %add3A_1019 : vector<500x128xf32>
    %max3A_1021 = arith.constant 0.000000e+00 : f32
    %max3A_1022 = vector.broadcast %max3A_1021 : f32 to vector<500x128xf32>
    %max3A_1023 = arith.maximumf %add3A_1020, %max3A_1022 : vector<500x128xf32>
    %swap3A_1024 = arith.constant 10 : index
    %swap3A_1025 = arith.constant 0 : index
    %swap3A_1026 = arith.constant 0 : index
    %swap3A_1027 = vector.load %arg7[%swap3A_1024, %swap3A_1025, %swap3A_1026] : memref<16x500x128xf32, #tpu.memory_space<vmem>>, vector<1x500x128xf32>
    %swap3A_1028 = vector.shape_cast %swap3A_1027 : vector<1x500x128xf32> to vector<500x128xf32>
    %swap3A_1029 = vector.shape_cast %max3A_1023 : vector<500x128xf32> to vector<1x500x128xf32>
    tpu.vector_store %arg7[%swap3A_1024, %swap3A_1025, %swap3A_1026], %swap3A_1029 {strides = array<i32>} : memref<16x500x128xf32, #tpu.memory_space<vmem>>, vector<1x500x128xf32>,
    %reduce_sum3A_1030 = arith.constant dense<0.000000e+00> : vector<128xf32>
    %reduce_sum3A_1031 = vector.multi_reduction <add>, %max3A_1023, %reduce_sum3A_1030 [0] : vector<500x128xf32> to vector<128xf32>
    %div3A_1032 = arith.constant 5.000000e+02 : f32
    %div3A_1033 = vector.broadcast %div3A_1032 : f32 to vector<128xf32>
    %div3A_1034 = arith.divf %reduce_sum3A_1031, %div3A_1033 : vector<128xf32>
    %swap3A_1035 = arith.constant 10 : index
    %swap3A_1036 = arith.constant 0 : index
    %swap3A_1037 = arith.constant 0 : index
    %swap3A_1038 = vector.load %arg8[%swap3A_1035, %swap3A_1036, %swap3A_1037] : memref<16x1x128xf32, #tpu.memory_space<vmem>>, vector<1x1x128xf32>
    %swap3A_1039 = vector.shape_cast %swap3A_1038 : vector<1x1x128xf32> to vector<128xf32>
    %swap3A_1040 = vector.shape_cast %div3A_1034 : vector<128xf32> to vector<1x1x128xf32>
    tpu.vector_store %arg8[%swap3A_1035, %swap3A_1036, %swap3A_1037], %swap3A_1040 {strides = array<i32>} : memref<16x1x128xf32, #tpu.memory_space<vmem>>, vector<1x1x128xf32>,
    %get3A_1041 = arith.constant 11 : index
    %get3A_1042 = arith.constant 0 : index
    %get3A_1043 = arith.constant 0 : index
    %get3A_1044 = vector.load %arg1[%get3A_1041, %get3A_1042, %get3A_1043] : memref<16x500x3xf32, #tpu.memory_space<vmem>>, vector<1x500x3xf32>
    %get3A_1045 = vector.shape_cast %get3A_1044 : vector<1x500x3xf32> to vector<500x3xf32>
    %get3A_1046 = arith.constant 11 : index
    %get3A_1047 = arith.constant 0 : index
    %get3A_1048 = arith.constant 0 : index
    %get3A_1049 = vector.load %arg2[%get3A_1046, %get3A_1047, %get3A_1048] : memref<16x3x500xf32, #tpu.memory_space<vmem>>, vector<1x3x500xf32>
    %get3A_1050 = vector.shape_cast %get3A_1049 : vector<1x3x500xf32> to vector<3x500xf32>
    %get3A_1051 = arith.constant 0 : index
    %get3A_1052 = arith.constant 0 : index
    %get3A_1053 = vector.load %arg3[%get3A_1051, %get3A_1052] : memref<3x128xf32, #tpu.memory_space<vmem>>, vector<3x128xf32>
    %get3A_1054 = arith.constant 0 : index
    %get3A_1055 = arith.constant 0 : index
    %get3A_1056 = vector.load %arg4[%get3A_1054, %get3A_1055] : memref<1x128xf32, #tpu.memory_space<vmem>>, vector<1x128xf32>
    %get3A_1057 = arith.constant 0 : index
    %get3A_1058 = arith.constant 0 : index
    %get3A_1059 = vector.load %arg5[%get3A_1057, %get3A_1058] : memref<128x128xf32, #tpu.memory_space<vmem>>, vector<128x128xf32>
    %get3A_1060 = arith.constant 0 : index
    %get3A_1061 = arith.constant 0 : index
    %get3A_1062 = vector.load %arg6[%get3A_1060, %get3A_1061] : memref<1x128xf32, #tpu.memory_space<vmem>>, vector<1x128xf32>
    %slice3A_1063 = vector.extract_strided_slice %get3A_1045 {offsets = [0, 0], sizes = [500, 1], strides = [1, 1]} : vector<500x3xf32> to vector<500x1xf32>
    %slice3A_1064 = vector.extract_strided_slice %get3A_1045 {offsets = [0, 1], sizes = [500, 1], strides = [1, 1]} : vector<500x3xf32> to vector<500x1xf32>
    %slice3A_1065 = vector.extract_strided_slice %get3A_1050 {offsets = [0, 0], sizes = [1, 500], strides = [1, 1]} : vector<3x500xf32> to vector<1x500xf32>
    %slice3A_1066 = vector.extract_strided_slice %get3A_1050 {offsets = [1, 0], sizes = [1, 500], strides = [1, 1]} : vector<3x500xf32> to vector<1x500xf32>
    %sub3A_1067 = vector.broadcast %slice3A_1063 : vector<500x1xf32> to vector<500x500xf32>
    %sub3A_1068 = vector.broadcast %slice3A_1065 : vector<1x500xf32> to vector<500x500xf32>
    %sub3A_1069 = arith.subf %sub3A_1067, %sub3A_1068 : vector<500x500xf32>
    %sub3A_1070 = vector.broadcast %slice3A_1064 : vector<500x1xf32> to vector<500x500xf32>
    %sub3A_1071 = vector.broadcast %slice3A_1066 : vector<1x500xf32> to vector<500x500xf32>
    %sub3A_1072 = arith.subf %sub3A_1070, %sub3A_1071 : vector<500x500xf32>
    %mul3A_1073 = arith.mulf %sub3A_1069, %sub3A_1069 : vector<500x500xf32>
    %mul3A_1074 = arith.mulf %sub3A_1072, %sub3A_1072 : vector<500x500xf32>
    %add3A_1075 = arith.addf %mul3A_1073, %mul3A_1074 : vector<500x500xf32>
    %le3A_1076 = arith.constant 3.025000e-03 : f32
    %le3A_1077 = vector.broadcast %le3A_1076 : f32 to vector<500x500xf32>
    %le3A_1078 = arith.cmpf ole, %add3A_1075, %le3A_1077 : vector<500x500xf32>
    %convert_element_type3A_1079 = arith.extui %le3A_1078 : vector<500x500xi1> to vector<500x500xi32>
    %convert_element_type3A_1080 = arith.sitofp %convert_element_type3A_1079 : vector<500x500xi32> to vector<500x500xf32>
    %convert_element_type3A_1081 = arith.truncf %convert_element_type3A_1080 : vector<500x500xf32> to vector<500x500xbf16>
    %dot_general3A_1082 = arith.constant dense<0.000000e+00> : vector<500x128xf32>
    %dot_general3A_1083 = tpu.matmul %get3A_1045, %get3A_1053, %dot_general3A_1082 {dimension_numbers = #tpu.dot_dimension_numbers<[1], [0], [0], [1], [0, 0, 1, 1], [], []>, transpose_lhs_hint = false} : vector<500x3xf32>, vector<3x128xf32>, vector<500x128xf32> -> vector<500x128xf32>
    %add3A_1084 = vector.broadcast %get3A_1056 : vector<1x128xf32> to vector<500x128xf32>
    %add3A_1085 = arith.addf %dot_general3A_1083, %add3A_1084 : vector<500x128xf32>
    %max3A_1086 = arith.constant 0.000000e+00 : f32
    %max3A_1087 = vector.broadcast %max3A_1086 : f32 to vector<500x128xf32>
    %max3A_1088 = arith.maximumf %add3A_1085, %max3A_1087 : vector<500x128xf32>
    %convert_element_type3A_1089 = arith.truncf %max3A_1088 : vector<500x128xf32> to vector<500x128xbf16>
    %convert_element_type3A_1090 = arith.extf %convert_element_type3A_1089 : vector<500x128xbf16> to vector<500x128xf32>
    %sub3A_1091 = arith.subf %max3A_1088, %convert_element_type3A_1090 : vector<500x128xf32>
    %convert_element_type3A_1092 = arith.truncf %sub3A_1091 : vector<500x128xf32> to vector<500x128xbf16>
    %broadcast_in_dim3A_1093 = arith.constant 0.000000e+00 : bf16
    %broadcast_in_dim3A_1094 = vector.broadcast %broadcast_in_dim3A_1093 : bf16 to vector<500x12xbf16>
    %concatenate3A_1095 = tpu.concatenate %convert_element_type3A_1081, %broadcast_in_dim3A_1094, %convert_element_type3A_1089, %convert_element_type3A_1092 in 1 : vector<500x500xbf16>, vector<500x12xbf16>, vector<500x128xbf16>, vector<500x128xbf16> -> vector<500x768xbf16>
    %dot_general3A_1096 = arith.constant dense<0.000000e+00> : vector<500x768xf32>
    %dot_general3A_1097 = tpu.matmul %convert_element_type3A_1081, %concatenate3A_1095, %dot_general3A_1096 {dimension_numbers = #tpu.dot_dimension_numbers<[1], [0], [0], [1], [0, 0, 1, 1], [], []>, transpose_lhs_hint = false} : vector<500x500xbf16>, vector<500x768xbf16>, vector<500x768xf32> -> vector<500x768xf32>
    %slice3A_1098 = vector.extract_strided_slice %dot_general3A_1097 {offsets = [0, 0], sizes = [500, 500], strides = [1, 1]} : vector<500x768xf32> to vector<500x500xf32>
    %slice3A_1099 = vector.extract_strided_slice %dot_general3A_1097 {offsets = [0, 512], sizes = [500, 128], strides = [1, 1]} : vector<500x768xf32> to vector<500x128xf32>
    %slice3A_1100 = vector.extract_strided_slice %dot_general3A_1097 {offsets = [0, 640], sizes = [500, 128], strides = [1, 1]} : vector<500x768xf32> to vector<500x128xf32>
    %add3A_1101 = arith.addf %slice3A_1099, %slice3A_1100 : vector<500x128xf32>
    %gt3A_1102 = arith.constant 0.000000e+00 : f32
    %gt3A_1103 = vector.broadcast %gt3A_1102 : f32 to vector<500x500xf32>
    %gt3A_1104 = arith.cmpf ogt, %slice3A_1098, %gt3A_1103 : vector<500x500xf32>
    %convert_element_type3A_1105 = arith.extui %gt3A_1104 : vector<500x500xi1> to vector<500x500xi32>
    %convert_element_type3A_1106 = arith.sitofp %convert_element_type3A_1105 : vector<500x500xi32> to vector<500x500xf32>
    %convert_element_type3A_1107 = arith.truncf %convert_element_type3A_1106 : vector<500x500xf32> to vector<500x500xbf16>
    %dot_general3A_1108 = arith.constant dense<0.000000e+00> : vector<500x500xf32>
    %dot_general3A_1109 = tpu.matmul %convert_element_type3A_1107, %convert_element_type3A_1081, %dot_general3A_1108 {dimension_numbers = #tpu.dot_dimension_numbers<[1], [0], [0], [1], [0, 0, 1, 1], [], []>, transpose_lhs_hint = false} : vector<500x500xbf16>, vector<500x500xbf16>, vector<500x500xf32> -> vector<500x500xf32>
    %mul3A_1110 = arith.mulf %convert_element_type3A_1106, %dot_general3A_1109 : vector<500x500xf32>
    %dot_general3A_1111 = arith.constant dense<0.000000e+00> : vector<500x128xf32>
    %dot_general3A_1112 = tpu.matmul %add3A_1101, %get3A_1059, %dot_general3A_1111 {dimension_numbers = #tpu.dot_dimension_numbers<[1], [0], [0], [1], [0, 0, 1, 1], [], []>, transpose_lhs_hint = false} : vector<500x128xf32>, vector<128x128xf32>, vector<500x128xf32> -> vector<500x128xf32>
    %dot_general3A_1113 = arith.constant dense<0.000000e+00> : vector<500x128xf32>
    %dot_general3A_1114 = tpu.matmul %mul3A_1110, %dot_general3A_1112, %dot_general3A_1113 {dimension_numbers = #tpu.dot_dimension_numbers<[1], [0], [0], [1], [0, 0, 1, 1], [], []>, transpose_lhs_hint = false} : vector<500x500xf32>, vector<500x128xf32>, vector<500x128xf32> -> vector<500x128xf32>
    %add3A_1115 = vector.broadcast %get3A_1062 : vector<1x128xf32> to vector<500x128xf32>
    %add3A_1116 = arith.addf %dot_general3A_1114, %add3A_1115 : vector<500x128xf32>
    %max3A_1117 = arith.constant 0.000000e+00 : f32
    %max3A_1118 = vector.broadcast %max3A_1117 : f32 to vector<500x128xf32>
    %max3A_1119 = arith.maximumf %add3A_1116, %max3A_1118 : vector<500x128xf32>
    %swap3A_1120 = arith.constant 11 : index
    %swap3A_1121 = arith.constant 0 : index
    %swap3A_1122 = arith.constant 0 : index
    %swap3A_1123 = vector.load %arg7[%swap3A_1120, %swap3A_1121, %swap3A_1122] : memref<16x500x128xf32, #tpu.memory_space<vmem>>, vector<1x500x128xf32>
    %swap3A_1124 = vector.shape_cast %swap3A_1123 : vector<1x500x128xf32> to vector<500x128xf32>
    %swap3A_1125 = vector.shape_cast %max3A_1119 : vector<500x128xf32> to vector<1x500x128xf32>
    tpu.vector_store %arg7[%swap3A_1120, %swap3A_1121, %swap3A_1122], %swap3A_1125 {strides = array<i32>} : memref<16x500x128xf32, #tpu.memory_space<vmem>>, vector<1x500x128xf32>,
    %reduce_sum3A_1126 = arith.constant dense<0.000000e+00> : vector<128xf32>
    %reduce_sum3A_1127 = vector.multi_reduction <add>, %max3A_1119, %reduce_sum3A_1126 [0] : vector<500x128xf32> to vector<128xf32>
    %div3A_1128 = arith.constant 5.000000e+02 : f32
    %div3A_1129 = vector.broadcast %div3A_1128 : f32 to vector<128xf32>
    %div3A_1130 = arith.divf %reduce_sum3A_1127, %div3A_1129 : vector<128xf32>
    %swap3A_1131 = arith.constant 11 : index
    %swap3A_1132 = arith.constant 0 : index
    %swap3A_1133 = arith.constant 0 : index
    %swap3A_1134 = vector.load %arg8[%swap3A_1131, %swap3A_1132, %swap3A_1133] : memref<16x1x128xf32, #tpu.memory_space<vmem>>, vector<1x1x128xf32>
    %swap3A_1135 = vector.shape_cast %swap3A_1134 : vector<1x1x128xf32> to vector<128xf32>
    %swap3A_1136 = vector.shape_cast %div3A_1130 : vector<128xf32> to vector<1x1x128xf32>
    tpu.vector_store %arg8[%swap3A_1131, %swap3A_1132, %swap3A_1133], %swap3A_1136 {strides = array<i32>} : memref<16x1x128xf32, #tpu.memory_space<vmem>>, vector<1x1x128xf32>,
    %get3A_1137 = arith.constant 12 : index
    %get3A_1138 = arith.constant 0 : index
    %get3A_1139 = arith.constant 0 : index
    %get3A_1140 = vector.load %arg1[%get3A_1137, %get3A_1138, %get3A_1139] : memref<16x500x3xf32, #tpu.memory_space<vmem>>, vector<1x500x3xf32>
    %get3A_1141 = vector.shape_cast %get3A_1140 : vector<1x500x3xf32> to vector<500x3xf32>
    %get3A_1142 = arith.constant 12 : index
    %get3A_1143 = arith.constant 0 : index
    %get3A_1144 = arith.constant 0 : index
    %get3A_1145 = vector.load %arg2[%get3A_1142, %get3A_1143, %get3A_1144] : memref<16x3x500xf32, #tpu.memory_space<vmem>>, vector<1x3x500xf32>
    %get3A_1146 = vector.shape_cast %get3A_1145 : vector<1x3x500xf32> to vector<3x500xf32>
    %get3A_1147 = arith.constant 0 : index
    %get3A_1148 = arith.constant 0 : index
    %get3A_1149 = vector.load %arg3[%get3A_1147, %get3A_1148] : memref<3x128xf32, #tpu.memory_space<vmem>>, vector<3x128xf32>
    %get3A_1150 = arith.constant 0 : index
    %get3A_1151 = arith.constant 0 : index
    %get3A_1152 = vector.load %arg4[%get3A_1150, %get3A_1151] : memref<1x128xf32, #tpu.memory_space<vmem>>, vector<1x128xf32>
    %get3A_1153 = arith.constant 0 : index
    %get3A_1154 = arith.constant 0 : index
    %get3A_1155 = vector.load %arg5[%get3A_1153, %get3A_1154] : memref<128x128xf32, #tpu.memory_space<vmem>>, vector<128x128xf32>
    %get3A_1156 = arith.constant 0 : index
    %get3A_1157 = arith.constant 0 : index
    %get3A_1158 = vector.load %arg6[%get3A_1156, %get3A_1157] : memref<1x128xf32, #tpu.memory_space<vmem>>, vector<1x128xf32>
    %slice3A_1159 = vector.extract_strided_slice %get3A_1141 {offsets = [0, 0], sizes = [500, 1], strides = [1, 1]} : vector<500x3xf32> to vector<500x1xf32>
    %slice3A_1160 = vector.extract_strided_slice %get3A_1141 {offsets = [0, 1], sizes = [500, 1], strides = [1, 1]} : vector<500x3xf32> to vector<500x1xf32>
    %slice3A_1161 = vector.extract_strided_slice %get3A_1146 {offsets = [0, 0], sizes = [1, 500], strides = [1, 1]} : vector<3x500xf32> to vector<1x500xf32>
    %slice3A_1162 = vector.extract_strided_slice %get3A_1146 {offsets = [1, 0], sizes = [1, 500], strides = [1, 1]} : vector<3x500xf32> to vector<1x500xf32>
    %sub3A_1163 = vector.broadcast %slice3A_1159 : vector<500x1xf32> to vector<500x500xf32>
    %sub3A_1164 = vector.broadcast %slice3A_1161 : vector<1x500xf32> to vector<500x500xf32>
    %sub3A_1165 = arith.subf %sub3A_1163, %sub3A_1164 : vector<500x500xf32>
    %sub3A_1166 = vector.broadcast %slice3A_1160 : vector<500x1xf32> to vector<500x500xf32>
    %sub3A_1167 = vector.broadcast %slice3A_1162 : vector<1x500xf32> to vector<500x500xf32>
    %sub3A_1168 = arith.subf %sub3A_1166, %sub3A_1167 : vector<500x500xf32>
    %mul3A_1169 = arith.mulf %sub3A_1165, %sub3A_1165 : vector<500x500xf32>
    %mul3A_1170 = arith.mulf %sub3A_1168, %sub3A_1168 : vector<500x500xf32>
    %add3A_1171 = arith.addf %mul3A_1169, %mul3A_1170 : vector<500x500xf32>
    %le3A_1172 = arith.constant 3.025000e-03 : f32
    %le3A_1173 = vector.broadcast %le3A_1172 : f32 to vector<500x500xf32>
    %le3A_1174 = arith.cmpf ole, %add3A_1171, %le3A_1173 : vector<500x500xf32>
    %convert_element_type3A_1175 = arith.extui %le3A_1174 : vector<500x500xi1> to vector<500x500xi32>
    %convert_element_type3A_1176 = arith.sitofp %convert_element_type3A_1175 : vector<500x500xi32> to vector<500x500xf32>
    %convert_element_type3A_1177 = arith.truncf %convert_element_type3A_1176 : vector<500x500xf32> to vector<500x500xbf16>
    %dot_general3A_1178 = arith.constant dense<0.000000e+00> : vector<500x128xf32>
    %dot_general3A_1179 = tpu.matmul %get3A_1141, %get3A_1149, %dot_general3A_1178 {dimension_numbers = #tpu.dot_dimension_numbers<[1], [0], [0], [1], [0, 0, 1, 1], [], []>, transpose_lhs_hint = false} : vector<500x3xf32>, vector<3x128xf32>, vector<500x128xf32> -> vector<500x128xf32>
    %add3A_1180 = vector.broadcast %get3A_1152 : vector<1x128xf32> to vector<500x128xf32>
    %add3A_1181 = arith.addf %dot_general3A_1179, %add3A_1180 : vector<500x128xf32>
    %max3A_1182 = arith.constant 0.000000e+00 : f32
    %max3A_1183 = vector.broadcast %max3A_1182 : f32 to vector<500x128xf32>
    %max3A_1184 = arith.maximumf %add3A_1181, %max3A_1183 : vector<500x128xf32>
    %convert_element_type3A_1185 = arith.truncf %max3A_1184 : vector<500x128xf32> to vector<500x128xbf16>
    %convert_element_type3A_1186 = arith.extf %convert_element_type3A_1185 : vector<500x128xbf16> to vector<500x128xf32>
    %sub3A_1187 = arith.subf %max3A_1184, %convert_element_type3A_1186 : vector<500x128xf32>
    %convert_element_type3A_1188 = arith.truncf %sub3A_1187 : vector<500x128xf32> to vector<500x128xbf16>
    %broadcast_in_dim3A_1189 = arith.constant 0.000000e+00 : bf16
    %broadcast_in_dim3A_1190 = vector.broadcast %broadcast_in_dim3A_1189 : bf16 to vector<500x12xbf16>
    %concatenate3A_1191 = tpu.concatenate %convert_element_type3A_1177, %broadcast_in_dim3A_1190, %convert_element_type3A_1185, %convert_element_type3A_1188 in 1 : vector<500x500xbf16>, vector<500x12xbf16>, vector<500x128xbf16>, vector<500x128xbf16> -> vector<500x768xbf16>
    %dot_general3A_1192 = arith.constant dense<0.000000e+00> : vector<500x768xf32>
    %dot_general3A_1193 = tpu.matmul %convert_element_type3A_1177, %concatenate3A_1191, %dot_general3A_1192 {dimension_numbers = #tpu.dot_dimension_numbers<[1], [0], [0], [1], [0, 0, 1, 1], [], []>, transpose_lhs_hint = false} : vector<500x500xbf16>, vector<500x768xbf16>, vector<500x768xf32> -> vector<500x768xf32>
    %slice3A_1194 = vector.extract_strided_slice %dot_general3A_1193 {offsets = [0, 0], sizes = [500, 500], strides = [1, 1]} : vector<500x768xf32> to vector<500x500xf32>
    %slice3A_1195 = vector.extract_strided_slice %dot_general3A_1193 {offsets = [0, 512], sizes = [500, 128], strides = [1, 1]} : vector<500x768xf32> to vector<500x128xf32>
    %slice3A_1196 = vector.extract_strided_slice %dot_general3A_1193 {offsets = [0, 640], sizes = [500, 128], strides = [1, 1]} : vector<500x768xf32> to vector<500x128xf32>
    %add3A_1197 = arith.addf %slice3A_1195, %slice3A_1196 : vector<500x128xf32>
    %gt3A_1198 = arith.constant 0.000000e+00 : f32
    %gt3A_1199 = vector.broadcast %gt3A_1198 : f32 to vector<500x500xf32>
    %gt3A_1200 = arith.cmpf ogt, %slice3A_1194, %gt3A_1199 : vector<500x500xf32>
    %convert_element_type3A_1201 = arith.extui %gt3A_1200 : vector<500x500xi1> to vector<500x500xi32>
    %convert_element_type3A_1202 = arith.sitofp %convert_element_type3A_1201 : vector<500x500xi32> to vector<500x500xf32>
    %convert_element_type3A_1203 = arith.truncf %convert_element_type3A_1202 : vector<500x500xf32> to vector<500x500xbf16>
    %dot_general3A_1204 = arith.constant dense<0.000000e+00> : vector<500x500xf32>
    %dot_general3A_1205 = tpu.matmul %convert_element_type3A_1203, %convert_element_type3A_1177, %dot_general3A_1204 {dimension_numbers = #tpu.dot_dimension_numbers<[1], [0], [0], [1], [0, 0, 1, 1], [], []>, transpose_lhs_hint = false} : vector<500x500xbf16>, vector<500x500xbf16>, vector<500x500xf32> -> vector<500x500xf32>
    %mul3A_1206 = arith.mulf %convert_element_type3A_1202, %dot_general3A_1205 : vector<500x500xf32>
    %dot_general3A_1207 = arith.constant dense<0.000000e+00> : vector<500x128xf32>
    %dot_general3A_1208 = tpu.matmul %add3A_1197, %get3A_1155, %dot_general3A_1207 {dimension_numbers = #tpu.dot_dimension_numbers<[1], [0], [0], [1], [0, 0, 1, 1], [], []>, transpose_lhs_hint = false} : vector<500x128xf32>, vector<128x128xf32>, vector<500x128xf32> -> vector<500x128xf32>
    %dot_general3A_1209 = arith.constant dense<0.000000e+00> : vector<500x128xf32>
    %dot_general3A_1210 = tpu.matmul %mul3A_1206, %dot_general3A_1208, %dot_general3A_1209 {dimension_numbers = #tpu.dot_dimension_numbers<[1], [0], [0], [1], [0, 0, 1, 1], [], []>, transpose_lhs_hint = false} : vector<500x500xf32>, vector<500x128xf32>, vector<500x128xf32> -> vector<500x128xf32>
    %add3A_1211 = vector.broadcast %get3A_1158 : vector<1x128xf32> to vector<500x128xf32>
    %add3A_1212 = arith.addf %dot_general3A_1210, %add3A_1211 : vector<500x128xf32>
    %max3A_1213 = arith.constant 0.000000e+00 : f32
    %max3A_1214 = vector.broadcast %max3A_1213 : f32 to vector<500x128xf32>
    %max3A_1215 = arith.maximumf %add3A_1212, %max3A_1214 : vector<500x128xf32>
    %swap3A_1216 = arith.constant 12 : index
    %swap3A_1217 = arith.constant 0 : index
    %swap3A_1218 = arith.constant 0 : index
    %swap3A_1219 = vector.load %arg7[%swap3A_1216, %swap3A_1217, %swap3A_1218] : memref<16x500x128xf32, #tpu.memory_space<vmem>>, vector<1x500x128xf32>
    %swap3A_1220 = vector.shape_cast %swap3A_1219 : vector<1x500x128xf32> to vector<500x128xf32>
    %swap3A_1221 = vector.shape_cast %max3A_1215 : vector<500x128xf32> to vector<1x500x128xf32>
    tpu.vector_store %arg7[%swap3A_1216, %swap3A_1217, %swap3A_1218], %swap3A_1221 {strides = array<i32>} : memref<16x500x128xf32, #tpu.memory_space<vmem>>, vector<1x500x128xf32>,
    %reduce_sum3A_1222 = arith.constant dense<0.000000e+00> : vector<128xf32>
    %reduce_sum3A_1223 = vector.multi_reduction <add>, %max3A_1215, %reduce_sum3A_1222 [0] : vector<500x128xf32> to vector<128xf32>
    %div3A_1224 = arith.constant 5.000000e+02 : f32
    %div3A_1225 = vector.broadcast %div3A_1224 : f32 to vector<128xf32>
    %div3A_1226 = arith.divf %reduce_sum3A_1223, %div3A_1225 : vector<128xf32>
    %swap3A_1227 = arith.constant 12 : index
    %swap3A_1228 = arith.constant 0 : index
    %swap3A_1229 = arith.constant 0 : index
    %swap3A_1230 = vector.load %arg8[%swap3A_1227, %swap3A_1228, %swap3A_1229] : memref<16x1x128xf32, #tpu.memory_space<vmem>>, vector<1x1x128xf32>
    %swap3A_1231 = vector.shape_cast %swap3A_1230 : vector<1x1x128xf32> to vector<128xf32>
    %swap3A_1232 = vector.shape_cast %div3A_1226 : vector<128xf32> to vector<1x1x128xf32>
    tpu.vector_store %arg8[%swap3A_1227, %swap3A_1228, %swap3A_1229], %swap3A_1232 {strides = array<i32>} : memref<16x1x128xf32, #tpu.memory_space<vmem>>, vector<1x1x128xf32>,
    %get3A_1233 = arith.constant 13 : index
    %get3A_1234 = arith.constant 0 : index
    %get3A_1235 = arith.constant 0 : index
    %get3A_1236 = vector.load %arg1[%get3A_1233, %get3A_1234, %get3A_1235] : memref<16x500x3xf32, #tpu.memory_space<vmem>>, vector<1x500x3xf32>
    %get3A_1237 = vector.shape_cast %get3A_1236 : vector<1x500x3xf32> to vector<500x3xf32>
    %get3A_1238 = arith.constant 13 : index
    %get3A_1239 = arith.constant 0 : index
    %get3A_1240 = arith.constant 0 : index
    %get3A_1241 = vector.load %arg2[%get3A_1238, %get3A_1239, %get3A_1240] : memref<16x3x500xf32, #tpu.memory_space<vmem>>, vector<1x3x500xf32>
    %get3A_1242 = vector.shape_cast %get3A_1241 : vector<1x3x500xf32> to vector<3x500xf32>
    %get3A_1243 = arith.constant 0 : index
    %get3A_1244 = arith.constant 0 : index
    %get3A_1245 = vector.load %arg3[%get3A_1243, %get3A_1244] : memref<3x128xf32, #tpu.memory_space<vmem>>, vector<3x128xf32>
    %get3A_1246 = arith.constant 0 : index
    %get3A_1247 = arith.constant 0 : index
    %get3A_1248 = vector.load %arg4[%get3A_1246, %get3A_1247] : memref<1x128xf32, #tpu.memory_space<vmem>>, vector<1x128xf32>
    %get3A_1249 = arith.constant 0 : index
    %get3A_1250 = arith.constant 0 : index
    %get3A_1251 = vector.load %arg5[%get3A_1249, %get3A_1250] : memref<128x128xf32, #tpu.memory_space<vmem>>, vector<128x128xf32>
    %get3A_1252 = arith.constant 0 : index
    %get3A_1253 = arith.constant 0 : index
    %get3A_1254 = vector.load %arg6[%get3A_1252, %get3A_1253] : memref<1x128xf32, #tpu.memory_space<vmem>>, vector<1x128xf32>
    %slice3A_1255 = vector.extract_strided_slice %get3A_1237 {offsets = [0, 0], sizes = [500, 1], strides = [1, 1]} : vector<500x3xf32> to vector<500x1xf32>
    %slice3A_1256 = vector.extract_strided_slice %get3A_1237 {offsets = [0, 1], sizes = [500, 1], strides = [1, 1]} : vector<500x3xf32> to vector<500x1xf32>
    %slice3A_1257 = vector.extract_strided_slice %get3A_1242 {offsets = [0, 0], sizes = [1, 500], strides = [1, 1]} : vector<3x500xf32> to vector<1x500xf32>
    %slice3A_1258 = vector.extract_strided_slice %get3A_1242 {offsets = [1, 0], sizes = [1, 500], strides = [1, 1]} : vector<3x500xf32> to vector<1x500xf32>
    %sub3A_1259 = vector.broadcast %slice3A_1255 : vector<500x1xf32> to vector<500x500xf32>
    %sub3A_1260 = vector.broadcast %slice3A_1257 : vector<1x500xf32> to vector<500x500xf32>
    %sub3A_1261 = arith.subf %sub3A_1259, %sub3A_1260 : vector<500x500xf32>
    %sub3A_1262 = vector.broadcast %slice3A_1256 : vector<500x1xf32> to vector<500x500xf32>
    %sub3A_1263 = vector.broadcast %slice3A_1258 : vector<1x500xf32> to vector<500x500xf32>
    %sub3A_1264 = arith.subf %sub3A_1262, %sub3A_1263 : vector<500x500xf32>
    %mul3A_1265 = arith.mulf %sub3A_1261, %sub3A_1261 : vector<500x500xf32>
    %mul3A_1266 = arith.mulf %sub3A_1264, %sub3A_1264 : vector<500x500xf32>
    %add3A_1267 = arith.addf %mul3A_1265, %mul3A_1266 : vector<500x500xf32>
    %le3A_1268 = arith.constant 3.025000e-03 : f32
    %le3A_1269 = vector.broadcast %le3A_1268 : f32 to vector<500x500xf32>
    %le3A_1270 = arith.cmpf ole, %add3A_1267, %le3A_1269 : vector<500x500xf32>
    %convert_element_type3A_1271 = arith.extui %le3A_1270 : vector<500x500xi1> to vector<500x500xi32>
    %convert_element_type3A_1272 = arith.sitofp %convert_element_type3A_1271 : vector<500x500xi32> to vector<500x500xf32>
    %convert_element_type3A_1273 = arith.truncf %convert_element_type3A_1272 : vector<500x500xf32> to vector<500x500xbf16>
    %dot_general3A_1274 = arith.constant dense<0.000000e+00> : vector<500x128xf32>
    %dot_general3A_1275 = tpu.matmul %get3A_1237, %get3A_1245, %dot_general3A_1274 {dimension_numbers = #tpu.dot_dimension_numbers<[1], [0], [0], [1], [0, 0, 1, 1], [], []>, transpose_lhs_hint = false} : vector<500x3xf32>, vector<3x128xf32>, vector<500x128xf32> -> vector<500x128xf32>
    %add3A_1276 = vector.broadcast %get3A_1248 : vector<1x128xf32> to vector<500x128xf32>
    %add3A_1277 = arith.addf %dot_general3A_1275, %add3A_1276 : vector<500x128xf32>
    %max3A_1278 = arith.constant 0.000000e+00 : f32
    %max3A_1279 = vector.broadcast %max3A_1278 : f32 to vector<500x128xf32>
    %max3A_1280 = arith.maximumf %add3A_1277, %max3A_1279 : vector<500x128xf32>
    %convert_element_type3A_1281 = arith.truncf %max3A_1280 : vector<500x128xf32> to vector<500x128xbf16>
    %convert_element_type3A_1282 = arith.extf %convert_element_type3A_1281 : vector<500x128xbf16> to vector<500x128xf32>
    %sub3A_1283 = arith.subf %max3A_1280, %convert_element_type3A_1282 : vector<500x128xf32>
    %convert_element_type3A_1284 = arith.truncf %sub3A_1283 : vector<500x128xf32> to vector<500x128xbf16>
    %broadcast_in_dim3A_1285 = arith.constant 0.000000e+00 : bf16
    %broadcast_in_dim3A_1286 = vector.broadcast %broadcast_in_dim3A_1285 : bf16 to vector<500x12xbf16>
    %concatenate3A_1287 = tpu.concatenate %convert_element_type3A_1273, %broadcast_in_dim3A_1286, %convert_element_type3A_1281, %convert_element_type3A_1284 in 1 : vector<500x500xbf16>, vector<500x12xbf16>, vector<500x128xbf16>, vector<500x128xbf16> -> vector<500x768xbf16>
    %dot_general3A_1288 = arith.constant dense<0.000000e+00> : vector<500x768xf32>
    %dot_general3A_1289 = tpu.matmul %convert_element_type3A_1273, %concatenate3A_1287, %dot_general3A_1288 {dimension_numbers = #tpu.dot_dimension_numbers<[1], [0], [0], [1], [0, 0, 1, 1], [], []>, transpose_lhs_hint = false} : vector<500x500xbf16>, vector<500x768xbf16>, vector<500x768xf32> -> vector<500x768xf32>
    %slice3A_1290 = vector.extract_strided_slice %dot_general3A_1289 {offsets = [0, 0], sizes = [500, 500], strides = [1, 1]} : vector<500x768xf32> to vector<500x500xf32>
    %slice3A_1291 = vector.extract_strided_slice %dot_general3A_1289 {offsets = [0, 512], sizes = [500, 128], strides = [1, 1]} : vector<500x768xf32> to vector<500x128xf32>
    %slice3A_1292 = vector.extract_strided_slice %dot_general3A_1289 {offsets = [0, 640], sizes = [500, 128], strides = [1, 1]} : vector<500x768xf32> to vector<500x128xf32>
    %add3A_1293 = arith.addf %slice3A_1291, %slice3A_1292 : vector<500x128xf32>
    %gt3A_1294 = arith.constant 0.000000e+00 : f32
    %gt3A_1295 = vector.broadcast %gt3A_1294 : f32 to vector<500x500xf32>
    %gt3A_1296 = arith.cmpf ogt, %slice3A_1290, %gt3A_1295 : vector<500x500xf32>
    %convert_element_type3A_1297 = arith.extui %gt3A_1296 : vector<500x500xi1> to vector<500x500xi32>
    %convert_element_type3A_1298 = arith.sitofp %convert_element_type3A_1297 : vector<500x500xi32> to vector<500x500xf32>
    %convert_element_type3A_1299 = arith.truncf %convert_element_type3A_1298 : vector<500x500xf32> to vector<500x500xbf16>
    %dot_general3A_1300 = arith.constant dense<0.000000e+00> : vector<500x500xf32>
    %dot_general3A_1301 = tpu.matmul %convert_element_type3A_1299, %convert_element_type3A_1273, %dot_general3A_1300 {dimension_numbers = #tpu.dot_dimension_numbers<[1], [0], [0], [1], [0, 0, 1, 1], [], []>, transpose_lhs_hint = false} : vector<500x500xbf16>, vector<500x500xbf16>, vector<500x500xf32> -> vector<500x500xf32>
    %mul3A_1302 = arith.mulf %convert_element_type3A_1298, %dot_general3A_1301 : vector<500x500xf32>
    %dot_general3A_1303 = arith.constant dense<0.000000e+00> : vector<500x128xf32>
    %dot_general3A_1304 = tpu.matmul %add3A_1293, %get3A_1251, %dot_general3A_1303 {dimension_numbers = #tpu.dot_dimension_numbers<[1], [0], [0], [1], [0, 0, 1, 1], [], []>, transpose_lhs_hint = false} : vector<500x128xf32>, vector<128x128xf32>, vector<500x128xf32> -> vector<500x128xf32>
    %dot_general3A_1305 = arith.constant dense<0.000000e+00> : vector<500x128xf32>
    %dot_general3A_1306 = tpu.matmul %mul3A_1302, %dot_general3A_1304, %dot_general3A_1305 {dimension_numbers = #tpu.dot_dimension_numbers<[1], [0], [0], [1], [0, 0, 1, 1], [], []>, transpose_lhs_hint = false} : vector<500x500xf32>, vector<500x128xf32>, vector<500x128xf32> -> vector<500x128xf32>
    %add3A_1307 = vector.broadcast %get3A_1254 : vector<1x128xf32> to vector<500x128xf32>
    %add3A_1308 = arith.addf %dot_general3A_1306, %add3A_1307 : vector<500x128xf32>
    %max3A_1309 = arith.constant 0.000000e+00 : f32
    %max3A_1310 = vector.broadcast %max3A_1309 : f32 to vector<500x128xf32>
    %max3A_1311 = arith.maximumf %add3A_1308, %max3A_1310 : vector<500x128xf32>
    %swap3A_1312 = arith.constant 13 : index
    %swap3A_1313 = arith.constant 0 : index
    %swap3A_1314 = arith.constant 0 : index
    %swap3A_1315 = vector.load %arg7[%swap3A_1312, %swap3A_1313, %swap3A_1314] : memref<16x500x128xf32, #tpu.memory_space<vmem>>, vector<1x500x128xf32>
    %swap3A_1316 = vector.shape_cast %swap3A_1315 : vector<1x500x128xf32> to vector<500x128xf32>
    %swap3A_1317 = vector.shape_cast %max3A_1311 : vector<500x128xf32> to vector<1x500x128xf32>
    tpu.vector_store %arg7[%swap3A_1312, %swap3A_1313, %swap3A_1314], %swap3A_1317 {strides = array<i32>} : memref<16x500x128xf32, #tpu.memory_space<vmem>>, vector<1x500x128xf32>,
    %reduce_sum3A_1318 = arith.constant dense<0.000000e+00> : vector<128xf32>
    %reduce_sum3A_1319 = vector.multi_reduction <add>, %max3A_1311, %reduce_sum3A_1318 [0] : vector<500x128xf32> to vector<128xf32>
    %div3A_1320 = arith.constant 5.000000e+02 : f32
    %div3A_1321 = vector.broadcast %div3A_1320 : f32 to vector<128xf32>
    %div3A_1322 = arith.divf %reduce_sum3A_1319, %div3A_1321 : vector<128xf32>
    %swap3A_1323 = arith.constant 13 : index
    %swap3A_1324 = arith.constant 0 : index
    %swap3A_1325 = arith.constant 0 : index
    %swap3A_1326 = vector.load %arg8[%swap3A_1323, %swap3A_1324, %swap3A_1325] : memref<16x1x128xf32, #tpu.memory_space<vmem>>, vector<1x1x128xf32>
    %swap3A_1327 = vector.shape_cast %swap3A_1326 : vector<1x1x128xf32> to vector<128xf32>
    %swap3A_1328 = vector.shape_cast %div3A_1322 : vector<128xf32> to vector<1x1x128xf32>
    tpu.vector_store %arg8[%swap3A_1323, %swap3A_1324, %swap3A_1325], %swap3A_1328 {strides = array<i32>} : memref<16x1x128xf32, #tpu.memory_space<vmem>>, vector<1x1x128xf32>,
    %get3A_1329 = arith.constant 14 : index
    %get3A_1330 = arith.constant 0 : index
    %get3A_1331 = arith.constant 0 : index
    %get3A_1332 = vector.load %arg1[%get3A_1329, %get3A_1330, %get3A_1331] : memref<16x500x3xf32, #tpu.memory_space<vmem>>, vector<1x500x3xf32>
    %get3A_1333 = vector.shape_cast %get3A_1332 : vector<1x500x3xf32> to vector<500x3xf32>
    %get3A_1334 = arith.constant 14 : index
    %get3A_1335 = arith.constant 0 : index
    %get3A_1336 = arith.constant 0 : index
    %get3A_1337 = vector.load %arg2[%get3A_1334, %get3A_1335, %get3A_1336] : memref<16x3x500xf32, #tpu.memory_space<vmem>>, vector<1x3x500xf32>
    %get3A_1338 = vector.shape_cast %get3A_1337 : vector<1x3x500xf32> to vector<3x500xf32>
    %get3A_1339 = arith.constant 0 : index
    %get3A_1340 = arith.constant 0 : index
    %get3A_1341 = vector.load %arg3[%get3A_1339, %get3A_1340] : memref<3x128xf32, #tpu.memory_space<vmem>>, vector<3x128xf32>
    %get3A_1342 = arith.constant 0 : index
    %get3A_1343 = arith.constant 0 : index
    %get3A_1344 = vector.load %arg4[%get3A_1342, %get3A_1343] : memref<1x128xf32, #tpu.memory_space<vmem>>, vector<1x128xf32>
    %get3A_1345 = arith.constant 0 : index
    %get3A_1346 = arith.constant 0 : index
    %get3A_1347 = vector.load %arg5[%get3A_1345, %get3A_1346] : memref<128x128xf32, #tpu.memory_space<vmem>>, vector<128x128xf32>
    %get3A_1348 = arith.constant 0 : index
    %get3A_1349 = arith.constant 0 : index
    %get3A_1350 = vector.load %arg6[%get3A_1348, %get3A_1349] : memref<1x128xf32, #tpu.memory_space<vmem>>, vector<1x128xf32>
    %slice3A_1351 = vector.extract_strided_slice %get3A_1333 {offsets = [0, 0], sizes = [500, 1], strides = [1, 1]} : vector<500x3xf32> to vector<500x1xf32>
    %slice3A_1352 = vector.extract_strided_slice %get3A_1333 {offsets = [0, 1], sizes = [500, 1], strides = [1, 1]} : vector<500x3xf32> to vector<500x1xf32>
    %slice3A_1353 = vector.extract_strided_slice %get3A_1338 {offsets = [0, 0], sizes = [1, 500], strides = [1, 1]} : vector<3x500xf32> to vector<1x500xf32>
    %slice3A_1354 = vector.extract_strided_slice %get3A_1338 {offsets = [1, 0], sizes = [1, 500], strides = [1, 1]} : vector<3x500xf32> to vector<1x500xf32>
    %sub3A_1355 = vector.broadcast %slice3A_1351 : vector<500x1xf32> to vector<500x500xf32>
    %sub3A_1356 = vector.broadcast %slice3A_1353 : vector<1x500xf32> to vector<500x500xf32>
    %sub3A_1357 = arith.subf %sub3A_1355, %sub3A_1356 : vector<500x500xf32>
    %sub3A_1358 = vector.broadcast %slice3A_1352 : vector<500x1xf32> to vector<500x500xf32>
    %sub3A_1359 = vector.broadcast %slice3A_1354 : vector<1x500xf32> to vector<500x500xf32>
    %sub3A_1360 = arith.subf %sub3A_1358, %sub3A_1359 : vector<500x500xf32>
    %mul3A_1361 = arith.mulf %sub3A_1357, %sub3A_1357 : vector<500x500xf32>
    %mul3A_1362 = arith.mulf %sub3A_1360, %sub3A_1360 : vector<500x500xf32>
    %add3A_1363 = arith.addf %mul3A_1361, %mul3A_1362 : vector<500x500xf32>
    %le3A_1364 = arith.constant 3.025000e-03 : f32
    %le3A_1365 = vector.broadcast %le3A_1364 : f32 to vector<500x500xf32>
    %le3A_1366 = arith.cmpf ole, %add3A_1363, %le3A_1365 : vector<500x500xf32>
    %convert_element_type3A_1367 = arith.extui %le3A_1366 : vector<500x500xi1> to vector<500x500xi32>
    %convert_element_type3A_1368 = arith.sitofp %convert_element_type3A_1367 : vector<500x500xi32> to vector<500x500xf32>
    %convert_element_type3A_1369 = arith.truncf %convert_element_type3A_1368 : vector<500x500xf32> to vector<500x500xbf16>
    %dot_general3A_1370 = arith.constant dense<0.000000e+00> : vector<500x128xf32>
    %dot_general3A_1371 = tpu.matmul %get3A_1333, %get3A_1341, %dot_general3A_1370 {dimension_numbers = #tpu.dot_dimension_numbers<[1], [0], [0], [1], [0, 0, 1, 1], [], []>, transpose_lhs_hint = false} : vector<500x3xf32>, vector<3x128xf32>, vector<500x128xf32> -> vector<500x128xf32>
    %add3A_1372 = vector.broadcast %get3A_1344 : vector<1x128xf32> to vector<500x128xf32>
    %add3A_1373 = arith.addf %dot_general3A_1371, %add3A_1372 : vector<500x128xf32>
    %max3A_1374 = arith.constant 0.000000e+00 : f32
    %max3A_1375 = vector.broadcast %max3A_1374 : f32 to vector<500x128xf32>
    %max3A_1376 = arith.maximumf %add3A_1373, %max3A_1375 : vector<500x128xf32>
    %convert_element_type3A_1377 = arith.truncf %max3A_1376 : vector<500x128xf32> to vector<500x128xbf16>
    %convert_element_type3A_1378 = arith.extf %convert_element_type3A_1377 : vector<500x128xbf16> to vector<500x128xf32>
    %sub3A_1379 = arith.subf %max3A_1376, %convert_element_type3A_1378 : vector<500x128xf32>
    %convert_element_type3A_1380 = arith.truncf %sub3A_1379 : vector<500x128xf32> to vector<500x128xbf16>
    %broadcast_in_dim3A_1381 = arith.constant 0.000000e+00 : bf16
    %broadcast_in_dim3A_1382 = vector.broadcast %broadcast_in_dim3A_1381 : bf16 to vector<500x12xbf16>
    %concatenate3A_1383 = tpu.concatenate %convert_element_type3A_1369, %broadcast_in_dim3A_1382, %convert_element_type3A_1377, %convert_element_type3A_1380 in 1 : vector<500x500xbf16>, vector<500x12xbf16>, vector<500x128xbf16>, vector<500x128xbf16> -> vector<500x768xbf16>
    %dot_general3A_1384 = arith.constant dense<0.000000e+00> : vector<500x768xf32>
    %dot_general3A_1385 = tpu.matmul %convert_element_type3A_1369, %concatenate3A_1383, %dot_general3A_1384 {dimension_numbers = #tpu.dot_dimension_numbers<[1], [0], [0], [1], [0, 0, 1, 1], [], []>, transpose_lhs_hint = false} : vector<500x500xbf16>, vector<500x768xbf16>, vector<500x768xf32> -> vector<500x768xf32>
    %slice3A_1386 = vector.extract_strided_slice %dot_general3A_1385 {offsets = [0, 0], sizes = [500, 500], strides = [1, 1]} : vector<500x768xf32> to vector<500x500xf32>
    %slice3A_1387 = vector.extract_strided_slice %dot_general3A_1385 {offsets = [0, 512], sizes = [500, 128], strides = [1, 1]} : vector<500x768xf32> to vector<500x128xf32>
    %slice3A_1388 = vector.extract_strided_slice %dot_general3A_1385 {offsets = [0, 640], sizes = [500, 128], strides = [1, 1]} : vector<500x768xf32> to vector<500x128xf32>
    %add3A_1389 = arith.addf %slice3A_1387, %slice3A_1388 : vector<500x128xf32>
    %gt3A_1390 = arith.constant 0.000000e+00 : f32
    %gt3A_1391 = vector.broadcast %gt3A_1390 : f32 to vector<500x500xf32>
    %gt3A_1392 = arith.cmpf ogt, %slice3A_1386, %gt3A_1391 : vector<500x500xf32>
    %convert_element_type3A_1393 = arith.extui %gt3A_1392 : vector<500x500xi1> to vector<500x500xi32>
    %convert_element_type3A_1394 = arith.sitofp %convert_element_type3A_1393 : vector<500x500xi32> to vector<500x500xf32>
    %convert_element_type3A_1395 = arith.truncf %convert_element_type3A_1394 : vector<500x500xf32> to vector<500x500xbf16>
    %dot_general3A_1396 = arith.constant dense<0.000000e+00> : vector<500x500xf32>
    %dot_general3A_1397 = tpu.matmul %convert_element_type3A_1395, %convert_element_type3A_1369, %dot_general3A_1396 {dimension_numbers = #tpu.dot_dimension_numbers<[1], [0], [0], [1], [0, 0, 1, 1], [], []>, transpose_lhs_hint = false} : vector<500x500xbf16>, vector<500x500xbf16>, vector<500x500xf32> -> vector<500x500xf32>
    %mul3A_1398 = arith.mulf %convert_element_type3A_1394, %dot_general3A_1397 : vector<500x500xf32>
    %dot_general3A_1399 = arith.constant dense<0.000000e+00> : vector<500x128xf32>
    %dot_general3A_1400 = tpu.matmul %add3A_1389, %get3A_1347, %dot_general3A_1399 {dimension_numbers = #tpu.dot_dimension_numbers<[1], [0], [0], [1], [0, 0, 1, 1], [], []>, transpose_lhs_hint = false} : vector<500x128xf32>, vector<128x128xf32>, vector<500x128xf32> -> vector<500x128xf32>
    %dot_general3A_1401 = arith.constant dense<0.000000e+00> : vector<500x128xf32>
    %dot_general3A_1402 = tpu.matmul %mul3A_1398, %dot_general3A_1400, %dot_general3A_1401 {dimension_numbers = #tpu.dot_dimension_numbers<[1], [0], [0], [1], [0, 0, 1, 1], [], []>, transpose_lhs_hint = false} : vector<500x500xf32>, vector<500x128xf32>, vector<500x128xf32> -> vector<500x128xf32>
    %add3A_1403 = vector.broadcast %get3A_1350 : vector<1x128xf32> to vector<500x128xf32>
    %add3A_1404 = arith.addf %dot_general3A_1402, %add3A_1403 : vector<500x128xf32>
    %max3A_1405 = arith.constant 0.000000e+00 : f32
    %max3A_1406 = vector.broadcast %max3A_1405 : f32 to vector<500x128xf32>
    %max3A_1407 = arith.maximumf %add3A_1404, %max3A_1406 : vector<500x128xf32>
    %swap3A_1408 = arith.constant 14 : index
    %swap3A_1409 = arith.constant 0 : index
    %swap3A_1410 = arith.constant 0 : index
    %swap3A_1411 = vector.load %arg7[%swap3A_1408, %swap3A_1409, %swap3A_1410] : memref<16x500x128xf32, #tpu.memory_space<vmem>>, vector<1x500x128xf32>
    %swap3A_1412 = vector.shape_cast %swap3A_1411 : vector<1x500x128xf32> to vector<500x128xf32>
    %swap3A_1413 = vector.shape_cast %max3A_1407 : vector<500x128xf32> to vector<1x500x128xf32>
    tpu.vector_store %arg7[%swap3A_1408, %swap3A_1409, %swap3A_1410], %swap3A_1413 {strides = array<i32>} : memref<16x500x128xf32, #tpu.memory_space<vmem>>, vector<1x500x128xf32>,
    %reduce_sum3A_1414 = arith.constant dense<0.000000e+00> : vector<128xf32>
    %reduce_sum3A_1415 = vector.multi_reduction <add>, %max3A_1407, %reduce_sum3A_1414 [0] : vector<500x128xf32> to vector<128xf32>
    %div3A_1416 = arith.constant 5.000000e+02 : f32
    %div3A_1417 = vector.broadcast %div3A_1416 : f32 to vector<128xf32>
    %div3A_1418 = arith.divf %reduce_sum3A_1415, %div3A_1417 : vector<128xf32>
    %swap3A_1419 = arith.constant 14 : index
    %swap3A_1420 = arith.constant 0 : index
    %swap3A_1421 = arith.constant 0 : index
    %swap3A_1422 = vector.load %arg8[%swap3A_1419, %swap3A_1420, %swap3A_1421] : memref<16x1x128xf32, #tpu.memory_space<vmem>>, vector<1x1x128xf32>
    %swap3A_1423 = vector.shape_cast %swap3A_1422 : vector<1x1x128xf32> to vector<128xf32>
    %swap3A_1424 = vector.shape_cast %div3A_1418 : vector<128xf32> to vector<1x1x128xf32>
    tpu.vector_store %arg8[%swap3A_1419, %swap3A_1420, %swap3A_1421], %swap3A_1424 {strides = array<i32>} : memref<16x1x128xf32, #tpu.memory_space<vmem>>, vector<1x1x128xf32>,
    %get3A_1425 = arith.constant 15 : index
    %get3A_1426 = arith.constant 0 : index
    %get3A_1427 = arith.constant 0 : index
    %get3A_1428 = vector.load %arg1[%get3A_1425, %get3A_1426, %get3A_1427] : memref<16x500x3xf32, #tpu.memory_space<vmem>>, vector<1x500x3xf32>
    %get3A_1429 = vector.shape_cast %get3A_1428 : vector<1x500x3xf32> to vector<500x3xf32>
    %get3A_1430 = arith.constant 15 : index
    %get3A_1431 = arith.constant 0 : index
    %get3A_1432 = arith.constant 0 : index
    %get3A_1433 = vector.load %arg2[%get3A_1430, %get3A_1431, %get3A_1432] : memref<16x3x500xf32, #tpu.memory_space<vmem>>, vector<1x3x500xf32>
    %get3A_1434 = vector.shape_cast %get3A_1433 : vector<1x3x500xf32> to vector<3x500xf32>
    %get3A_1435 = arith.constant 0 : index
    %get3A_1436 = arith.constant 0 : index
    %get3A_1437 = vector.load %arg3[%get3A_1435, %get3A_1436] : memref<3x128xf32, #tpu.memory_space<vmem>>, vector<3x128xf32>
    %get3A_1438 = arith.constant 0 : index
    %get3A_1439 = arith.constant 0 : index
    %get3A_1440 = vector.load %arg4[%get3A_1438, %get3A_1439] : memref<1x128xf32, #tpu.memory_space<vmem>>, vector<1x128xf32>
    %get3A_1441 = arith.constant 0 : index
    %get3A_1442 = arith.constant 0 : index
    %get3A_1443 = vector.load %arg5[%get3A_1441, %get3A_1442] : memref<128x128xf32, #tpu.memory_space<vmem>>, vector<128x128xf32>
    %get3A_1444 = arith.constant 0 : index
    %get3A_1445 = arith.constant 0 : index
    %get3A_1446 = vector.load %arg6[%get3A_1444, %get3A_1445] : memref<1x128xf32, #tpu.memory_space<vmem>>, vector<1x128xf32>
    %slice3A_1447 = vector.extract_strided_slice %get3A_1429 {offsets = [0, 0], sizes = [500, 1], strides = [1, 1]} : vector<500x3xf32> to vector<500x1xf32>
    %slice3A_1448 = vector.extract_strided_slice %get3A_1429 {offsets = [0, 1], sizes = [500, 1], strides = [1, 1]} : vector<500x3xf32> to vector<500x1xf32>
    %slice3A_1449 = vector.extract_strided_slice %get3A_1434 {offsets = [0, 0], sizes = [1, 500], strides = [1, 1]} : vector<3x500xf32> to vector<1x500xf32>
    %slice3A_1450 = vector.extract_strided_slice %get3A_1434 {offsets = [1, 0], sizes = [1, 500], strides = [1, 1]} : vector<3x500xf32> to vector<1x500xf32>
    %sub3A_1451 = vector.broadcast %slice3A_1447 : vector<500x1xf32> to vector<500x500xf32>
    %sub3A_1452 = vector.broadcast %slice3A_1449 : vector<1x500xf32> to vector<500x500xf32>
    %sub3A_1453 = arith.subf %sub3A_1451, %sub3A_1452 : vector<500x500xf32>
    %sub3A_1454 = vector.broadcast %slice3A_1448 : vector<500x1xf32> to vector<500x500xf32>
    %sub3A_1455 = vector.broadcast %slice3A_1450 : vector<1x500xf32> to vector<500x500xf32>
    %sub3A_1456 = arith.subf %sub3A_1454, %sub3A_1455 : vector<500x500xf32>
    %mul3A_1457 = arith.mulf %sub3A_1453, %sub3A_1453 : vector<500x500xf32>
    %mul3A_1458 = arith.mulf %sub3A_1456, %sub3A_1456 : vector<500x500xf32>
    %add3A_1459 = arith.addf %mul3A_1457, %mul3A_1458 : vector<500x500xf32>
    %le3A_1460 = arith.constant 3.025000e-03 : f32
    %le3A_1461 = vector.broadcast %le3A_1460 : f32 to vector<500x500xf32>
    %le3A_1462 = arith.cmpf ole, %add3A_1459, %le3A_1461 : vector<500x500xf32>
    %convert_element_type3A_1463 = arith.extui %le3A_1462 : vector<500x500xi1> to vector<500x500xi32>
    %convert_element_type3A_1464 = arith.sitofp %convert_element_type3A_1463 : vector<500x500xi32> to vector<500x500xf32>
    %convert_element_type3A_1465 = arith.truncf %convert_element_type3A_1464 : vector<500x500xf32> to vector<500x500xbf16>
    %dot_general3A_1466 = arith.constant dense<0.000000e+00> : vector<500x128xf32>
    %dot_general3A_1467 = tpu.matmul %get3A_1429, %get3A_1437, %dot_general3A_1466 {dimension_numbers = #tpu.dot_dimension_numbers<[1], [0], [0], [1], [0, 0, 1, 1], [], []>, transpose_lhs_hint = false} : vector<500x3xf32>, vector<3x128xf32>, vector<500x128xf32> -> vector<500x128xf32>
    %add3A_1468 = vector.broadcast %get3A_1440 : vector<1x128xf32> to vector<500x128xf32>
    %add3A_1469 = arith.addf %dot_general3A_1467, %add3A_1468 : vector<500x128xf32>
    %max3A_1470 = arith.constant 0.000000e+00 : f32
    %max3A_1471 = vector.broadcast %max3A_1470 : f32 to vector<500x128xf32>
    %max3A_1472 = arith.maximumf %add3A_1469, %max3A_1471 : vector<500x128xf32>
    %convert_element_type3A_1473 = arith.truncf %max3A_1472 : vector<500x128xf32> to vector<500x128xbf16>
    %convert_element_type3A_1474 = arith.extf %convert_element_type3A_1473 : vector<500x128xbf16> to vector<500x128xf32>
    %sub3A_1475 = arith.subf %max3A_1472, %convert_element_type3A_1474 : vector<500x128xf32>
    %convert_element_type3A_1476 = arith.truncf %sub3A_1475 : vector<500x128xf32> to vector<500x128xbf16>
    %broadcast_in_dim3A_1477 = arith.constant 0.000000e+00 : bf16
    %broadcast_in_dim3A_1478 = vector.broadcast %broadcast_in_dim3A_1477 : bf16 to vector<500x12xbf16>
    %concatenate3A_1479 = tpu.concatenate %convert_element_type3A_1465, %broadcast_in_dim3A_1478, %convert_element_type3A_1473, %convert_element_type3A_1476 in 1 : vector<500x500xbf16>, vector<500x12xbf16>, vector<500x128xbf16>, vector<500x128xbf16> -> vector<500x768xbf16>
    %dot_general3A_1480 = arith.constant dense<0.000000e+00> : vector<500x768xf32>
    %dot_general3A_1481 = tpu.matmul %convert_element_type3A_1465, %concatenate3A_1479, %dot_general3A_1480 {dimension_numbers = #tpu.dot_dimension_numbers<[1], [0], [0], [1], [0, 0, 1, 1], [], []>, transpose_lhs_hint = false} : vector<500x500xbf16>, vector<500x768xbf16>, vector<500x768xf32> -> vector<500x768xf32>
    %slice3A_1482 = vector.extract_strided_slice %dot_general3A_1481 {offsets = [0, 0], sizes = [500, 500], strides = [1, 1]} : vector<500x768xf32> to vector<500x500xf32>
    %slice3A_1483 = vector.extract_strided_slice %dot_general3A_1481 {offsets = [0, 512], sizes = [500, 128], strides = [1, 1]} : vector<500x768xf32> to vector<500x128xf32>
    %slice3A_1484 = vector.extract_strided_slice %dot_general3A_1481 {offsets = [0, 640], sizes = [500, 128], strides = [1, 1]} : vector<500x768xf32> to vector<500x128xf32>
    %add3A_1485 = arith.addf %slice3A_1483, %slice3A_1484 : vector<500x128xf32>
    %gt3A_1486 = arith.constant 0.000000e+00 : f32
    %gt3A_1487 = vector.broadcast %gt3A_1486 : f32 to vector<500x500xf32>
    %gt3A_1488 = arith.cmpf ogt, %slice3A_1482, %gt3A_1487 : vector<500x500xf32>
    %convert_element_type3A_1489 = arith.extui %gt3A_1488 : vector<500x500xi1> to vector<500x500xi32>
    %convert_element_type3A_1490 = arith.sitofp %convert_element_type3A_1489 : vector<500x500xi32> to vector<500x500xf32>
    %convert_element_type3A_1491 = arith.truncf %convert_element_type3A_1490 : vector<500x500xf32> to vector<500x500xbf16>
    %dot_general3A_1492 = arith.constant dense<0.000000e+00> : vector<500x500xf32>
    %dot_general3A_1493 = tpu.matmul %convert_element_type3A_1491, %convert_element_type3A_1465, %dot_general3A_1492 {dimension_numbers = #tpu.dot_dimension_numbers<[1], [0], [0], [1], [0, 0, 1, 1], [], []>, transpose_lhs_hint = false} : vector<500x500xbf16>, vector<500x500xbf16>, vector<500x500xf32> -> vector<500x500xf32>
    %mul3A_1494 = arith.mulf %convert_element_type3A_1490, %dot_general3A_1493 : vector<500x500xf32>
    %dot_general3A_1495 = arith.constant dense<0.000000e+00> : vector<500x128xf32>
    %dot_general3A_1496 = tpu.matmul %add3A_1485, %get3A_1443, %dot_general3A_1495 {dimension_numbers = #tpu.dot_dimension_numbers<[1], [0], [0], [1], [0, 0, 1, 1], [], []>, transpose_lhs_hint = false} : vector<500x128xf32>, vector<128x128xf32>, vector<500x128xf32> -> vector<500x128xf32>
    %dot_general3A_1497 = arith.constant dense<0.000000e+00> : vector<500x128xf32>
    %dot_general3A_1498 = tpu.matmul %mul3A_1494, %dot_general3A_1496, %dot_general3A_1497 {dimension_numbers = #tpu.dot_dimension_numbers<[1], [0], [0], [1], [0, 0, 1, 1], [], []>, transpose_lhs_hint = false} : vector<500x500xf32>, vector<500x128xf32>, vector<500x128xf32> -> vector<500x128xf32>
    %add3A_1499 = vector.broadcast %get3A_1446 : vector<1x128xf32> to vector<500x128xf32>
    %add3A_1500 = arith.addf %dot_general3A_1498, %add3A_1499 : vector<500x128xf32>
    %max3A_1501 = arith.constant 0.000000e+00 : f32
    %max3A_1502 = vector.broadcast %max3A_1501 : f32 to vector<500x128xf32>
    %max3A_1503 = arith.maximumf %add3A_1500, %max3A_1502 : vector<500x128xf32>
    %swap3A_1504 = arith.constant 15 : index
    %swap3A_1505 = arith.constant 0 : index
    %swap3A_1506 = arith.constant 0 : index
    %swap3A_1507 = vector.load %arg7[%swap3A_1504, %swap3A_1505, %swap3A_1506] : memref<16x500x128xf32, #tpu.memory_space<vmem>>, vector<1x500x128xf32>
    %swap3A_1508 = vector.shape_cast %swap3A_1507 : vector<1x500x128xf32> to vector<500x128xf32>
    %swap3A_1509 = vector.shape_cast %max3A_1503 : vector<500x128xf32> to vector<1x500x128xf32>
    tpu.vector_store %arg7[%swap3A_1504, %swap3A_1505, %swap3A_1506], %swap3A_1509 {strides = array<i32>} : memref<16x500x128xf32, #tpu.memory_space<vmem>>, vector<1x500x128xf32>,
    %reduce_sum3A_1510 = arith.constant dense<0.000000e+00> : vector<128xf32>
    %reduce_sum3A_1511 = vector.multi_reduction <add>, %max3A_1503, %reduce_sum3A_1510 [0] : vector<500x128xf32> to vector<128xf32>
    %div3A_1512 = arith.constant 5.000000e+02 : f32
    %div3A_1513 = vector.broadcast %div3A_1512 : f32 to vector<128xf32>
    %div3A_1514 = arith.divf %reduce_sum3A_1511, %div3A_1513 : vector<128xf32>
    %swap3A_1515 = arith.constant 15 : index
    %swap3A_1516 = arith.constant 0 : index
    %swap3A_1517 = arith.constant 0 : index
    %swap3A_1518 = vector.load %arg8[%swap3A_1515, %swap3A_1516, %swap3A_1517] : memref<16x1x128xf32, #tpu.memory_space<vmem>>, vector<1x1x128xf32>
    %swap3A_1519 = vector.shape_cast %swap3A_1518 : vector<1x1x128xf32> to vector<128xf32>
    %swap3A_1520 = vector.shape_cast %div3A_1514 : vector<128xf32> to vector<1x1x128xf32>
    tpu.vector_store %arg8[%swap3A_1515, %swap3A_1516, %swap3A_1517], %swap3A_1520 {strides = array<i32>} : memref<16x1x128xf32, #tpu.memory_space<vmem>>, vector<1x1x128xf32>,
    return
  }
  func.func @transform_0(%arg0: i32) -> (i32, i32, i32) {
    %c0_i32 = arith.constant 0 : i32
    %c0_i32_0 = arith.constant 0 : i32
    %c0_i32_1 = arith.constant 0 : i32
    return %arg0, %c0_i32, %c0_i32_0 : i32, i32, i32
  }
  func.func @transform_1(%arg0: i32) -> (i32, i32, i32) {
    %c0_i32 = arith.constant 0 : i32
    %c0_i32_0 = arith.constant 0 : i32
    %c0_i32_1 = arith.constant 0 : i32
    return %arg0, %c0_i32, %c0_i32_0 : i32, i32, i32
  }
  func.func @transform_2(%arg0: i32) -> (i32, i32) {
    %c0_i32 = arith.constant 0 : i32
    %c0_i32_0 = arith.constant 0 : i32
    %c0_i32_1 = arith.constant 0 : i32
    return %c0_i32, %c0_i32_0 : i32, i32
  }
  func.func @transform_3(%arg0: i32) -> (i32, i32) {
    %c0_i32 = arith.constant 0 : i32
    %c0_i32_0 = arith.constant 0 : i32
    %c0_i32_1 = arith.constant 0 : i32
    return %c0_i32, %c0_i32_0 : i32, i32
  }
  func.func @transform_4(%arg0: i32) -> (i32, i32) {
    %c0_i32 = arith.constant 0 : i32
    %c0_i32_0 = arith.constant 0 : i32
    %c0_i32_1 = arith.constant 0 : i32
    return %c0_i32, %c0_i32_0 : i32, i32
  }
  func.func @transform_5(%arg0: i32) -> (i32, i32) {
    %c0_i32 = arith.constant 0 : i32
    %c0_i32_0 = arith.constant 0 : i32
    %c0_i32_1 = arith.constant 0 : i32
    return %c0_i32, %c0_i32_0 : i32, i32
  }
  func.func @transform_6(%arg0: i32) -> (i32, i32, i32) {
    %c0_i32 = arith.constant 0 : i32
    %c0_i32_0 = arith.constant 0 : i32
    %c0_i32_1 = arith.constant 0 : i32
    return %arg0, %c0_i32, %c0_i32_0 : i32, i32, i32
  }
  func.func @transform_7(%arg0: i32) -> (i32, i32, i32) {
    %c0_i32 = arith.constant 0 : i32
    %c0_i32_0 = arith.constant 0 : i32
    %c0_i32_1 = arith.constant 0 : i32
    return %arg0, %c0_i32, %c0_i32_0 : i32, i32, i32
  }
}

</mosaic_0001>

<sc_bundles>
// kernel: kernel.4.cloned.1.call-start
scs
__scs_entry_jumppad:
0x0: {  	(pc) =	sbr.rel $0x88, $3  }
0x1: {  	(tag) =	ssettag $0x0;
	lr =	simm.s32 $0x1  }
0x2: {  	[smem:$0x3F9A] =	sst lr;
	_ =	strace $0xD0000000  }
0x3: {  	_ = 	snop  }
0x4: {  	_ = 	snop  }
0x5: {  	_ = 	snop  }
0x6: {  	_ = 	snop  }
0x7: {  	_ = 	snop  }
__scs_overlays_trampoline_lowered:
0x8: {  	[smem:$0x3FA9] =	sst s0  }
0x9: {  	[smem:$0x3FAA] =	sst s1  }
0xa: {  	[smem:$0x3FAB] =	sst s2  }
0xb: {  	[smem:$0x3FAC] =	sst s3  }
0xc: {  	[smem:$0x3FAD] =	sst s4  }
0xd: {  	[smem:$0x3FAE] =	sst s5  }
0xe: {  	[smem:$0x3FAF] =	sst s6  }
0xf: {  	[smem:$0x3FB0] =	sst s7  }
0x10: {  	[smem:$0x3FB1] =	sst s8  }
0x11: {  	[smem:$0x3FB2] =	sst s9;
	s0 =	simm.s32 @!p0 $0x0  }
0x12: {  	s1 =	sld [smem:$0x3F98];
	s0 =	simm.s32 @p0 $0x1  }
0x13: {  	[smem:$0x3FB3] =	sst s0;
	s0 =	simm.s32 @!p1 $0x0  }
0x14: {  	s2 =	sld [smem:$0x3F97];
	s0 =	simm.s32 @p1 $0x1  }
0x15: {  	[smem:$0x3FB4] =	sst s0;
	s0 =	simm.s32 @!p2 $0x0  }
0x16: {  	s3 =	sld [smem:$0x3FDB];
	s0 =	simm.s32 @p2 $0x1  }
0x17: {  	s4 =	simm.s32 $0x1BF5;
	[smem:$0x3FB6] =	sst s0  }
0x18: {  	s0 =	sld [smem:$0x3F99];
	_ =	swait.ge [sflag:s4], $0x0  }
0x19: {  	s7 =	sld [smem:$0x3F9A]  }
0x1a: {  	s8 =	sadd.s32 $0xFFFFE003, lr  }
0x1b: {  	s9 =	sadd.s32 $0xFFFFFEF7, lr;
	s5 =	simm.s32 $0xFFFFFFFF;
	p2 =	slt.u32 s8, $0xFFFFF086  }
0x1c: {  	p1 =	slt.u32 s9, $0xF7A;
	s5 =	simm.s32 @!p2 $0x0  }
0x1d: {  	s5 =	simm.s32 @p1 $0x1;
	p0 =	seq.s32 s7, s2  }
0x1e: {  	s7 =	smul.u32 @!p0 $0xF7A, s2;
	p2 =	seq.s32 @!p0 s5, $0x0  }
0x1f: {  	s9 =	smul.u32 $0xF7A, s1;
	s8 =	simm.s32 @!p0 $0x1BF5;
	p2 =	por !p2, p0  }
0x20: {  	[sflag:s8] =	ssyncset.s32 @!p0 $0xFFFFF086;
	s6 =	sadd.s32 @!p0 s3, s7;
	s7 =	simm.s32 @!p0 $0x108  }
0x21: {  	s3 =	sadd.s32 s3, s9;
	s6 =	sadd.s32 @!p0 $0x88, s6;
	s7 =	simm.s32 @p2 $0x1082  }
0x22: {  	[simem:s7], [sflag:s8] =	dma.local @!p0 [hbm:s6], $0xF7A  }
0x23: {  	s9 =	sor.u32 $0xD0000000, s2;
	s6 =	simm.s32 $0x108;
	_ =	swait.ge @!p0 [sflag:s8], $0x0  }
0x24: {  	s3 =	sadd.s32 $0x88, s3;
	s6 =	simm.s32 @!p1 $0x1082;
	[sflag:s4] =	ssyncset.s32 $0xFFFFF086  }
0x25: {  	[simem:s6], [sflag:s4] =	dma.local [hbm:s3], $0xF7A  }
0x26: {  	[smem:$0x3F9A] =	sst s1;
	(tag) =	ssettag s2;
	_ =	strace s9  }
0x27: {  	s1 =	sld [smem:$0x3FAA]  }
0x28: {  	s2 =	sld [smem:$0x3FAB]  }
0x29: {  	s4 =	sld [smem:$0x3FAD]  }
0x2a: {  	p0 =	seq.s32 s5, $0x0;
	s5 =	sld [smem:$0x3FAE]  }
0x2b: {  	s6 =	sld [smem:$0x3FAF]  }
0x2c: {  	s7 =	sld [smem:$0x3FB0]  }
0x2d: {  	s3 =	simm.s32 $0x108;
	s8 =	sld [smem:$0x3FB1]  }
0x2e: {  	s3 =	simm.s32 @!p0 $0x1082;
	s9 =	sld [smem:$0x3FB2]  }
0x2f: {  	lr =	sadd.s32 s0, s3;
	s0 =	sld [smem:$0x3FA9]  }
0x30: {  	s3 =	sld [smem:$0x3FAC]  }
0x31: {  	[smem:$0x3FB5] =	sst s10  }
0x32: {  	s10 =	sld [smem:$0x3FB3];
	_ =	sdelay $0x3  }
0x33: {  	p0 =	seq.s32 s10, $0x1;
	s10 =	sld [smem:$0x3FB5];
	_ =	sdelay $0x3  }
0x34: {  	[smem:$0x3FB5] =	sst s10  }
0x35: {  	s10 =	sld [smem:$0x3FB4];
	_ =	sdelay $0x3  }
0x36: {  	p1 =	seq.s32 s10, $0x1;
	s10 =	sld [smem:$0x3FB5];
	_ =	sdelay $0x3  }
0x37: {  	[smem:$0x3FB5] =	sst s10  }
0x38: {  	s10 =	sld [smem:$0x3FB6]  }
0x39: {  	_ = 	snop;
	(pc) =	sbr.ind lr, $3  }
0x3a: {  	_ = 	snop  }
0x3b: {  	_ = 	snop  }
0x3c: {  	p2 =	seq.s32 s10, $0x1;
	s10 =	sld [smem:$0x3FB5]  }
0x3d: {  	_ =	shalt  }
0x3e: {  	_ =	shalt  }
0x3f: {  	_ =	shalt  }
0x40: {  	_ =	shalt  }
0x41: {  	_ =	shalt  }
0x42: {  	_ =	shalt  }
0x43: {  	_ =	shalt  }
0x44: {  	_ =	shalt  }
0x45: {  	_ =	shalt  }
0x46: {  	_ =	shalt  }
0x47: {  	_ =	shalt  }
0x48: {  	_ =	shalt  }
0x49: {  	_ =	shalt  }
0x4a: {  	_ =	shalt  }
0x4b: {  	_ =	shalt  }
0x4c: {  	_ =	shalt  }
0x4d: {  	_ =	shalt  }
0x4e: {  	_ =	shalt  }
0x4f: {  	_ =	shalt  }
0x50: {  	_ =	shalt  }
0x51: {  	_ =	shalt  }
0x52: {  	_ =	shalt  }
0x53: {  	_ =	shalt  }
0x54: {  	_ =	shalt  }
0x55: {  	_ =	shalt  }
0x56: {  	_ =	shalt  }
0x57: {  	_ =	shalt  }
0x58: {  	_ =	shalt  }
0x59: {  	_ =	shalt  }
0x5a: {  	_ =	shalt  }
0x5b: {  	_ =	shalt  }
0x5c: {  	_ =	shalt  }
0x5d: {  	_ =	shalt  }
0x5e: {  	_ =	shalt  }
0x5f: {  	_ =	shalt  }
0x60: {  	_ =	shalt  }
0x61: {  	_ =	shalt  }
0x62: {  	_ =	shalt  }
0x63: {  	_ =	shalt  }
0x64: {  	_ =	shalt  }
0x65: {  	_ =	shalt  }
0x66: {  	_ =	shalt  }
0x67: {  	_ =	shalt  }
0x68: {  	_ =	shalt  }
0x69: {  	_ =	shalt  }
0x6a: {  	_ =	shalt  }
0x6b: {  	_ =	shalt  }
0x6c: {  	_ =	shalt  }
0x6d: {  	_ =	shalt  }
0x6e: {  	_ =	shalt  }
0x6f: {  	_ =	shalt  }
0x70: {  	_ =	shalt  }
0x71: {  	_ =	shalt  }
0x72: {  	_ =	shalt  }
0x73: {  	_ =	shalt  }
0x74: {  	_ =	shalt  }
0x75: {  	_ =	shalt  }
0x76: {  	_ =	shalt  }
0x77: {  	_ =	shalt  }
0x78: {  	_ =	shalt  }
0x79: {  	_ =	shalt  }
0x7a: {  	_ =	shalt  }
0x7b: {  	_ =	shalt  }
0x7c: {  	_ =	shalt  }
0x7d: {  	_ =	shalt  }
0x7e: {  	_ =	shalt  }
0x7f: {  	_ =	shalt  }
0x80: {  	_ =	shalt  }
0x81: {  	_ =	shalt  }
0x82: {  	_ =	shalt  }
0x83: {  	_ =	shalt  }
0x84: {  	_ =	shalt  }
0x85: {  	_ =	shalt  }
0x86: {  	_ =	shalt  }
0x87: {  	_ =	shalt  }
.Lfunc_end0:
.L_simem_size_0:
called_computation_lowered:
.L_overlay_start_0:
0x88: {  	s2 =	sld [smem:$0x3FD9]  }
0x89: {  	s3 =	sld [smem:$0x3FFE];
	_ =	sdelay $0x1  }
0x8a: {  	s1 =	srdreg.scid  }
0x8b: {  	s0 =	sand.u32 $0x1, s1  }
0x8c: {  	s14 =	sshll.u32 s0, $0xA;
	s2 =	sadd.s32 s3, s2  }
0x8d: {  	s2 =	sadd.s32 s2, s14  }
0x8e: {  	[smem:$0x3FC1] =	sst s2  }
0x8f: {  	_ = 	snop  }
0x90: {  	s2 =	sld [smem:$0x3FD0];
	_ =	sdelay $0x2  }
0x91: {  	s15 =	simm.s32 $0xA;
	s4 =	simm.s32 $0x10  }
0x92: {  	[smem:s4], [sflag:s15] =	dma.local [hbm:s2], $0x1  }
0x93: {  	_ =	swait.eq [sflag:s15], $0x1  }
0x94: {  	[sflag:s15] =	ssyncset.done $0x0  }
0x95: {  	[sflag:s15] =	ssyncadd.s32 $0xFFFFFFFF  }
0x96: {  	s16 =	sld [smem:$0x11];
	(tm) =	ssettm $0x1  }
0x97: {  	s17 =	sld [smem:$0x3FFB];
	_ =	sdelay $0x3  }
0x98: {  	_ =	strace s17  }
0x99: {  	s3 =	sld [smem:$0x3FFC];
	_ =	sdelay $0x3  }
0x9a: {  	_ =	strace s3  }
0x9b: {  	s3 =	sld [smem:$0x3FFD];
	_ =	sdelay $0x3  }
0x9c: {  	_ =	strace s3  }
0x9d: {  	_ =	strace $0x8FFFFFFF  }
0x9e: {  	s18 =	sld [smem:$0x3FDB];
	_ =	sdelay $0x1  }
0x9f: {  	s19 =	simm.s32 $_scs_section_size  }
0xa0: {  	s5 =	simm.s32 $_size__tile_overlayer_lowered;
	s6 =	simm.s32 $_tile_overlayer_lowered  }
0xa1: {  	s22 =	simm.s32 $0x1BFF;
	s21 =	sshll.u32 s6, $0x1;
	s3 =	sadd.s32 s19, s18  }
0xa2: {  	s7 =	simm.s32 $0x0;
	s20 =	sshll.u32 s5, $0x1;
	s5 =	sadd.s32 s21, s3  }
0xa3: {  	[timem:s7], [sflag:s22] =	dma.local [hbm:s5], s20  }
0xa4: {  	_ =	swait.ge [sflag:s22], s20  }
0xa5: {  	s4 =	ssub.s32 $0x0, s20;
	[sflag:s22] =	ssyncset.done $0x0  }
0xa6: {  	[sflag:s22] =	ssyncadd.s32 s4;
	_ =	sdelay $0x1  }
0xa7: {  	s23 =	simm.s32 $0x1B8B  }
0xa8: {  	_ =	swait.ge [sflag:s23], $0x1  }
0xa9: {  	[sflag:s23] =	ssyncset.done $0x0  }
0xaa: {  	s25 =	simm.s32 $0x1B8E;
	s24 =	sld [smem:$0x3FFE];
	[sflag:s23] =	ssyncadd.s32 $0xFFFFFFFF  }
0xab: {  	s26 =	simm.s32 $execute0_lowered;
	[smem:$0x3FD2] =	sst s25  }
0xac: {  	s5 =	sshll.u32 s26, $0x1;
	_ =	strace $0x80000046;
	[dreg:$0x1] =	wrdreg $0xFFFFFFFF  }
0xad: {  	s28 =	simm.s32 $_size_execute0_lowered;
	s3 =	sadd.s32 s3, s5;
	[dreg:$0x0] =	wrdreg $0x0  }
0xae: {  	s5 =	sshll.u32 s28, $0x1;
	[dreg:$0x2] =	wrdreg s3  }
0xaf: {  	[dreg:$0x3] =	wrdreg s5  }
0xb0: {  	[dreg:$0x4] =	wrdreg $0xC0  }
0xb1: {  	_ =	task [dreg:s7], $0x5FFFF  }
0xb2: {  	[dreg:$0x1] =	wrdreg $0xFFFFFFFF  }
0xb3: {  	[dreg:$0x0] =	wrdreg $0x60  }
0xb4: {  	[dreg:$0x2] =	wrdreg s24  }
0xb5: {  	[dreg:$0x3] =	wrdreg s16  }
0xb6: {  	[dreg:$0x4] =	wrdreg $0x9  }
0xb7: {  	_ =	task.clear_ibuf [dreg:s7], $0x5FFFF;
	_ =	strace $0x90000046  }
0xb8: {  	s29 =	simm.s32 $0x9;
	_ =	strace $0x80000048  }
0xb9: {  	_ =	swait.ge [sflag:s29], $0x1  }
0xba: {  	[sflag:s29] =	ssyncadd.s32 $0xFFFFFFFF  }
0xbb: {  	_ =	strace $0x90000048  }
0xbc: {  	_ =	sfence  }
0xbd: {  	s30 =	sld [smem:$0x0];
	_ =	sdelay $0x2  }
0xbe: {  	s31 =	sshll.u32 s1, $0xD;
	s1 =	sshrl.u32 s1, $0x2  }
0xbf: {  	s3 =	sand.u32 $0x4000, s31;
	s1 =	sadd.s32 s1, s30  }
0xc0: {  	s0 =	sor.u32 s3, s0;
	s1 =	sshll.u32 s1, $0x11  }
0xc1: {  	s0 =	sor.u32 s1, s0  }
0xc2: {  	s0 =	sadd.s32 $0x8F2B, s0  }
0xc3: {  	[sflag:s0] =	ssyncadd.remote.s32 $0x1  }
0xc4: {  	_ =	sfence.sel $0xFFFF  }
0xc5: {  	[dreg:$0x0] =	wrdreg $0xFFFFFFFF;
	(pc) =	sbr.abs _section_cstart, $3  }
0xc6: {  	[dreg:$0x1] =	wrdreg $0xFFFFFFFF  }
0xc7: {  	_ =	task.clear_ibuf [dreg:s7], $0x2FFFF;
	_ =	strace $0x9FFFFFFF  }
0xc8: {  	(tm) =	ssettm $0x7FFFFFFF  }
0xc9: {  	_ =	shalt  }
tec
execute0_lowered:
.L_overlay_start_1:
0x0: {  	(tag) =	ssettag $0x1  }
0x1: {  	s3 =	rddreg [dreg:$0x0]  }
0x2: {  	s5 =	rddreg [dreg:$0x1];
	s2 =	srdreg.scid  }
0x3: {  	s0 =	rddreg [dreg:$0x2];
	s1 =	stileid.u32;
	s4 =	sand.u32 $0x1, s2  }
0x4: {  	s2 =	simm.s32 $0x0;
	s6 =	sshll.u32 s1, $0x2;
	s9 =	sadd.s32 $0x1200, s3  }
0x5: {  	s28 =	sshll.u32 s1, $0x6;
	s7 =	sshll.u32 s4, $0x1;
	[smem:$0x7FF] =	sst s2  }
0x6: {  	s4 =	ssub.s32 $0x2, s4;
	s29 =	sand.u32 $0x380, s28;
	s6 =	sor.u32 s7, s6  }
0x7: {  	_ =	strace $0x80000047;
	s26 =	sshrl.u32 s4, $0x1;
	s8 =	smul.u32 $0x1F80, s6  }
0x8: {  	s7 =	ssub.s32 s4, s26;
	s30 =	sor.u32 $0x1, s6;
	s6 =	sshll.u32 s6, $0x4  }
0x9: {  	s10 =	smul.u32 $0x1F80, s30;
	s11 =	sshll.u32 s30, $0x4;
	s4 =	sadd.s32 s5, s6  }
0xa: {  	s3 =	sadd.s32 s9, s8;
	s31 =	sand.u32 $0x70, s11;
	s8 =	sadd.s32 s5, s29  }
0xb: {  	s7 =	smax.u32 s7, $0x1;
	s5 =	sadd.s32 s9, s10;
	s6 =	sadd.s32 s31, s8  }
0xc: {  	s8 =	simm.s32 $0x1;
	s9 =	simm.s32 $0xFC00;
	s10 =	simm.s32 $0x0  }
.LBB2_1:
0xd: {  	[tilespmem:s2], [sflag:$0x1] =	stream.linear.gather [hbm4b:s3+s2], $0xFA00, $0x38;
	[tilespmem:$0xFC80] =	vst v63  }
0xe: {  	_ =	swait.ge [sflag:s8], $0xFA00  }
0xf: {  	[sflag:s8] =	ssyncset.done $0x0  }
0x10: {  	v3 =	vimm.f32 $0.0e+00;
	[sflag:s8] =	ssyncadd.s32 $0xFFFF0600  }
0x11: {  	[tilespmem:$0xFC00] =	vst v3  }
0x12: {  	[tilespmem:$0xFC10] =	vst v3  }
0x13: {  	[tilespmem:$0xFC20] =	vst v3  }
0x14: {  	[tilespmem:$0xFC30] =	vst v3  }
0x15: {  	[tilespmem:$0xFC40] =	vst v3  }
0x16: {  	v7 =	vimm.f32 $0.0e+00;
	[tilespmem:$0xFC50] =	vst v3  }
0x17: {  	v6 =	vimm.f32 $0.0e+00;
	v5 =	vimm.f32 $0.0e+00;
	v2 =	vimm.f32 $0.0e+00;
	[tilespmem:$0xFC60] =	vst v3  }
0x18: {  	s11 =	simm.s32 $0x0;
	s12 =	simm.s32 $0x200;
	v4 =	vimm.f32 $0.0e+00;
	v1 =	vimm.f32 $0.0e+00;
	v0 =	vimm.f32 $0.0e+00;
	[tilespmem:$0xFC70] =	vst v3  }
.LBB2_2:
0x19: {  	p0 =	sne.s32 s12, $0x3E600;
	v8 =	vld [tilespmem:s11+$0x0];
	_ =	sdelay $0x4  }
0x1a: {  	v3 =	vadd.f32 v8, v3;
	_ =	sdelay $0x1  }
0x1b: {  	[tilespmem:$0xFC00] =	vst v3  }
0x1c: {  	v8 =	vld [tilespmem:s11+$0x10];
	_ =	sdelay $0x4  }
0x1d: {  	v7 =	vadd.f32 v8, v7;
	_ =	sdelay $0x1  }
0x1e: {  	[tilespmem:$0xFC10] =	vst v7  }
0x1f: {  	v8 =	vld [tilespmem:s11+$0x20];
	_ =	sdelay $0x4  }
0x20: {  	v6 =	vadd.f32 v8, v6;
	_ =	sdelay $0x1  }
0x21: {  	[tilespmem:$0xFC20] =	vst v6  }
0x22: {  	v8 =	vld [tilespmem:s11+$0x30];
	_ =	sdelay $0x4  }
0x23: {  	v5 =	vadd.f32 v8, v5;
	_ =	sdelay $0x1  }
0x24: {  	[tilespmem:$0xFC30] =	vst v5  }
0x25: {  	v8 =	vld [tilespmem:s11+$0x40];
	_ =	sdelay $0x4  }
0x26: {  	v2 =	vadd.f32 v8, v2;
	_ =	sdelay $0x1  }
0x27: {  	[tilespmem:$0xFC40] =	vst v2  }
0x28: {  	v8 =	vld [tilespmem:s11+$0x50];
	_ =	sdelay $0x4  }
0x29: {  	v4 =	vadd.f32 v8, v4;
	_ =	sdelay $0x1  }
0x2a: {  	[tilespmem:$0xFC50] =	vst v4  }
0x2b: {  	v8 =	vld [tilespmem:s11+$0x60];
	_ =	sdelay $0x4  }
0x2c: {  	v1 =	vadd.f32 v8, v1;
	_ =	sdelay $0x1  }
0x2d: {  	[tilespmem:$0xFC60] =	vst v1  }
0x2e: {  	v8 =	vld [tilespmem:s11+$0x70];
	_ =	sdelay $0x2  }
.Ltmp0:
0x2f: {  	(pc) =	sbr.rel @p0 .LBB2_2-.Ltmp0, $3  }
0x30: {  	_ = 	snop  }
0x31: {  	v0 =	vadd.f32 v8, v0;
	_ =	sdelay $0x1  }
0x32: {  	s11 =	sshra.s32 s12, $0x2;
	s12 =	sadd.s32 $0x200, s12;
	[tilespmem:$0xFC70] =	vst v0  }
0x33: {  	v8 =	vld [tilespmem:s11+$0x0];
	_ =	sdelay $0x4  }
0x34: {  	v3 =	vadd.f32 v8, v3;
	_ =	sdelay $0x1  }
0x35: {  	[tilespmem:$0xFC00] =	vst v3  }
0x36: {  	v8 =	vld [tilespmem:s11+$0x10];
	_ =	sdelay $0x4  }
0x37: {  	v7 =	vadd.f32 v8, v7;
	_ =	sdelay $0x1  }
0x38: {  	[tilespmem:$0xFC10] =	vst v7  }
0x39: {  	v8 =	vld [tilespmem:s11+$0x20];
	_ =	sdelay $0x4  }
0x3a: {  	v6 =	vadd.f32 v8, v6;
	_ =	sdelay $0x1  }
0x3b: {  	[tilespmem:$0xFC20] =	vst v6  }
0x3c: {  	v8 =	vld [tilespmem:s11+$0x30];
	_ =	sdelay $0x4  }
0x3d: {  	v5 =	vadd.f32 v8, v5;
	_ =	sdelay $0x1  }
0x3e: {  	[tilespmem:$0xFC30] =	vst v5  }
0x3f: {  	v8 =	vld [tilespmem:s11+$0x40];
	_ =	sdelay $0x4  }
0x40: {  	v2 =	vadd.f32 v8, v2;
	_ =	sdelay $0x1  }
0x41: {  	[tilespmem:$0xFC40] =	vst v2  }
0x42: {  	v8 =	vld [tilespmem:s11+$0x50];
	_ =	sdelay $0x4  }
0x43: {  	v4 =	vadd.f32 v8, v4;
	_ =	sdelay $0x1  }
0x44: {  	[tilespmem:$0xFC50] =	vst v4  }
0x45: {  	v8 =	vld [tilespmem:s11+$0x60];
	_ =	sdelay $0x4  }
0x46: {  	v1 =	vadd.f32 v8, v1;
	_ =	sdelay $0x1  }
0x47: {  	v3 =	vmul.f32 $2.000000090e-03, v3;
	[tilespmem:$0xFC60] =	vst v1  }
0x48: {  	v7 =	vmul.f32 $2.000000090e-03, v7;
	v8 =	vld [tilespmem:s11+$0x70]  }
0x49: {  	v5 =	vmul.f32 $2.000000090e-03, v5;
	[tilespmem:$0xFC00] =	vst v3  }
0x4a: {  	v2 =	vmul.f32 $2.000000090e-03, v2;
	[tilespmem:$0xFC10] =	vst v7  }
0x4b: {  	v1 =	vmul.f32 $2.000000090e-03, v1;
	[tilespmem:$0xFC30] =	vst v5  }
0x4c: {  	v3 =	vmul.f32 $2.000000090e-03, v6;
	[tilespmem:$0xFC40] =	vst v2  }
0x4d: {  	[tilespmem:$0xFC60] =	vst v1;
	v0 =	vadd.f32 v8, v0  }
0x4e: {  	[tilespmem:$0xFC20] =	vst v3;
	v3 =	vmul.f32 $2.000000090e-03, v4  }
0x4f: {  	[tilespmem:$0xFC70] =	vst v0;
	v0 =	vmul.f32 $2.000000090e-03, v0  }
0x50: {  	[tilespmem:$0xFC50] =	vst v3  }
0x51: {  	s31 =	simm.s32 $0x0;
	[tilespmem:$0xFC70] =	vst v0  }
0x52: {  	[hbm4b:s4+s31] =	stream.linear.scatter [tilespmem:s9], [sflag:$0x1], $0x80, $0x38;
	[tilespmem:$0xFC80] =	vst v63  }
0x53: {  	_ =	swait.ge [sflag:s8], $0x80  }
0x54: {  	[sflag:s8] =	ssyncset.done $0x0  }
0x55: {  	[sflag:s8] =	ssyncadd.s32 $0xFFFFFF80  }
0x56: {  	[tilespmem:s31], [sflag:$0x1] =	stream.linear.gather [hbm4b:s5+s31], $0xFA00, $0x38;
	[tilespmem:$0xFC80] =	vst v63  }
0x57: {  	_ =	swait.ge [sflag:s8], $0xFA00  }
0x58: {  	[sflag:s8] =	ssyncset.done $0x0  }
0x59: {  	v3 =	vimm.f32 $0.0e+00;
	[sflag:s8] =	ssyncadd.s32 $0xFFFF0600  }
0x5a: {  	[tilespmem:$0xFC00] =	vst v3  }
0x5b: {  	[tilespmem:$0xFC10] =	vst v3  }
0x5c: {  	[tilespmem:$0xFC20] =	vst v3  }
0x5d: {  	[tilespmem:$0xFC30] =	vst v3  }
0x5e: {  	[tilespmem:$0xFC40] =	vst v3  }
0x5f: {  	v7 =	vimm.f32 $0.0e+00;
	[tilespmem:$0xFC50] =	vst v3  }
0x60: {  	v6 =	vimm.f32 $0.0e+00;
	v5 =	vimm.f32 $0.0e+00;
	v2 =	vimm.f32 $0.0e+00;
	[tilespmem:$0xFC60] =	vst v3  }
0x61: {  	s12 =	simm.s32 $0x200;
	s11 =	simm.s32 $0x0;
	v1 =	vimm.f32 $0.0e+00;
	v4 =	vimm.f32 $0.0e+00;
	v0 =	vimm.f32 $0.0e+00;
	[tilespmem:$0xFC70] =	vst v3  }
.LBB2_4:
0x62: {  	p0 =	sne.s32 s12, $0x3E600;
	v8 =	vld [tilespmem:s11+$0x0];
	_ =	sdelay $0x4  }
0x63: {  	v3 =	vadd.f32 v8, v3;
	_ =	sdelay $0x1  }
0x64: {  	[tilespmem:$0xFC00] =	vst v3  }
0x65: {  	v8 =	vld [tilespmem:s11+$0x10];
	_ =	sdelay $0x4  }
0x66: {  	v7 =	vadd.f32 v8, v7;
	_ =	sdelay $0x1  }
0x67: {  	[tilespmem:$0xFC10] =	vst v7  }
0x68: {  	v8 =	vld [tilespmem:s11+$0x20];
	_ =	sdelay $0x4  }
0x69: {  	v6 =	vadd.f32 v8, v6;
	_ =	sdelay $0x1  }
0x6a: {  	[tilespmem:$0xFC20] =	vst v6  }
0x6b: {  	v8 =	vld [tilespmem:s11+$0x30];
	_ =	sdelay $0x4  }
0x6c: {  	v5 =	vadd.f32 v8, v5;
	_ =	sdelay $0x1  }
0x6d: {  	[tilespmem:$0xFC30] =	vst v5  }
0x6e: {  	v8 =	vld [tilespmem:s11+$0x40];
	_ =	sdelay $0x4  }
0x6f: {  	v2 =	vadd.f32 v8, v2;
	_ =	sdelay $0x1  }
0x70: {  	[tilespmem:$0xFC40] =	vst v2  }
0x71: {  	v8 =	vld [tilespmem:s11+$0x50];
	_ =	sdelay $0x4  }
0x72: {  	v4 =	vadd.f32 v8, v4;
	_ =	sdelay $0x1  }
0x73: {  	[tilespmem:$0xFC50] =	vst v4  }
0x74: {  	v8 =	vld [tilespmem:s11+$0x60];
	_ =	sdelay $0x4  }
0x75: {  	v1 =	vadd.f32 v8, v1;
	_ =	sdelay $0x1  }
0x76: {  	[tilespmem:$0xFC60] =	vst v1  }
0x77: {  	v8 =	vld [tilespmem:s11+$0x70];
	_ =	sdelay $0x2  }
.Ltmp1:
0x78: {  	(pc) =	sbr.rel @p0 .LBB2_4-.Ltmp1, $3  }
0x79: {  	_ = 	snop  }
0x7a: {  	v0 =	vadd.f32 v8, v0;
	_ =	sdelay $0x1  }
0x7b: {  	s11 =	sshra.s32 s12, $0x2;
	s12 =	sadd.s32 $0x200, s12;
	[tilespmem:$0xFC70] =	vst v0  }
0x7c: {  	v8 =	vld [tilespmem:s11+$0x0];
	_ =	sdelay $0x4  }
0x7d: {  	v3 =	vadd.f32 v8, v3;
	_ =	sdelay $0x1  }
0x7e: {  	[tilespmem:$0xFC00] =	vst v3  }
0x7f: {  	v55 =	vld [tilespmem:s11+$0x10];
	_ =	sdelay $0x4  }
0x80: {  	v7 =	vadd.f32 v55, v7;
	_ =	sdelay $0x1  }
0x81: {  	[tilespmem:$0xFC10] =	vst v7  }
0x82: {  	v56 =	vld [tilespmem:s11+$0x20];
	_ =	sdelay $0x4  }
0x83: {  	v6 =	vadd.f32 v56, v6;
	_ =	sdelay $0x1  }
0x84: {  	[tilespmem:$0xFC20] =	vst v6  }
0x85: {  	v57 =	vld [tilespmem:s11+$0x30];
	_ =	sdelay $0x4  }
0x86: {  	v5 =	vadd.f32 v57, v5;
	_ =	sdelay $0x1  }
0x87: {  	[tilespmem:$0xFC30] =	vst v5  }
0x88: {  	v58 =	vld [tilespmem:s11+$0x40];
	_ =	sdelay $0x4  }
0x89: {  	v2 =	vadd.f32 v58, v2;
	_ =	sdelay $0x1  }
0x8a: {  	[tilespmem:$0xFC40] =	vst v2  }
0x8b: {  	v59 =	vld [tilespmem:s11+$0x50];
	_ =	sdelay $0x4  }
0x8c: {  	v4 =	vadd.f32 v59, v4;
	_ =	sdelay $0x1  }
0x8d: {  	[tilespmem:$0xFC50] =	vst v4  }
0x8e: {  	v60 =	vld [tilespmem:s11+$0x60];
	_ =	sdelay $0x4  }
0x8f: {  	v1 =	vadd.f32 v60, v1;
	_ =	sdelay $0x1  }
0x90: {  	v3 =	vmul.f32 $2.000000090e-03, v3;
	[tilespmem:$0xFC60] =	vst v1  }
0x91: {  	v7 =	vmul.f32 $2.000000090e-03, v7;
	v61 =	vld [tilespmem:s11+$0x70]  }
0x92: {  	v62 =	vmul.f32 $2.000000090e-03, v6;
	[tilespmem:$0xFC00] =	vst v3  }
0x93: {  	v5 =	vmul.f32 $2.000000090e-03, v5;
	[tilespmem:$0xFC10] =	vst v7  }
0x94: {  	v2 =	vmul.f32 $2.000000090e-03, v2;
	[tilespmem:$0xFC20] =	vst v62  }
0x95: {  	v63 =	vmul.f32 $2.000000090e-03, v4;
	[tilespmem:$0xFC30] =	vst v5  }
0x96: {  	[tilespmem:$0xFC40] =	vst v2;
	v0 =	vadd.f32 v61, v0  }
0x97: {  	v1 =	vmul.f32 $2.000000090e-03, v1;
	[tilespmem:$0xFC50] =	vst v63  }
0x98: {  	s10 =	sadd.s32 $0x1, s10;
	[tilespmem:$0xFC70] =	vst v0;
	v0 =	vmul.f32 $2.000000090e-03, v0  }
0x99: {  	p0 =	sne.s32 s10, s7;
	[tilespmem:$0xFC60] =	vst v1  }
.Ltmp2:
0x9a: {  	[tilespmem:$0xFC70] =	vst v0;
	(pc) =	sbr.rel @p0 .LBB2_1-.Ltmp2, $4  }
0x9b: {  	[hbm4b:s6+s2] =	stream.linear.scatter [tilespmem:s9], [sflag:$0x1], $0x80, $0x38;
	[tilespmem:$0xFC80] =	vst v63  }
0x9c: {  	_ =	swait.ge [sflag:s8], $0x80  }
0x9d: {  	[sflag:s8] =	ssyncset.done $0x0  }
0x9e: {  	[sflag:s8] =	ssyncadd.s32 $0xFFFFFF80  }
0x9f: {  	_ =	sfence.sel $0x180000  }
0xa0: {  	[bflag:$0x0] =	sbarrier.arrive $0xFFFF  }
0xa1: {  	p0 =	sne.s32 s1, $0x0;
	_ =	strace $0x90000047  }
0xa2: {  	s0 =	sadd.s32 @!p0 $0x100000, s0;
	[bflag:$0x2] =	sbarrier.arrive $0xFFFF  }
0xa3: {  	[sflag:s0] =	ssyncadd.tile.s32 @!p0 $0x1;
	_ =	shalt  }
.Lfunc_end2:
_tile_overlayer_lowered:
.L_overlay_start_2:
0xa4: {  	(tag) =	ssettag $0x2  }
0xa5: {  	s0 =	rddreg [dreg:$0x0];
	s2 =	stileid.u32  }
0xa6: {  	s1 =	rddreg [dreg:$0x1];
	p0 =	sne.s32 s2, $0x0  }
0xa7: {  	s3 =	rddreg [dreg:$0x2];
	[bflag:$0x3] =	sbarrier.arrive $0xFFFF;
	s2 =	simm.s32 @!p0 $0x1C01  }
0xa8: {  	[timem:s3], [sflag:s2] =	dma.local @!p0 [hbm:s0], s1  }
0xa9: {  	s0 =	simm.s32 @!p0 $0x1  }
0xaa: {  	_ =	swait.ge @!p0 [sflag:s0], s1  }
0xab: {  	s1 =	ssub.s32 @!p0 $0x0, s1;
	[sflag:s0] =	ssyncset.done @!p0 $0x0  }
0xac: {  	[sflag:s0] =	ssyncadd.s32 @!p0 s1  }
0xad: {  	[bflag:$0x3] =	sbarrier.arrive $0xFFFF  }
0xae: {  	_ =	shalt  }

</sc_bundles>
